<compile_context>
chip_gen: v7x
topology: tpu7x:2x2x1
jax: 0.10.2.dev20260603
libtpu: 0.0.44.dev20260713+nightly
codegen_flags: <defaults>
</compile_context>

<pallas_src>
import functools

import jax
import jax.numpy as jnp
from jax import lax
from jax.experimental import pallas as pl
from jax.experimental.pallas import tpu as pltpu
from jax.experimental.pallas import tpu_sc as plsc

_B = 8
_L = 63 * 63
_CBIG = 0.949
_TLO = 0.8999
_FBIG = _CBIG / (1.0 - _CBIG) * 1e-12
_FMID = _TLO / (1.0 - _TLO) * 1e-12


def _sigmoid(z):
    t = jnp.clip(-z, -87.0, 88.0)
    magic = jnp.float32(12582912.0)
    nf = t * jnp.float32(1.4426950408889634) + magic
    n = nf - magic
    ni = n.astype(jnp.int32)
    r = (t - n * jnp.float32(0.693359375)) - n * jnp.float32(-2.12194440e-4)
    p = jnp.float32(1.0 / 720.0)
    for c in (1.0 / 120.0, 1.0 / 24.0, 1.0 / 6.0, 0.5, 1.0, 1.0):
        p = p * r + jnp.float32(c)
    scale = lax.bitcast_convert_type((ni + 127) << 23, jnp.float32)
    d = 1.0 + p * scale
    y = 1.0 / d
    y = y * (2.0 - d * y)
    y = y * (2.0 - d * y)
    return y


def _sc_graph_mean(xflat, wpack):
    mesh = plsc.VectorSubcoreMesh(core_axis_name="c", subcore_axis_name="s")

    @functools.partial(
        pl.kernel,
        out_type=jax.ShapeDtypeStruct((_B, 16), jnp.float32),
        mesh=mesh,
        compiler_params=pltpu.CompilerParams(needs_layout_passes=False),
        scratch_types=[
            pltpu.VMEM((1088,), jnp.float32),
            pltpu.VMEM((80,), jnp.float32),
            pltpu.VMEM((16,), jnp.float32),
            pltpu.VMEM((64,), jnp.float32),
            pltpu.VMEM((4096,), jnp.float32),
            pltpu.VMEM((4096,), jnp.float32),
            pltpu.VMEM((4096,), jnp.float32),
            pltpu.VMEM_SHARED((256,), jnp.float32),
        ],
    )
    def k(x_hbm, w_hbm, out_hbm, x_v, w_v, o_v, p4, x_full, f_full, nz_st,
          shp):
        cid = lax.axis_index("c")
        sid = lax.axis_index("s")
        il = sid // 4
        g = sid % 4
        img = cid * 4 + il
        off = img * 4096 + g * 1024

        @pl.when(g == 3)
        def _():
            pltpu.sync_copy(x_hbm.at[pl.ds(off, 1024)],
                            x_v.at[pl.ds(0, 1024)])

        @pl.when(g != 3)
        def _():
            pltpu.sync_copy(x_hbm.at[pl.ds(off, 1088)], x_v)

        pltpu.sync_copy(w_hbm, w_v)
        iota = lax.iota(jnp.int32, 16)
        w0 = w_v[pl.ds(0, 16)]
        w1 = w_v[pl.ds(16, 16)]
        w2 = w_v[pl.ds(32, 16)]
        w3 = w_v[pl.ds(48, 16)]
        bb = w_v[pl.ds(64, 16)]
        last_group = g == 3

        def row_body(r, carry):
            s_f, s_b, n_b, n_m = carry
            base = r * 64
            row_ok = jnp.logical_or(jnp.logical_not(last_group), r < 15)
            for kk in range(4):
                jcol = iota + (kk * 16)
                p0 = base + kk * 16
                a = x_v[pl.ds(p0, 16)]
                c = x_v[pl.ds(p0 + 64, 16)]
                bq = plsc.load_gather(x_v, [jcol + (base + 1)])
                dq = plsc.load_gather(
                    x_v, [jnp.minimum(jcol + (base + 65), 1087)])
                z = a * w0 + bq * w1 + c * w2 + dq * w3 + bb
                f = _sigmoid(z)
                f = jnp.where((jcol < 63) & row_ok, f, 0.0)
                is_b = f >= _FBIG
                is_m = (f >= _FMID) & (f < _FBIG)
                s_f = s_f + f
                s_b = s_b + jnp.where(is_b, f, 0.0)
                n_b = n_b + jnp.where(is_b, 1.0, 0.0)
                n_m = n_m + jnp.where(is_m, 1.0, 0.0)
            return (s_f, s_b, n_b, n_m)

        zv = jnp.zeros((16,), jnp.float32)
        s_f, s_b, n_b, n_m = lax.fori_loop(0, 16, row_body, (zv, zv, zv, zv))
        part = jnp.where(iota == 0, jnp.sum(s_f),
                         jnp.where(iota == 1, jnp.sum(s_b),
                                   jnp.where(iota == 2, jnp.sum(n_b),
                                             jnp.where(iota == 3,
                                                       jnp.sum(n_m), 0.0))))
        o_v[...] = part
        pltpu.sync_copy(o_v, shp.at[pl.ds(sid * 16, 16)])
        plsc.subcore_barrier()

        @pl.when(g == 3)
        def _():
            for kq in range(4):
                pltpu.sync_copy(shp.at[pl.ds((sid - 3 + kq) * 16, 16)],
                                p4.at[pl.ds(kq * 16, 16)])
            vsum = (p4[pl.ds(0, 16)] + p4[pl.ds(16, 16)]
                    + p4[pl.ds(32, 16)] + p4[pl.ds(48, 16)])

            def lane(v, i):
                return jnp.reshape(lax.slice(v, (i,), (i + 1,)), ())

            tot = lane(vsum, 0)
            tot_b = lane(vsum, 1)
            nb = lane(vsum, 2)
            nm = lane(vsum, 3)
            inv_l = jnp.float32(1.0 / _L)

            def fast_fn(_):
                return jnp.where(nb >= 2.0, (tot + tot_b) * inv_l,
                                 tot * inv_l)

            def exact_fn(_):
                nch = 252
                t9 = jnp.float32(0.9)
                pltpu.sync_copy(x_hbm.at[pl.ds(img * 4096, 4096)], x_full)

                def fb_row(r, cc):
                    fbase = r * 64
                    rok = r < 63
                    for kk in range(4):
                        jc = iota + (kk * 16)
                        fa = fbase + kk * 16
                        ja = jnp.minimum(jc + fa, 4095)
                        jb = jnp.minimum(jc + (fa + 1), 4095)
                        jd = jnp.minimum(jc + (fa + 64), 4095)
                        je = jnp.minimum(jc + (fa + 65), 4095)
                        va = plsc.load_gather(x_full, [ja])
                        vb = plsc.load_gather(x_full, [jb])
                        vc = plsc.load_gather(x_full, [jd])
                        vd = plsc.load_gather(x_full, [je])
                        zz = va * w0 + vb * w1 + vc * w2 + vd * w3 + bb
                        ff = _sigmoid(zz)
                        ff = jnp.where((jc < 63) & rok, ff, 0.0)
                        f_full[pl.ds(fa, 16)] = ff
                    return cc

                lax.fori_loop(0, 64, fb_row, 0)

                def nz_body(ch, cc):
                    fc = f_full[pl.ds(ch * 16, 16)]
                    dd = fc + 1e-12
                    y = 1.0 / dd
                    y = y * (2.0 - dd * y)
                    y = y * (2.0 - dd * y)
                    nz_st[pl.ds(ch * 16, 16)] = fc * y
                    return cc

                lax.fori_loop(0, nch, nz_body, 0)

                def i_body(ich, tvec):
                    fv = f_full[pl.ds(ich * 16, 16)]
                    nv = nz_st[pl.ds(ich * 16, 16)]
                    deg_v = jnp.zeros((16,), jnp.float32)
                    agg_v = jnp.zeros((16,), jnp.float32)
                    for l in range(16):
                        nz_i = lane(nv, l)
                        f_i = lane(fv, l)
                        spl = jnp.full((16,), nz_i, jnp.float32)

                        def j_body(jch, c):
                            cnt, s = c
                            nzj = nz_st[pl.ds(jch * 16, 16)]
                            fj = f_full[pl.ds(jch * 16, 16)]
                            e = (spl * nzj) >= t9
                            return (cnt + jnp.where(e, 1.0, 0.0),
                                    s + jnp.where(e, fj, 0.0))

                        zz = jnp.zeros((16,), jnp.float32)
                        cnt, s = lax.fori_loop(0, nch, j_body, (zz, zz))
                        se = jnp.where(nz_i * nz_i >= t9, 1.0, 0.0)
                        deg = jnp.sum(cnt) - se
                        agg = jnp.sum(s) - se * f_i
                        deg_v = jnp.where(iota == l, deg, deg_v)
                        agg_v = jnp.where(iota == l, agg, agg_v)
                    dd = jnp.where(deg_v > 0, deg_v, 1.0)
                    y = 1.0 / dd
                    y = y * (2.0 - dd * y)
                    y = y * (2.0 - dd * y)
                    contrib = fv + jnp.where(deg_v > 0, agg_v * y, 0.0)
                    return tvec + contrib

                tvec = lax.fori_loop(0, nch, i_body,
                                     jnp.zeros((16,), jnp.float32))
                return jnp.sum(tvec) * inv_l

            res = lax.cond(nm > 0, exact_fn, fast_fn, 0)
            o_v[...] = jnp.where(iota == 0, res,
                                 jnp.where(iota == 1, nm, 0.0))
            pltpu.sync_copy(o_v, out_hbm.at[img])

    return k(xflat, wpack)


def kernel(x, W, b):
    xflat = x.reshape(-1)
    wpack = jnp.repeat(
        jnp.concatenate([W.reshape(-1), b.reshape(-1)]).astype(jnp.float32), 16
    )
    stats = _sc_graph_mean(xflat, wpack)
    return stats[:, :1]

# --- scband reference (transcript-rebuilt; emitter-appended) ---
"""Pipeline reference for scband-conv-graph-qnn-65481071402317 (READ-ONLY COPY).

The authoritative reference and input builder live on the scoring server;
editing this copy changes nothing except your own understanding.
"""

import jax, jax.numpy as jnp
import numpy as np

KERNEL_SIZE = 2
CONV_THRESHOLD = 0.0
GRAPH_THRESHOLD = 0.9
SECONDARY_THRESHOLD = None
SECONDARY_WEIGHT = 0.5


def setup_inputs(seed: int = 0) -> dict:
    key = jax.random.key(seed)
    k1, k2, k3 = jax.random.split(key, 3)
    x = jax.random.normal(k1, (8, 1, 64, 64), dtype=jnp.float32)
    fan_in = KERNEL_SIZE * KERNEL_SIZE
    bound = 1.0 / np.sqrt(fan_in)
    W = jax.random.uniform(k2, (1, fan_in), minval=-bound, maxval=bound, dtype=jnp.float32)
    b = jax.random.uniform(k3, (1,), minval=-bound, maxval=bound, dtype=jnp.float32)
    return {"x": x, "W": W, "b": b}


def _unfold(x, k):
    B, C, H, Wd = x.shape
    Ho, Wo = H - k + 1, Wd - k + 1
    # torch F.unfold ordering: (c, ki, kj) flattened along channel dim
    patches = jnp.stack(
        [x[:, c, di:di + Ho, dj:dj + Wo] for c in range(C) for di in range(k) for dj in range(k)],
        axis=-1,
    )
    return patches.reshape(B, Ho * Wo, C * k * k)


def _forward(x, W, b):
    # _patch_features
    patches = _unfold(x, KERNEL_SIZE)              # [B, L, k*k]
    logits = patches @ W.T + b                     # [B, L, 1]
    acts = jax.nn.sigmoid(logits[..., 0] - CONV_THRESHOLD)  # [B, L]
    feats = acts[..., None]                        # [B, L, 1]

    def per_image(f):
        # _build_fidelity_graph: cosine similarity + threshold adjacency
        norms = jnp.linalg.norm(f, axis=1, keepdims=True) + 1e-12
        nz = f / norms
        sim = nz @ nz.T                            # [L, L]
        L = f.shape[0]
        eye = jnp.eye(L, dtype=f.dtype)
        adj = jnp.where(sim >= GRAPH_THRESHOLD, jnp.float32(1.0), jnp.float32(0.0))
        if SECONDARY_THRESHOLD is not None:
            adj = jnp.where((sim >= SECONDARY_THRESHOLD) & (sim < GRAPH_THRESHOLD),
                            jnp.float32(SECONDARY_WEIGHT), adj)
        adj = adj * (1.0 - eye)                    # no self-edges
        # _graph_propagate: weighted neighbor aggregation
        deg = adj.sum(axis=1)                      # [L]
        agg = adj @ f                              # [L, 1]
        denom = jnp.where(deg > 0, deg, jnp.float32(1.0))
        out = f + jnp.where(deg[:, None] > 0, agg / denom[:, None], jnp.float32(0.0))
        return out.mean(axis=0)                    # [1]

    # sequential over batch (mirrors python loop, bounds peak memory)
    return jax.lax.map(per_image, feats)           # [B, 1]


def reference(x, W, b):
    return _forward(x, W, b)

if __name__ == "__main__":
    import jax
    _d = setup_inputs()
    print(jax.jit(kernel)(*tuple(_d.values())))

</pallas_src>

<mosaic_0001>
#map = affine_map<(d0, d1) -> (0)>
#map1 = affine_map<(d0, d1) -> (0, 0)>
module attributes {stable_mosaic.version = 14 : i64} {
  func.func @k(%arg0: i32, %arg1: i32, %arg2: memref<32768xf32, #tpu.memory_space<hbm>>, %arg3: memref<80xf32, #tpu.memory_space<hbm>>, %arg4: memref<8x16xf32, #tpu.memory_space<hbm>>, %arg5: memref<1088xf32, #tpu.memory_space<vmem>>, %arg6: memref<80xf32, #tpu.memory_space<vmem>>, %arg7: memref<16xf32, #tpu.memory_space<vmem>>, %arg8: memref<64xf32, #tpu.memory_space<vmem>>, %arg9: memref<4096xf32, #tpu.memory_space<vmem>>, %arg10: memref<4096xf32, #tpu.memory_space<vmem>>, %arg11: memref<4096xf32, #tpu.memory_space<vmem>>, %arg12: memref<256xf32, #tpu.memory_space<vmem_shared>>) attributes {dimension_semantics = [#tpu.dimension_semantics<core_parallel>, #tpu.dimension_semantics<subcore_parallel>], iteration_bounds = array<i64: 2, 16>, scalar_prefetch = 0 : i64, scratch_operands = 8 : i64, tpu.core_type = #tpu.core_type<sc_vector_subcore>, window_params = [{transform_indices = #map}, {transform_indices = #map}, {transform_indices = #map1}]} {
    %jit3A = arith.constant 4 : i32
    %div3A = arith.divsi %arg1, %jit3A : i32
    %sign3A = arith.constant 0 : i32
    %sign3A_0 = arith.cmpi sgt, %arg1, %sign3A : i32
    %sign3A_1 = arith.extui %sign3A_0 : i1 to i32
    %sign3A_2 = arith.constant 0 : i32
    %sign3A_3 = arith.cmpi slt, %arg1, %sign3A_2 : i32
    %sign3A_4 = arith.extui %sign3A_3 : i1 to i32
    %sign3A_5 = arith.subi %sign3A_1, %sign3A_4 : i32
    %sign3A_6 = arith.constant 0 : i32
    %sign3A_7 = arith.cmpi sgt, %jit3A, %sign3A_6 : i32
    %sign3A_8 = arith.extui %sign3A_7 : i1 to i32
    %sign3A_9 = arith.constant 0 : i32
    %sign3A_10 = arith.cmpi slt, %jit3A, %sign3A_9 : i32
    %sign3A_11 = arith.extui %sign3A_10 : i1 to i32
    %sign3A_12 = arith.subi %sign3A_8, %sign3A_11 : i32
    %ne3A = arith.cmpi ne, %sign3A_5, %sign3A_12 : i32
    %rem3A = arith.remsi %arg1, %jit3A : i32
    %ne3A_13 = arith.constant 0 : i32
    %ne3A_14 = arith.cmpi ne, %rem3A, %ne3A_13 : i32
    %and3A = arith.andi %ne3A, %ne3A_14 : i1
    %sub3A = arith.constant 1 : i32
    %sub3A_15 = arith.subi %div3A, %sub3A : i32
    %select_n3A = arith.select %and3A, %sub3A_15, %div3A : i32
    %jit3A_16 = arith.constant 4 : i32
    %eq3A = arith.constant 0 : i32
    %eq3A_17 = arith.cmpi eq, %jit3A_16, %eq3A : i32
    %jit3A_18 = arith.constant 1 : i32
    %select_n3A_19 = arith.select %eq3A_17, %jit3A_18, %jit3A_16 : i32
    %rem3A_20 = arith.remsi %arg1, %select_n3A_19 : i32
    %ne3A_21 = arith.constant 0 : i32
    %ne3A_22 = arith.cmpi ne, %rem3A_20, %ne3A_21 : i32
    %lt3A = arith.constant 0 : i32
    %lt3A_23 = arith.cmpi slt, %rem3A_20, %lt3A : i32
    %lt3A_24 = arith.constant 0 : i32
    %lt3A_25 = arith.cmpi slt, %select_n3A_19, %lt3A_24 : i32
    %ne3A_26 = arith.xori %lt3A_23, %lt3A_25 : i1
    %and3A_27 = arith.andi %ne3A_26, %ne3A_22 : i1
    %add3A = arith.addi %rem3A_20, %select_n3A_19 : i32
    %select_n3A_28 = arith.select %and3A_27, %add3A, %rem3A_20 : i32
    %mul3A = arith.constant 4 : i32
    %mul3A_29 = arith.muli %arg0, %mul3A : i32
    %add3A_30 = arith.addi %mul3A_29, %select_n3A : i32
    %mul3A_31 = arith.constant 4096 : i32
    %mul3A_32 = arith.muli %add3A_30, %mul3A_31 : i32
    %mul3A_33 = arith.constant 1024 : i32
    %mul3A_34 = arith.muli %select_n3A_28, %mul3A_33 : i32
    %add3A_35 = arith.addi %mul3A_32, %mul3A_34 : i32
    %eq3A_36 = arith.constant 3 : i32
    %eq3A_37 = arith.cmpi eq, %select_n3A_28, %eq3A_36 : i32
    %convert_element_type3A = arith.extui %eq3A_37 : i1 to i32
    %cond3A = arith.constant 0 : i32
    %cond3A_38 = arith.cmpi ne, %convert_element_type3A, %cond3A : i32
    scf.if %cond3A_38 {
      "tpu.region"() ({
        %run_scoped3A = tpu.sem_alloc : memref<!tpu.dma_semaphore, #tpu.memory_space<semaphore_mem>>
        %dma_start3A = arith.constant 0 : i32
        %dma_start3A_106 = tpu.memref_slice %arg5[%dma_start3A] : memref<1088xf32, #tpu.memory_space<vmem>> -> memref<1024xf32, #tpu.memory_space<vmem>>
        %dma_start3A_107 = tpu.memref_slice %arg2[%add3A_35] : memref<32768xf32, #tpu.memory_space<hbm>> -> memref<1024xf32, #tpu.memory_space<hbm>>
        %dma_start3A_108 = arith.constant 0 : i32
        %dma_start3A_109 = tpu.memref_slice %arg5[%dma_start3A_108] : memref<1088xf32, #tpu.memory_space<vmem>> -> memref<1024xf32, #tpu.memory_space<vmem>>
        %dma_start3A_110 = tpu.memref_slice %arg2[%add3A_35] : memref<32768xf32, #tpu.memory_space<hbm>> -> memref<1024xf32, #tpu.memory_space<hbm>>
        tpu.enqueue_dma source(%dma_start3A_110 : memref<1024xf32, #tpu.memory_space<hbm>>) target(%dma_start3A_109 : memref<1024xf32, #tpu.memory_space<vmem>>) target_semaphore(%run_scoped3A : memref<!tpu.dma_semaphore, #tpu.memory_space<semaphore_mem>>)
        %dma_wait3A = arith.constant 0 : i32
        %dma_wait3A_111 = tpu.memref_slice %arg5[%dma_wait3A] : memref<1088xf32, #tpu.memory_space<vmem>> -> memref<1024xf32, #tpu.memory_space<vmem>>
        %dma_wait3A_112 = tpu.memref_slice %arg2[%add3A_35] : memref<32768xf32, #tpu.memory_space<hbm>> -> memref<1024xf32, #tpu.memory_space<hbm>>
        %dma_wait3A_113 = arith.constant 0 : i32
        %dma_wait3A_114 = tpu.memref_slice %arg5[%dma_wait3A_113] : memref<1088xf32, #tpu.memory_space<vmem>> -> memref<1024xf32, #tpu.memory_space<vmem>>
        %dma_wait3A_115 = tpu.memref_slice %arg2[%add3A_35] : memref<32768xf32, #tpu.memory_space<hbm>> -> memref<1024xf32, #tpu.memory_space<hbm>>
        tpu.wait_dma2 semaphore(%run_scoped3A : memref<!tpu.dma_semaphore, #tpu.memory_space<semaphore_mem>>) src(%dma_wait3A_115 : memref<1024xf32, #tpu.memory_space<hbm>>) dst(%dma_wait3A_114 : memref<1024xf32, #tpu.memory_space<vmem>>)
        tpu.yield
      }) : () -> ()
    } else {
    }
    %ne3A_39 = arith.constant 3 : i32
    %ne3A_40 = arith.cmpi ne, %select_n3A_28, %ne3A_39 : i32
    %convert_element_type3A_41 = arith.extui %ne3A_40 : i1 to i32
    %cond3A_42 = arith.constant 0 : i32
    %cond3A_43 = arith.cmpi ne, %convert_element_type3A_41, %cond3A_42 : i32
    scf.if %cond3A_43 {
      "tpu.region"() ({
        %run_scoped3A = tpu.sem_alloc : memref<!tpu.dma_semaphore, #tpu.memory_space<semaphore_mem>>
        %dma_start3A = tpu.memref_slice %arg2[%add3A_35] : memref<32768xf32, #tpu.memory_space<hbm>> -> memref<1088xf32, #tpu.memory_space<hbm>>
        %dma_start3A_106 = tpu.memref_slice %arg2[%add3A_35] : memref<32768xf32, #tpu.memory_space<hbm>> -> memref<1088xf32, #tpu.memory_space<hbm>>
        tpu.enqueue_dma source(%dma_start3A_106 : memref<1088xf32, #tpu.memory_space<hbm>>) target(%arg5 : memref<1088xf32, #tpu.memory_space<vmem>>) target_semaphore(%run_scoped3A : memref<!tpu.dma_semaphore, #tpu.memory_space<semaphore_mem>>)
        %dma_wait3A = tpu.memref_slice %arg2[%add3A_35] : memref<32768xf32, #tpu.memory_space<hbm>> -> memref<1088xf32, #tpu.memory_space<hbm>>
        %dma_wait3A_107 = tpu.memref_slice %arg2[%add3A_35] : memref<32768xf32, #tpu.memory_space<hbm>> -> memref<1088xf32, #tpu.memory_space<hbm>>
        tpu.wait_dma2 semaphore(%run_scoped3A : memref<!tpu.dma_semaphore, #tpu.memory_space<semaphore_mem>>) src(%dma_wait3A_107 : memref<1088xf32, #tpu.memory_space<hbm>>) dst(%arg5 : memref<1088xf32, #tpu.memory_space<vmem>>)
        tpu.yield
      }) : () -> ()
    } else {
    }
    "tpu.region"() ({
      %run_scoped3A = tpu.sem_alloc : memref<!tpu.dma_semaphore, #tpu.memory_space<semaphore_mem>>
      tpu.enqueue_dma source(%arg3 : memref<80xf32, #tpu.memory_space<hbm>>) target(%arg6 : memref<80xf32, #tpu.memory_space<vmem>>) target_semaphore(%run_scoped3A : memref<!tpu.dma_semaphore, #tpu.memory_space<semaphore_mem>>)
      tpu.wait_dma2 semaphore(%run_scoped3A : memref<!tpu.dma_semaphore, #tpu.memory_space<semaphore_mem>>) src(%arg3 : memref<80xf32, #tpu.memory_space<hbm>>) dst(%arg6 : memref<80xf32, #tpu.memory_space<vmem>>)
      tpu.yield
    }) : () -> ()
    %iota3A = tpu.iota {dimensions = array<i32: 0>} : vector<16xi32>
    %get3A = arith.constant 0 : index
    %get3A_44 = tpu.vector_load %arg6[%get3A] {strides = array<i32>} : memref<80xf32, #tpu.memory_space<vmem>>, vector<16xf32>,
    %get3A_45 = arith.constant 16 : index
    %get3A_46 = tpu.vector_load %arg6[%get3A_45] {strides = array<i32>} : memref<80xf32, #tpu.memory_space<vmem>>, vector<16xf32>,
    %get3A_47 = arith.constant 32 : index
    %get3A_48 = tpu.vector_load %arg6[%get3A_47] {strides = array<i32>} : memref<80xf32, #tpu.memory_space<vmem>>, vector<16xf32>,
    %get3A_49 = arith.constant 48 : index
    %get3A_50 = tpu.vector_load %arg6[%get3A_49] {strides = array<i32>} : memref<80xf32, #tpu.memory_space<vmem>>, vector<16xf32>,
    %get3A_51 = arith.constant 64 : index
    %get3A_52 = tpu.vector_load %arg6[%get3A_51] {strides = array<i32>} : memref<80xf32, #tpu.memory_space<vmem>>, vector<16xf32>,
    %eq3A_53 = arith.constant 3 : i32
    %eq3A_54 = arith.cmpi eq, %select_n3A_28, %eq3A_53 : i32
    %broadcast_in_dim3A = arith.constant 0.000000e+00 : f32
    %broadcast_in_dim3A_55 = vector.broadcast %broadcast_in_dim3A : f32 to vector<16xf32>
    %scan3A = arith.constant 0 : i32
    %scan3A_56 = arith.constant 16 : i32
    %scan3A_57 = arith.addi %scan3A, %scan3A_56 : i32
    %scan3A_58 = arith.constant 1 : i32
    %scan3A_59:4 = scf.for %scan3A_106 = %scan3A to %scan3A_57 step %scan3A_58 iter_args(%scan3A_107 = %broadcast_in_dim3A_55, %scan3A_108 = %broadcast_in_dim3A_55, %scan3A_109 = %broadcast_in_dim3A_55, %scan3A_110 = %broadcast_in_dim3A_55) -> (vector<16xf32>, vector<16xf32>, vector<16xf32>, vector<16xf32>)  : i32 {
      %mul3A_111 = arith.constant 64 : i32
      %mul3A_112 = arith.muli %scan3A_106, %mul3A_111 : i32
      %not3A = arith.constant true
      %not3A_113 = arith.xori %eq3A_54, %not3A : i1
      %lt3A_114 = arith.constant 15 : i32
      %lt3A_115 = arith.cmpi slt, %scan3A_106, %lt3A_114 : i32
      %or3A = arith.ori %not3A_113, %lt3A_115 : i1
      %add3A_116 = arith.constant 0 : i32
      %add3A_117 = vector.broadcast %add3A_116 : i32 to vector<16xi32>
      %add3A_118 = arith.addi %iota3A, %add3A_117 : vector<16xi32>
      %add3A_119 = arith.constant 0 : i32
      %add3A_120 = arith.addi %mul3A_112, %add3A_119 : i32
      %get3A_121 = arith.index_cast %add3A_120 : i32 to index
      %get3A_122 = tpu.vector_load %arg5[%get3A_121] {strides = array<i32>} : memref<1088xf32, #tpu.memory_space<vmem>>, vector<16xf32>,
      %add3A_123 = arith.constant 64 : i32
      %add3A_124 = arith.addi %add3A_120, %add3A_123 : i32
      %get3A_125 = arith.index_cast %add3A_124 : i32 to index
      %get3A_126 = tpu.vector_load %arg5[%get3A_125] {strides = array<i32>} : memref<1088xf32, #tpu.memory_space<vmem>>, vector<16xf32>,
      %add3A_127 = arith.constant 1 : i32
      %add3A_128 = arith.addi %mul3A_112, %add3A_127 : i32
      %add3A_129 = vector.broadcast %add3A_128 : i32 to vector<16xi32>
      %add3A_130 = arith.addi %add3A_118, %add3A_129 : vector<16xi32>
      %gather3A = tpu.vector_load_idx %arg5[%add3A_130] : memref<1088xf32, #tpu.memory_space<vmem>>[vector<16xi32>], vector<16xf32>,
      %add3A_131 = arith.constant 65 : i32
      %add3A_132 = arith.addi %mul3A_112, %add3A_131 : i32
      %add3A_133 = vector.broadcast %add3A_132 : i32 to vector<16xi32>
      %add3A_134 = arith.addi %add3A_118, %add3A_133 : vector<16xi32>
      %min3A = arith.constant 1087 : i32
      %min3A_135 = vector.broadcast %min3A : i32 to vector<16xi32>
      %min3A_136 = arith.minsi %add3A_134, %min3A_135 : vector<16xi32>
      %gather3A_137 = tpu.vector_load_idx %arg5[%min3A_136] : memref<1088xf32, #tpu.memory_space<vmem>>[vector<16xi32>], vector<16xf32>,
      %mul3A_138 = arith.mulf %get3A_122, %get3A_44 : vector<16xf32>
      %mul3A_139 = arith.mulf %gather3A, %get3A_46 : vector<16xf32>
      %add3A_140 = arith.addf %mul3A_138, %mul3A_139 : vector<16xf32>
      %mul3A_141 = arith.mulf %get3A_126, %get3A_48 : vector<16xf32>
      %add3A_142 = arith.addf %add3A_140, %mul3A_141 : vector<16xf32>
      %mul3A_143 = arith.mulf %gather3A_137, %get3A_50 : vector<16xf32>
      %add3A_144 = arith.addf %add3A_142, %mul3A_143 : vector<16xf32>
      %add3A_145 = arith.addf %add3A_144, %get3A_52 : vector<16xf32>
      %neg3A = arith.constant 0.000000e+00 : f32
      %neg3A_146 = vector.broadcast %neg3A : f32 to vector<16xf32>
      %neg3A_147 = arith.subf %neg3A_146, %add3A_145 : vector<16xf32>
      %jit3A_148 = arith.constant -8.700000e+01 : f32
      %jit3A_149 = arith.constant 8.800000e+01 : f32
      %max3A = vector.broadcast %jit3A_148 : f32 to vector<16xf32>
      %max3A_150 = arith.maximumf %max3A, %neg3A_147 : vector<16xf32>
      %min3A_151 = vector.broadcast %jit3A_149 : f32 to vector<16xf32>
      %min3A_152 = arith.minimumf %min3A_151, %max3A_150 : vector<16xf32>
      %mul3A_153 = arith.constant 1.44269502 : f32
      %mul3A_154 = vector.broadcast %mul3A_153 : f32 to vector<16xf32>
      %mul3A_155 = arith.mulf %min3A_152, %mul3A_154 : vector<16xf32>
      %add3A_156 = arith.constant 0x4B400000 : f32
      %add3A_157 = vector.broadcast %add3A_156 : f32 to vector<16xf32>
      %add3A_158 = arith.addf %mul3A_155, %add3A_157 : vector<16xf32>
      %sub3A_159 = arith.constant 0x4B400000 : f32
      %sub3A_160 = vector.broadcast %sub3A_159 : f32 to vector<16xf32>
      %sub3A_161 = arith.subf %add3A_158, %sub3A_160 : vector<16xf32>
      %convert_element_type3A_162 = arith.fptosi %sub3A_161 : vector<16xf32> to vector<16xi32>
      %mul3A_163 = arith.constant 0.693359375 : f32
      %mul3A_164 = vector.broadcast %mul3A_163 : f32 to vector<16xf32>
      %mul3A_165 = arith.mulf %sub3A_161, %mul3A_164 : vector<16xf32>
      %sub3A_166 = arith.subf %min3A_152, %mul3A_165 : vector<16xf32>
      %mul3A_167 = arith.constant -2.12194442E-4 : f32
      %mul3A_168 = vector.broadcast %mul3A_167 : f32 to vector<16xf32>
      %mul3A_169 = arith.mulf %sub3A_161, %mul3A_168 : vector<16xf32>
      %sub3A_170 = arith.subf %sub3A_166, %mul3A_169 : vector<16xf32>
      %mul3A_171 = arith.constant 0.00138888892 : f32
      %mul3A_172 = vector.broadcast %mul3A_171 : f32 to vector<16xf32>
      %mul3A_173 = arith.mulf %mul3A_172, %sub3A_170 : vector<16xf32>
      %add3A_174 = arith.constant 0.00833333377 : f32
      %add3A_175 = vector.broadcast %add3A_174 : f32 to vector<16xf32>
      %add3A_176 = arith.addf %mul3A_173, %add3A_175 : vector<16xf32>
      %mul3A_177 = arith.mulf %add3A_176, %sub3A_170 : vector<16xf32>
      %add3A_178 = arith.constant 0.0416666679 : f32
      %add3A_179 = vector.broadcast %add3A_178 : f32 to vector<16xf32>
      %add3A_180 = arith.addf %mul3A_177, %add3A_179 : vector<16xf32>
      %mul3A_181 = arith.mulf %add3A_180, %sub3A_170 : vector<16xf32>
      %add3A_182 = arith.constant 0.166666672 : f32
      %add3A_183 = vector.broadcast %add3A_182 : f32 to vector<16xf32>
      %add3A_184 = arith.addf %mul3A_181, %add3A_183 : vector<16xf32>
      %mul3A_185 = arith.mulf %add3A_184, %sub3A_170 : vector<16xf32>
      %add3A_186 = arith.constant 5.000000e-01 : f32
      %add3A_187 = vector.broadcast %add3A_186 : f32 to vector<16xf32>
      %add3A_188 = arith.addf %mul3A_185, %add3A_187 : vector<16xf32>
      %mul3A_189 = arith.mulf %add3A_188, %sub3A_170 : vector<16xf32>
      %add3A_190 = arith.constant 1.000000e+00 : f32
      %add3A_191 = vector.broadcast %add3A_190 : f32 to vector<16xf32>
      %add3A_192 = arith.addf %mul3A_189, %add3A_191 : vector<16xf32>
      %mul3A_193 = arith.mulf %add3A_192, %sub3A_170 : vector<16xf32>
      %add3A_194 = arith.constant 1.000000e+00 : f32
      %add3A_195 = vector.broadcast %add3A_194 : f32 to vector<16xf32>
      %add3A_196 = arith.addf %mul3A_193, %add3A_195 : vector<16xf32>
      %add3A_197 = arith.constant 127 : i32
      %add3A_198 = vector.broadcast %add3A_197 : i32 to vector<16xi32>
      %add3A_199 = arith.addi %convert_element_type3A_162, %add3A_198 : vector<16xi32>
      %shift_left3A = arith.constant 23 : i32
      %shift_left3A_200 = vector.broadcast %shift_left3A : i32 to vector<16xi32>
      %shift_left3A_201 = arith.shli %add3A_199, %shift_left3A_200 : vector<16xi32>
      %bitcast_convert_type3A = tpu.bitcast %shift_left3A_201 : vector<16xi32> -> vector<16xf32>
      %mul3A_202 = arith.mulf %add3A_196, %bitcast_convert_type3A : vector<16xf32>
      %add3A_203 = arith.constant 1.000000e+00 : f32
      %add3A_204 = vector.broadcast %add3A_203 : f32 to vector<16xf32>
      %add3A_205 = arith.addf %add3A_204, %mul3A_202 : vector<16xf32>
      %div3A_206 = arith.constant 1.000000e+00 : f32
      %div3A_207 = vector.broadcast %div3A_206 : f32 to vector<16xf32>
      %div3A_208 = arith.divf %div3A_207, %add3A_205 : vector<16xf32>
      %mul3A_209 = arith.mulf %add3A_205, %div3A_208 : vector<16xf32>
      %sub3A_210 = arith.constant 2.000000e+00 : f32
      %sub3A_211 = vector.broadcast %sub3A_210 : f32 to vector<16xf32>
      %sub3A_212 = arith.subf %sub3A_211, %mul3A_209 : vector<16xf32>
      %mul3A_213 = arith.mulf %div3A_208, %sub3A_212 : vector<16xf32>
      %mul3A_214 = arith.mulf %add3A_205, %mul3A_213 : vector<16xf32>
      %sub3A_215 = arith.constant 2.000000e+00 : f32
      %sub3A_216 = vector.broadcast %sub3A_215 : f32 to vector<16xf32>
      %sub3A_217 = arith.subf %sub3A_216, %mul3A_214 : vector<16xf32>
      %mul3A_218 = arith.mulf %mul3A_213, %sub3A_217 : vector<16xf32>
      %lt3A_219 = arith.constant 63 : i32
      %lt3A_220 = vector.broadcast %lt3A_219 : i32 to vector<16xi32>
      %lt3A_221 = arith.cmpi slt, %add3A_118, %lt3A_220 : vector<16xi32>
      %and3A_222 = vector.broadcast %or3A : i1 to vector<16xi1>
      %and3A_223 = arith.andi %lt3A_221, %and3A_222 : vector<16xi1>
      %jit3A_224 = arith.constant 0.000000e+00 : f32
      %broadcast_in_dim3A_225 = vector.broadcast %jit3A_224 : f32 to vector<16xf32>
      %select_n3A_226 = arith.select %and3A_223, %mul3A_218, %broadcast_in_dim3A_225 : vector<16xi1>, vector<16xf32>
      %ge3A = arith.constant 1.86078427E-11 : f32
      %ge3A_227 = vector.broadcast %ge3A : f32 to vector<16xf32>
      %ge3A_228 = arith.cmpf oge, %select_n3A_226, %ge3A_227 : vector<16xf32>
      %ge3A_229 = arith.constant 8.990010e-12 : f32
      %ge3A_230 = vector.broadcast %ge3A_229 : f32 to vector<16xf32>
      %ge3A_231 = arith.cmpf oge, %select_n3A_226, %ge3A_230 : vector<16xf32>
      %lt3A_232 = arith.constant 1.86078427E-11 : f32
      %lt3A_233 = vector.broadcast %lt3A_232 : f32 to vector<16xf32>
      %lt3A_234 = arith.cmpf olt, %select_n3A_226, %lt3A_233 : vector<16xf32>
      %and3A_235 = arith.andi %ge3A_231, %lt3A_234 : vector<16xi1>
      %add3A_236 = arith.addf %scan3A_107, %select_n3A_226 : vector<16xf32>
      %jit3A_237 = arith.constant 0.000000e+00 : f32
      %broadcast_in_dim3A_238 = vector.broadcast %jit3A_237 : f32 to vector<16xf32>
      %select_n3A_239 = arith.select %ge3A_228, %select_n3A_226, %broadcast_in_dim3A_238 : vector<16xi1>, vector<16xf32>
      %add3A_240 = arith.addf %scan3A_108, %select_n3A_239 : vector<16xf32>
      %jit3A_241 = arith.constant 1.000000e+00 : f32
      %jit3A_242 = arith.constant 0.000000e+00 : f32
      %broadcast_in_dim3A_243 = vector.broadcast %jit3A_241 : f32 to vector<16xf32>
      %broadcast_in_dim3A_244 = vector.broadcast %jit3A_242 : f32 to vector<16xf32>
      %select_n3A_245 = arith.select %ge3A_228, %broadcast_in_dim3A_243, %broadcast_in_dim3A_244 : vector<16xi1>, vector<16xf32>
      %add3A_246 = arith.addf %scan3A_109, %select_n3A_245 : vector<16xf32>
      %jit3A_247 = arith.constant 1.000000e+00 : f32
      %jit3A_248 = arith.constant 0.000000e+00 : f32
      %broadcast_in_dim3A_249 = vector.broadcast %jit3A_247 : f32 to vector<16xf32>
      %broadcast_in_dim3A_250 = vector.broadcast %jit3A_248 : f32 to vector<16xf32>
      %select_n3A_251 = arith.select %and3A_235, %broadcast_in_dim3A_249, %broadcast_in_dim3A_250 : vector<16xi1>, vector<16xf32>
      %add3A_252 = arith.addf %scan3A_110, %select_n3A_251 : vector<16xf32>
      %add3A_253 = arith.constant 16 : i32
      %add3A_254 = vector.broadcast %add3A_253 : i32 to vector<16xi32>
      %add3A_255 = arith.addi %iota3A, %add3A_254 : vector<16xi32>
      %add3A_256 = arith.constant 16 : i32
      %add3A_257 = arith.addi %mul3A_112, %add3A_256 : i32
      %get3A_258 = arith.index_cast %add3A_257 : i32 to index
      %get3A_259 = tpu.vector_load %arg5[%get3A_258] {strides = array<i32>} : memref<1088xf32, #tpu.memory_space<vmem>>, vector<16xf32>,
      %add3A_260 = arith.constant 64 : i32
      %add3A_261 = arith.addi %add3A_257, %add3A_260 : i32
      %get3A_262 = arith.index_cast %add3A_261 : i32 to index
      %get3A_263 = tpu.vector_load %arg5[%get3A_262] {strides = array<i32>} : memref<1088xf32, #tpu.memory_space<vmem>>, vector<16xf32>,
      %add3A_264 = arith.constant 1 : i32
      %add3A_265 = arith.addi %mul3A_112, %add3A_264 : i32
      %add3A_266 = vector.broadcast %add3A_265 : i32 to vector<16xi32>
      %add3A_267 = arith.addi %add3A_255, %add3A_266 : vector<16xi32>
      %gather3A_268 = tpu.vector_load_idx %arg5[%add3A_267] : memref<1088xf32, #tpu.memory_space<vmem>>[vector<16xi32>], vector<16xf32>,
      %add3A_269 = arith.constant 65 : i32
      %add3A_270 = arith.addi %mul3A_112, %add3A_269 : i32
      %add3A_271 = vector.broadcast %add3A_270 : i32 to vector<16xi32>
      %add3A_272 = arith.addi %add3A_255, %add3A_271 : vector<16xi32>
      %min3A_273 = arith.constant 1087 : i32
      %min3A_274 = vector.broadcast %min3A_273 : i32 to vector<16xi32>
      %min3A_275 = arith.minsi %add3A_272, %min3A_274 : vector<16xi32>
      %gather3A_276 = tpu.vector_load_idx %arg5[%min3A_275] : memref<1088xf32, #tpu.memory_space<vmem>>[vector<16xi32>], vector<16xf32>,
      %mul3A_277 = arith.mulf %get3A_259, %get3A_44 : vector<16xf32>
      %mul3A_278 = arith.mulf %gather3A_268, %get3A_46 : vector<16xf32>
      %add3A_279 = arith.addf %mul3A_277, %mul3A_278 : vector<16xf32>
      %mul3A_280 = arith.mulf %get3A_263, %get3A_48 : vector<16xf32>
      %add3A_281 = arith.addf %add3A_279, %mul3A_280 : vector<16xf32>
      %mul3A_282 = arith.mulf %gather3A_276, %get3A_50 : vector<16xf32>
      %add3A_283 = arith.addf %add3A_281, %mul3A_282 : vector<16xf32>
      %add3A_284 = arith.addf %add3A_283, %get3A_52 : vector<16xf32>
      %neg3A_285 = arith.constant 0.000000e+00 : f32
      %neg3A_286 = vector.broadcast %neg3A_285 : f32 to vector<16xf32>
      %neg3A_287 = arith.subf %neg3A_286, %add3A_284 : vector<16xf32>
      %jit3A_288 = arith.constant -8.700000e+01 : f32
      %jit3A_289 = arith.constant 8.800000e+01 : f32
      %max3A_290 = vector.broadcast %jit3A_288 : f32 to vector<16xf32>
      %max3A_291 = arith.maximumf %max3A_290, %neg3A_287 : vector<16xf32>
      %min3A_292 = vector.broadcast %jit3A_289 : f32 to vector<16xf32>
      %min3A_293 = arith.minimumf %min3A_292, %max3A_291 : vector<16xf32>
      %mul3A_294 = arith.constant 1.44269502 : f32
      %mul3A_295 = vector.broadcast %mul3A_294 : f32 to vector<16xf32>
      %mul3A_296 = arith.mulf %min3A_293, %mul3A_295 : vector<16xf32>
      %add3A_297 = arith.constant 0x4B400000 : f32
      %add3A_298 = vector.broadcast %add3A_297 : f32 to vector<16xf32>
      %add3A_299 = arith.addf %mul3A_296, %add3A_298 : vector<16xf32>
      %sub3A_300 = arith.constant 0x4B400000 : f32
      %sub3A_301 = vector.broadcast %sub3A_300 : f32 to vector<16xf32>
      %sub3A_302 = arith.subf %add3A_299, %sub3A_301 : vector<16xf32>
      %convert_element_type3A_303 = arith.fptosi %sub3A_302 : vector<16xf32> to vector<16xi32>
      %mul3A_304 = arith.constant 0.693359375 : f32
      %mul3A_305 = vector.broadcast %mul3A_304 : f32 to vector<16xf32>
      %mul3A_306 = arith.mulf %sub3A_302, %mul3A_305 : vector<16xf32>
      %sub3A_307 = arith.subf %min3A_293, %mul3A_306 : vector<16xf32>
      %mul3A_308 = arith.constant -2.12194442E-4 : f32
      %mul3A_309 = vector.broadcast %mul3A_308 : f32 to vector<16xf32>
      %mul3A_310 = arith.mulf %sub3A_302, %mul3A_309 : vector<16xf32>
      %sub3A_311 = arith.subf %sub3A_307, %mul3A_310 : vector<16xf32>
      %mul3A_312 = arith.constant 0.00138888892 : f32
      %mul3A_313 = vector.broadcast %mul3A_312 : f32 to vector<16xf32>
      %mul3A_314 = arith.mulf %mul3A_313, %sub3A_311 : vector<16xf32>
      %add3A_315 = arith.constant 0.00833333377 : f32
      %add3A_316 = vector.broadcast %add3A_315 : f32 to vector<16xf32>
      %add3A_317 = arith.addf %mul3A_314, %add3A_316 : vector<16xf32>
      %mul3A_318 = arith.mulf %add3A_317, %sub3A_311 : vector<16xf32>
      %add3A_319 = arith.constant 0.0416666679 : f32
      %add3A_320 = vector.broadcast %add3A_319 : f32 to vector<16xf32>
      %add3A_321 = arith.addf %mul3A_318, %add3A_320 : vector<16xf32>
      %mul3A_322 = arith.mulf %add3A_321, %sub3A_311 : vector<16xf32>
      %add3A_323 = arith.constant 0.166666672 : f32
      %add3A_324 = vector.broadcast %add3A_323 : f32 to vector<16xf32>
      %add3A_325 = arith.addf %mul3A_322, %add3A_324 : vector<16xf32>
      %mul3A_326 = arith.mulf %add3A_325, %sub3A_311 : vector<16xf32>
      %add3A_327 = arith.constant 5.000000e-01 : f32
      %add3A_328 = vector.broadcast %add3A_327 : f32 to vector<16xf32>
      %add3A_329 = arith.addf %mul3A_326, %add3A_328 : vector<16xf32>
      %mul3A_330 = arith.mulf %add3A_329, %sub3A_311 : vector<16xf32>
      %add3A_331 = arith.constant 1.000000e+00 : f32
      %add3A_332 = vector.broadcast %add3A_331 : f32 to vector<16xf32>
      %add3A_333 = arith.addf %mul3A_330, %add3A_332 : vector<16xf32>
      %mul3A_334 = arith.mulf %add3A_333, %sub3A_311 : vector<16xf32>
      %add3A_335 = arith.constant 1.000000e+00 : f32
      %add3A_336 = vector.broadcast %add3A_335 : f32 to vector<16xf32>
      %add3A_337 = arith.addf %mul3A_334, %add3A_336 : vector<16xf32>
      %add3A_338 = arith.constant 127 : i32
      %add3A_339 = vector.broadcast %add3A_338 : i32 to vector<16xi32>
      %add3A_340 = arith.addi %convert_element_type3A_303, %add3A_339 : vector<16xi32>
      %shift_left3A_341 = arith.constant 23 : i32
      %shift_left3A_342 = vector.broadcast %shift_left3A_341 : i32 to vector<16xi32>
      %shift_left3A_343 = arith.shli %add3A_340, %shift_left3A_342 : vector<16xi32>
      %bitcast_convert_type3A_344 = tpu.bitcast %shift_left3A_343 : vector<16xi32> -> vector<16xf32>
      %mul3A_345 = arith.mulf %add3A_337, %bitcast_convert_type3A_344 : vector<16xf32>
      %add3A_346 = arith.constant 1.000000e+00 : f32
      %add3A_347 = vector.broadcast %add3A_346 : f32 to vector<16xf32>
      %add3A_348 = arith.addf %add3A_347, %mul3A_345 : vector<16xf32>
      %div3A_349 = arith.constant 1.000000e+00 : f32
      %div3A_350 = vector.broadcast %div3A_349 : f32 to vector<16xf32>
      %div3A_351 = arith.divf %div3A_350, %add3A_348 : vector<16xf32>
      %mul3A_352 = arith.mulf %add3A_348, %div3A_351 : vector<16xf32>
      %sub3A_353 = arith.constant 2.000000e+00 : f32
      %sub3A_354 = vector.broadcast %sub3A_353 : f32 to vector<16xf32>
      %sub3A_355 = arith.subf %sub3A_354, %mul3A_352 : vector<16xf32>
      %mul3A_356 = arith.mulf %div3A_351, %sub3A_355 : vector<16xf32>
      %mul3A_357 = arith.mulf %add3A_348, %mul3A_356 : vector<16xf32>
      %sub3A_358 = arith.constant 2.000000e+00 : f32
      %sub3A_359 = vector.broadcast %sub3A_358 : f32 to vector<16xf32>
      %sub3A_360 = arith.subf %sub3A_359, %mul3A_357 : vector<16xf32>
      %mul3A_361 = arith.mulf %mul3A_356, %sub3A_360 : vector<16xf32>
      %lt3A_362 = arith.constant 63 : i32
      %lt3A_363 = vector.broadcast %lt3A_362 : i32 to vector<16xi32>
      %lt3A_364 = arith.cmpi slt, %add3A_255, %lt3A_363 : vector<16xi32>
      %and3A_365 = vector.broadcast %or3A : i1 to vector<16xi1>
      %and3A_366 = arith.andi %lt3A_364, %and3A_365 : vector<16xi1>
      %jit3A_367 = arith.constant 0.000000e+00 : f32
      %broadcast_in_dim3A_368 = vector.broadcast %jit3A_367 : f32 to vector<16xf32>
      %select_n3A_369 = arith.select %and3A_366, %mul3A_361, %broadcast_in_dim3A_368 : vector<16xi1>, vector<16xf32>
      %ge3A_370 = arith.constant 1.86078427E-11 : f32
      %ge3A_371 = vector.broadcast %ge3A_370 : f32 to vector<16xf32>
      %ge3A_372 = arith.cmpf oge, %select_n3A_369, %ge3A_371 : vector<16xf32>
      %ge3A_373 = arith.constant 8.990010e-12 : f32
      %ge3A_374 = vector.broadcast %ge3A_373 : f32 to vector<16xf32>
      %ge3A_375 = arith.cmpf oge, %select_n3A_369, %ge3A_374 : vector<16xf32>
      %lt3A_376 = arith.constant 1.86078427E-11 : f32
      %lt3A_377 = vector.broadcast %lt3A_376 : f32 to vector<16xf32>
      %lt3A_378 = arith.cmpf olt, %select_n3A_369, %lt3A_377 : vector<16xf32>
      %and3A_379 = arith.andi %ge3A_375, %lt3A_378 : vector<16xi1>
      %add3A_380 = arith.addf %add3A_236, %select_n3A_369 : vector<16xf32>
      %jit3A_381 = arith.constant 0.000000e+00 : f32
      %broadcast_in_dim3A_382 = vector.broadcast %jit3A_381 : f32 to vector<16xf32>
      %select_n3A_383 = arith.select %ge3A_372, %select_n3A_369, %broadcast_in_dim3A_382 : vector<16xi1>, vector<16xf32>
      %add3A_384 = arith.addf %add3A_240, %select_n3A_383 : vector<16xf32>
      %jit3A_385 = arith.constant 1.000000e+00 : f32
      %jit3A_386 = arith.constant 0.000000e+00 : f32
      %broadcast_in_dim3A_387 = vector.broadcast %jit3A_385 : f32 to vector<16xf32>
      %broadcast_in_dim3A_388 = vector.broadcast %jit3A_386 : f32 to vector<16xf32>
      %select_n3A_389 = arith.select %ge3A_372, %broadcast_in_dim3A_387, %broadcast_in_dim3A_388 : vector<16xi1>, vector<16xf32>
      %add3A_390 = arith.addf %add3A_246, %select_n3A_389 : vector<16xf32>
      %jit3A_391 = arith.constant 1.000000e+00 : f32
      %jit3A_392 = arith.constant 0.000000e+00 : f32
      %broadcast_in_dim3A_393 = vector.broadcast %jit3A_391 : f32 to vector<16xf32>
      %broadcast_in_dim3A_394 = vector.broadcast %jit3A_392 : f32 to vector<16xf32>
      %select_n3A_395 = arith.select %and3A_379, %broadcast_in_dim3A_393, %broadcast_in_dim3A_394 : vector<16xi1>, vector<16xf32>
      %add3A_396 = arith.addf %add3A_252, %select_n3A_395 : vector<16xf32>
      %add3A_397 = arith.constant 32 : i32
      %add3A_398 = vector.broadcast %add3A_397 : i32 to vector<16xi32>
      %add3A_399 = arith.addi %iota3A, %add3A_398 : vector<16xi32>
      %add3A_400 = arith.constant 32 : i32
      %add3A_401 = arith.addi %mul3A_112, %add3A_400 : i32
      %get3A_402 = arith.index_cast %add3A_401 : i32 to index
      %get3A_403 = tpu.vector_load %arg5[%get3A_402] {strides = array<i32>} : memref<1088xf32, #tpu.memory_space<vmem>>, vector<16xf32>,
      %add3A_404 = arith.constant 64 : i32
      %add3A_405 = arith.addi %add3A_401, %add3A_404 : i32
      %get3A_406 = arith.index_cast %add3A_405 : i32 to index
      %get3A_407 = tpu.vector_load %arg5[%get3A_406] {strides = array<i32>} : memref<1088xf32, #tpu.memory_space<vmem>>, vector<16xf32>,
      %add3A_408 = arith.constant 1 : i32
      %add3A_409 = arith.addi %mul3A_112, %add3A_408 : i32
      %add3A_410 = vector.broadcast %add3A_409 : i32 to vector<16xi32>
      %add3A_411 = arith.addi %add3A_399, %add3A_410 : vector<16xi32>
      %gather3A_412 = tpu.vector_load_idx %arg5[%add3A_411] : memref<1088xf32, #tpu.memory_space<vmem>>[vector<16xi32>], vector<16xf32>,
      %add3A_413 = arith.constant 65 : i32
      %add3A_414 = arith.addi %mul3A_112, %add3A_413 : i32
      %add3A_415 = vector.broadcast %add3A_414 : i32 to vector<16xi32>
      %add3A_416 = arith.addi %add3A_399, %add3A_415 : vector<16xi32>
      %min3A_417 = arith.constant 1087 : i32
      %min3A_418 = vector.broadcast %min3A_417 : i32 to vector<16xi32>
      %min3A_419 = arith.minsi %add3A_416, %min3A_418 : vector<16xi32>
      %gather3A_420 = tpu.vector_load_idx %arg5[%min3A_419] : memref<1088xf32, #tpu.memory_space<vmem>>[vector<16xi32>], vector<16xf32>,
      %mul3A_421 = arith.mulf %get3A_403, %get3A_44 : vector<16xf32>
      %mul3A_422 = arith.mulf %gather3A_412, %get3A_46 : vector<16xf32>
      %add3A_423 = arith.addf %mul3A_421, %mul3A_422 : vector<16xf32>
      %mul3A_424 = arith.mulf %get3A_407, %get3A_48 : vector<16xf32>
      %add3A_425 = arith.addf %add3A_423, %mul3A_424 : vector<16xf32>
      %mul3A_426 = arith.mulf %gather3A_420, %get3A_50 : vector<16xf32>
      %add3A_427 = arith.addf %add3A_425, %mul3A_426 : vector<16xf32>
      %add3A_428 = arith.addf %add3A_427, %get3A_52 : vector<16xf32>
      %neg3A_429 = arith.constant 0.000000e+00 : f32
      %neg3A_430 = vector.broadcast %neg3A_429 : f32 to vector<16xf32>
      %neg3A_431 = arith.subf %neg3A_430, %add3A_428 : vector<16xf32>
      %jit3A_432 = arith.constant -8.700000e+01 : f32
      %jit3A_433 = arith.constant 8.800000e+01 : f32
      %max3A_434 = vector.broadcast %jit3A_432 : f32 to vector<16xf32>
      %max3A_435 = arith.maximumf %max3A_434, %neg3A_431 : vector<16xf32>
      %min3A_436 = vector.broadcast %jit3A_433 : f32 to vector<16xf32>
      %min3A_437 = arith.minimumf %min3A_436, %max3A_435 : vector<16xf32>
      %mul3A_438 = arith.constant 1.44269502 : f32
      %mul3A_439 = vector.broadcast %mul3A_438 : f32 to vector<16xf32>
      %mul3A_440 = arith.mulf %min3A_437, %mul3A_439 : vector<16xf32>
      %add3A_441 = arith.constant 0x4B400000 : f32
      %add3A_442 = vector.broadcast %add3A_441 : f32 to vector<16xf32>
      %add3A_443 = arith.addf %mul3A_440, %add3A_442 : vector<16xf32>
      %sub3A_444 = arith.constant 0x4B400000 : f32
      %sub3A_445 = vector.broadcast %sub3A_444 : f32 to vector<16xf32>
      %sub3A_446 = arith.subf %add3A_443, %sub3A_445 : vector<16xf32>
      %convert_element_type3A_447 = arith.fptosi %sub3A_446 : vector<16xf32> to vector<16xi32>
      %mul3A_448 = arith.constant 0.693359375 : f32
      %mul3A_449 = vector.broadcast %mul3A_448 : f32 to vector<16xf32>
      %mul3A_450 = arith.mulf %sub3A_446, %mul3A_449 : vector<16xf32>
      %sub3A_451 = arith.subf %min3A_437, %mul3A_450 : vector<16xf32>
      %mul3A_452 = arith.constant -2.12194442E-4 : f32
      %mul3A_453 = vector.broadcast %mul3A_452 : f32 to vector<16xf32>
      %mul3A_454 = arith.mulf %sub3A_446, %mul3A_453 : vector<16xf32>
      %sub3A_455 = arith.subf %sub3A_451, %mul3A_454 : vector<16xf32>
      %mul3A_456 = arith.constant 0.00138888892 : f32
      %mul3A_457 = vector.broadcast %mul3A_456 : f32 to vector<16xf32>
      %mul3A_458 = arith.mulf %mul3A_457, %sub3A_455 : vector<16xf32>
      %add3A_459 = arith.constant 0.00833333377 : f32
      %add3A_460 = vector.broadcast %add3A_459 : f32 to vector<16xf32>
      %add3A_461 = arith.addf %mul3A_458, %add3A_460 : vector<16xf32>
      %mul3A_462 = arith.mulf %add3A_461, %sub3A_455 : vector<16xf32>
      %add3A_463 = arith.constant 0.0416666679 : f32
      %add3A_464 = vector.broadcast %add3A_463 : f32 to vector<16xf32>
      %add3A_465 = arith.addf %mul3A_462, %add3A_464 : vector<16xf32>
      %mul3A_466 = arith.mulf %add3A_465, %sub3A_455 : vector<16xf32>
      %add3A_467 = arith.constant 0.166666672 : f32
      %add3A_468 = vector.broadcast %add3A_467 : f32 to vector<16xf32>
      %add3A_469 = arith.addf %mul3A_466, %add3A_468 : vector<16xf32>
      %mul3A_470 = arith.mulf %add3A_469, %sub3A_455 : vector<16xf32>
      %add3A_471 = arith.constant 5.000000e-01 : f32
      %add3A_472 = vector.broadcast %add3A_471 : f32 to vector<16xf32>
      %add3A_473 = arith.addf %mul3A_470, %add3A_472 : vector<16xf32>
      %mul3A_474 = arith.mulf %add3A_473, %sub3A_455 : vector<16xf32>
      %add3A_475 = arith.constant 1.000000e+00 : f32
      %add3A_476 = vector.broadcast %add3A_475 : f32 to vector<16xf32>
      %add3A_477 = arith.addf %mul3A_474, %add3A_476 : vector<16xf32>
      %mul3A_478 = arith.mulf %add3A_477, %sub3A_455 : vector<16xf32>
      %add3A_479 = arith.constant 1.000000e+00 : f32
      %add3A_480 = vector.broadcast %add3A_479 : f32 to vector<16xf32>
      %add3A_481 = arith.addf %mul3A_478, %add3A_480 : vector<16xf32>
      %add3A_482 = arith.constant 127 : i32
      %add3A_483 = vector.broadcast %add3A_482 : i32 to vector<16xi32>
      %add3A_484 = arith.addi %convert_element_type3A_447, %add3A_483 : vector<16xi32>
      %shift_left3A_485 = arith.constant 23 : i32
      %shift_left3A_486 = vector.broadcast %shift_left3A_485 : i32 to vector<16xi32>
      %shift_left3A_487 = arith.shli %add3A_484, %shift_left3A_486 : vector<16xi32>
      %bitcast_convert_type3A_488 = tpu.bitcast %shift_left3A_487 : vector<16xi32> -> vector<16xf32>
      %mul3A_489 = arith.mulf %add3A_481, %bitcast_convert_type3A_488 : vector<16xf32>
      %add3A_490 = arith.constant 1.000000e+00 : f32
      %add3A_491 = vector.broadcast %add3A_490 : f32 to vector<16xf32>
      %add3A_492 = arith.addf %add3A_491, %mul3A_489 : vector<16xf32>
      %div3A_493 = arith.constant 1.000000e+00 : f32
      %div3A_494 = vector.broadcast %div3A_493 : f32 to vector<16xf32>
      %div3A_495 = arith.divf %div3A_494, %add3A_492 : vector<16xf32>
      %mul3A_496 = arith.mulf %add3A_492, %div3A_495 : vector<16xf32>
      %sub3A_497 = arith.constant 2.000000e+00 : f32
      %sub3A_498 = vector.broadcast %sub3A_497 : f32 to vector<16xf32>
      %sub3A_499 = arith.subf %sub3A_498, %mul3A_496 : vector<16xf32>
      %mul3A_500 = arith.mulf %div3A_495, %sub3A_499 : vector<16xf32>
      %mul3A_501 = arith.mulf %add3A_492, %mul3A_500 : vector<16xf32>
      %sub3A_502 = arith.constant 2.000000e+00 : f32
      %sub3A_503 = vector.broadcast %sub3A_502 : f32 to vector<16xf32>
      %sub3A_504 = arith.subf %sub3A_503, %mul3A_501 : vector<16xf32>
      %mul3A_505 = arith.mulf %mul3A_500, %sub3A_504 : vector<16xf32>
      %lt3A_506 = arith.constant 63 : i32
      %lt3A_507 = vector.broadcast %lt3A_506 : i32 to vector<16xi32>
      %lt3A_508 = arith.cmpi slt, %add3A_399, %lt3A_507 : vector<16xi32>
      %and3A_509 = vector.broadcast %or3A : i1 to vector<16xi1>
      %and3A_510 = arith.andi %lt3A_508, %and3A_509 : vector<16xi1>
      %jit3A_511 = arith.constant 0.000000e+00 : f32
      %broadcast_in_dim3A_512 = vector.broadcast %jit3A_511 : f32 to vector<16xf32>
      %select_n3A_513 = arith.select %and3A_510, %mul3A_505, %broadcast_in_dim3A_512 : vector<16xi1>, vector<16xf32>
      %ge3A_514 = arith.constant 1.86078427E-11 : f32
      %ge3A_515 = vector.broadcast %ge3A_514 : f32 to vector<16xf32>
      %ge3A_516 = arith.cmpf oge, %select_n3A_513, %ge3A_515 : vector<16xf32>
      %ge3A_517 = arith.constant 8.990010e-12 : f32
      %ge3A_518 = vector.broadcast %ge3A_517 : f32 to vector<16xf32>
      %ge3A_519 = arith.cmpf oge, %select_n3A_513, %ge3A_518 : vector<16xf32>
      %lt3A_520 = arith.constant 1.86078427E-11 : f32
      %lt3A_521 = vector.broadcast %lt3A_520 : f32 to vector<16xf32>
      %lt3A_522 = arith.cmpf olt, %select_n3A_513, %lt3A_521 : vector<16xf32>
      %and3A_523 = arith.andi %ge3A_519, %lt3A_522 : vector<16xi1>
      %add3A_524 = arith.addf %add3A_380, %select_n3A_513 : vector<16xf32>
      %jit3A_525 = arith.constant 0.000000e+00 : f32
      %broadcast_in_dim3A_526 = vector.broadcast %jit3A_525 : f32 to vector<16xf32>
      %select_n3A_527 = arith.select %ge3A_516, %select_n3A_513, %broadcast_in_dim3A_526 : vector<16xi1>, vector<16xf32>
      %add3A_528 = arith.addf %add3A_384, %select_n3A_527 : vector<16xf32>
      %jit3A_529 = arith.constant 1.000000e+00 : f32
      %jit3A_530 = arith.constant 0.000000e+00 : f32
      %broadcast_in_dim3A_531 = vector.broadcast %jit3A_529 : f32 to vector<16xf32>
      %broadcast_in_dim3A_532 = vector.broadcast %jit3A_530 : f32 to vector<16xf32>
      %select_n3A_533 = arith.select %ge3A_516, %broadcast_in_dim3A_531, %broadcast_in_dim3A_532 : vector<16xi1>, vector<16xf32>
      %add3A_534 = arith.addf %add3A_390, %select_n3A_533 : vector<16xf32>
      %jit3A_535 = arith.constant 1.000000e+00 : f32
      %jit3A_536 = arith.constant 0.000000e+00 : f32
      %broadcast_in_dim3A_537 = vector.broadcast %jit3A_535 : f32 to vector<16xf32>
      %broadcast_in_dim3A_538 = vector.broadcast %jit3A_536 : f32 to vector<16xf32>
      %select_n3A_539 = arith.select %and3A_523, %broadcast_in_dim3A_537, %broadcast_in_dim3A_538 : vector<16xi1>, vector<16xf32>
      %add3A_540 = arith.addf %add3A_396, %select_n3A_539 : vector<16xf32>
      %add3A_541 = arith.constant 48 : i32
      %add3A_542 = vector.broadcast %add3A_541 : i32 to vector<16xi32>
      %add3A_543 = arith.addi %iota3A, %add3A_542 : vector<16xi32>
      %add3A_544 = arith.constant 48 : i32
      %add3A_545 = arith.addi %mul3A_112, %add3A_544 : i32
      %get3A_546 = arith.index_cast %add3A_545 : i32 to index
      %get3A_547 = tpu.vector_load %arg5[%get3A_546] {strides = array<i32>} : memref<1088xf32, #tpu.memory_space<vmem>>, vector<16xf32>,
      %add3A_548 = arith.constant 64 : i32
      %add3A_549 = arith.addi %add3A_545, %add3A_548 : i32
      %get3A_550 = arith.index_cast %add3A_549 : i32 to index
      %get3A_551 = tpu.vector_load %arg5[%get3A_550] {strides = array<i32>} : memref<1088xf32, #tpu.memory_space<vmem>>, vector<16xf32>,
      %add3A_552 = arith.constant 1 : i32
      %add3A_553 = arith.addi %mul3A_112, %add3A_552 : i32
      %add3A_554 = vector.broadcast %add3A_553 : i32 to vector<16xi32>
      %add3A_555 = arith.addi %add3A_543, %add3A_554 : vector<16xi32>
      %gather3A_556 = tpu.vector_load_idx %arg5[%add3A_555] : memref<1088xf32, #tpu.memory_space<vmem>>[vector<16xi32>], vector<16xf32>,
      %add3A_557 = arith.constant 65 : i32
      %add3A_558 = arith.addi %mul3A_112, %add3A_557 : i32
      %add3A_559 = vector.broadcast %add3A_558 : i32 to vector<16xi32>
      %add3A_560 = arith.addi %add3A_543, %add3A_559 : vector<16xi32>
      %min3A_561 = arith.constant 1087 : i32
      %min3A_562 = vector.broadcast %min3A_561 : i32 to vector<16xi32>
      %min3A_563 = arith.minsi %add3A_560, %min3A_562 : vector<16xi32>
      %gather3A_564 = tpu.vector_load_idx %arg5[%min3A_563] : memref<1088xf32, #tpu.memory_space<vmem>>[vector<16xi32>], vector<16xf32>,
      %mul3A_565 = arith.mulf %get3A_547, %get3A_44 : vector<16xf32>
      %mul3A_566 = arith.mulf %gather3A_556, %get3A_46 : vector<16xf32>
      %add3A_567 = arith.addf %mul3A_565, %mul3A_566 : vector<16xf32>
      %mul3A_568 = arith.mulf %get3A_551, %get3A_48 : vector<16xf32>
      %add3A_569 = arith.addf %add3A_567, %mul3A_568 : vector<16xf32>
      %mul3A_570 = arith.mulf %gather3A_564, %get3A_50 : vector<16xf32>
      %add3A_571 = arith.addf %add3A_569, %mul3A_570 : vector<16xf32>
      %add3A_572 = arith.addf %add3A_571, %get3A_52 : vector<16xf32>
      %neg3A_573 = arith.constant 0.000000e+00 : f32
      %neg3A_574 = vector.broadcast %neg3A_573 : f32 to vector<16xf32>
      %neg3A_575 = arith.subf %neg3A_574, %add3A_572 : vector<16xf32>
      %jit3A_576 = arith.constant -8.700000e+01 : f32
      %jit3A_577 = arith.constant 8.800000e+01 : f32
      %max3A_578 = vector.broadcast %jit3A_576 : f32 to vector<16xf32>
      %max3A_579 = arith.maximumf %max3A_578, %neg3A_575 : vector<16xf32>
      %min3A_580 = vector.broadcast %jit3A_577 : f32 to vector<16xf32>
      %min3A_581 = arith.minimumf %min3A_580, %max3A_579 : vector<16xf32>
      %mul3A_582 = arith.constant 1.44269502 : f32
      %mul3A_583 = vector.broadcast %mul3A_582 : f32 to vector<16xf32>
      %mul3A_584 = arith.mulf %min3A_581, %mul3A_583 : vector<16xf32>
      %add3A_585 = arith.constant 0x4B400000 : f32
      %add3A_586 = vector.broadcast %add3A_585 : f32 to vector<16xf32>
      %add3A_587 = arith.addf %mul3A_584, %add3A_586 : vector<16xf32>
      %sub3A_588 = arith.constant 0x4B400000 : f32
      %sub3A_589 = vector.broadcast %sub3A_588 : f32 to vector<16xf32>
      %sub3A_590 = arith.subf %add3A_587, %sub3A_589 : vector<16xf32>
      %convert_element_type3A_591 = arith.fptosi %sub3A_590 : vector<16xf32> to vector<16xi32>
      %mul3A_592 = arith.constant 0.693359375 : f32
      %mul3A_593 = vector.broadcast %mul3A_592 : f32 to vector<16xf32>
      %mul3A_594 = arith.mulf %sub3A_590, %mul3A_593 : vector<16xf32>
      %sub3A_595 = arith.subf %min3A_581, %mul3A_594 : vector<16xf32>
      %mul3A_596 = arith.constant -2.12194442E-4 : f32
      %mul3A_597 = vector.broadcast %mul3A_596 : f32 to vector<16xf32>
      %mul3A_598 = arith.mulf %sub3A_590, %mul3A_597 : vector<16xf32>
      %sub3A_599 = arith.subf %sub3A_595, %mul3A_598 : vector<16xf32>
      %mul3A_600 = arith.constant 0.00138888892 : f32
      %mul3A_601 = vector.broadcast %mul3A_600 : f32 to vector<16xf32>
      %mul3A_602 = arith.mulf %mul3A_601, %sub3A_599 : vector<16xf32>
      %add3A_603 = arith.constant 0.00833333377 : f32
      %add3A_604 = vector.broadcast %add3A_603 : f32 to vector<16xf32>
      %add3A_605 = arith.addf %mul3A_602, %add3A_604 : vector<16xf32>
      %mul3A_606 = arith.mulf %add3A_605, %sub3A_599 : vector<16xf32>
      %add3A_607 = arith.constant 0.0416666679 : f32
      %add3A_608 = vector.broadcast %add3A_607 : f32 to vector<16xf32>
      %add3A_609 = arith.addf %mul3A_606, %add3A_608 : vector<16xf32>
      %mul3A_610 = arith.mulf %add3A_609, %sub3A_599 : vector<16xf32>
      %add3A_611 = arith.constant 0.166666672 : f32
      %add3A_612 = vector.broadcast %add3A_611 : f32 to vector<16xf32>
      %add3A_613 = arith.addf %mul3A_610, %add3A_612 : vector<16xf32>
      %mul3A_614 = arith.mulf %add3A_613, %sub3A_599 : vector<16xf32>
      %add3A_615 = arith.constant 5.000000e-01 : f32
      %add3A_616 = vector.broadcast %add3A_615 : f32 to vector<16xf32>
      %add3A_617 = arith.addf %mul3A_614, %add3A_616 : vector<16xf32>
      %mul3A_618 = arith.mulf %add3A_617, %sub3A_599 : vector<16xf32>
      %add3A_619 = arith.constant 1.000000e+00 : f32
      %add3A_620 = vector.broadcast %add3A_619 : f32 to vector<16xf32>
      %add3A_621 = arith.addf %mul3A_618, %add3A_620 : vector<16xf32>
      %mul3A_622 = arith.mulf %add3A_621, %sub3A_599 : vector<16xf32>
      %add3A_623 = arith.constant 1.000000e+00 : f32
      %add3A_624 = vector.broadcast %add3A_623 : f32 to vector<16xf32>
      %add3A_625 = arith.addf %mul3A_622, %add3A_624 : vector<16xf32>
      %add3A_626 = arith.constant 127 : i32
      %add3A_627 = vector.broadcast %add3A_626 : i32 to vector<16xi32>
      %add3A_628 = arith.addi %convert_element_type3A_591, %add3A_627 : vector<16xi32>
      %shift_left3A_629 = arith.constant 23 : i32
      %shift_left3A_630 = vector.broadcast %shift_left3A_629 : i32 to vector<16xi32>
      %shift_left3A_631 = arith.shli %add3A_628, %shift_left3A_630 : vector<16xi32>
      %bitcast_convert_type3A_632 = tpu.bitcast %shift_left3A_631 : vector<16xi32> -> vector<16xf32>
      %mul3A_633 = arith.mulf %add3A_625, %bitcast_convert_type3A_632 : vector<16xf32>
      %add3A_634 = arith.constant 1.000000e+00 : f32
      %add3A_635 = vector.broadcast %add3A_634 : f32 to vector<16xf32>
      %add3A_636 = arith.addf %add3A_635, %mul3A_633 : vector<16xf32>
      %div3A_637 = arith.constant 1.000000e+00 : f32
      %div3A_638 = vector.broadcast %div3A_637 : f32 to vector<16xf32>
      %div3A_639 = arith.divf %div3A_638, %add3A_636 : vector<16xf32>
      %mul3A_640 = arith.mulf %add3A_636, %div3A_639 : vector<16xf32>
      %sub3A_641 = arith.constant 2.000000e+00 : f32
      %sub3A_642 = vector.broadcast %sub3A_641 : f32 to vector<16xf32>
      %sub3A_643 = arith.subf %sub3A_642, %mul3A_640 : vector<16xf32>
      %mul3A_644 = arith.mulf %div3A_639, %sub3A_643 : vector<16xf32>
      %mul3A_645 = arith.mulf %add3A_636, %mul3A_644 : vector<16xf32>
      %sub3A_646 = arith.constant 2.000000e+00 : f32
      %sub3A_647 = vector.broadcast %sub3A_646 : f32 to vector<16xf32>
      %sub3A_648 = arith.subf %sub3A_647, %mul3A_645 : vector<16xf32>
      %mul3A_649 = arith.mulf %mul3A_644, %sub3A_648 : vector<16xf32>
      %lt3A_650 = arith.constant 63 : i32
      %lt3A_651 = vector.broadcast %lt3A_650 : i32 to vector<16xi32>
      %lt3A_652 = arith.cmpi slt, %add3A_543, %lt3A_651 : vector<16xi32>
      %and3A_653 = vector.broadcast %or3A : i1 to vector<16xi1>
      %and3A_654 = arith.andi %lt3A_652, %and3A_653 : vector<16xi1>
      %jit3A_655 = arith.constant 0.000000e+00 : f32
      %broadcast_in_dim3A_656 = vector.broadcast %jit3A_655 : f32 to vector<16xf32>
      %select_n3A_657 = arith.select %and3A_654, %mul3A_649, %broadcast_in_dim3A_656 : vector<16xi1>, vector<16xf32>
      %ge3A_658 = arith.constant 1.86078427E-11 : f32
      %ge3A_659 = vector.broadcast %ge3A_658 : f32 to vector<16xf32>
      %ge3A_660 = arith.cmpf oge, %select_n3A_657, %ge3A_659 : vector<16xf32>
      %ge3A_661 = arith.constant 8.990010e-12 : f32
      %ge3A_662 = vector.broadcast %ge3A_661 : f32 to vector<16xf32>
      %ge3A_663 = arith.cmpf oge, %select_n3A_657, %ge3A_662 : vector<16xf32>
      %lt3A_664 = arith.constant 1.86078427E-11 : f32
      %lt3A_665 = vector.broadcast %lt3A_664 : f32 to vector<16xf32>
      %lt3A_666 = arith.cmpf olt, %select_n3A_657, %lt3A_665 : vector<16xf32>
      %and3A_667 = arith.andi %ge3A_663, %lt3A_666 : vector<16xi1>
      %add3A_668 = arith.addf %add3A_524, %select_n3A_657 : vector<16xf32>
      %jit3A_669 = arith.constant 0.000000e+00 : f32
      %broadcast_in_dim3A_670 = vector.broadcast %jit3A_669 : f32 to vector<16xf32>
      %select_n3A_671 = arith.select %ge3A_660, %select_n3A_657, %broadcast_in_dim3A_670 : vector<16xi1>, vector<16xf32>
      %add3A_672 = arith.addf %add3A_528, %select_n3A_671 : vector<16xf32>
      %jit3A_673 = arith.constant 1.000000e+00 : f32
      %jit3A_674 = arith.constant 0.000000e+00 : f32
      %broadcast_in_dim3A_675 = vector.broadcast %jit3A_673 : f32 to vector<16xf32>
      %broadcast_in_dim3A_676 = vector.broadcast %jit3A_674 : f32 to vector<16xf32>
      %select_n3A_677 = arith.select %ge3A_660, %broadcast_in_dim3A_675, %broadcast_in_dim3A_676 : vector<16xi1>, vector<16xf32>
      %add3A_678 = arith.addf %add3A_534, %select_n3A_677 : vector<16xf32>
      %jit3A_679 = arith.constant 1.000000e+00 : f32
      %jit3A_680 = arith.constant 0.000000e+00 : f32
      %broadcast_in_dim3A_681 = vector.broadcast %jit3A_679 : f32 to vector<16xf32>
      %broadcast_in_dim3A_682 = vector.broadcast %jit3A_680 : f32 to vector<16xf32>
      %select_n3A_683 = arith.select %and3A_667, %broadcast_in_dim3A_681, %broadcast_in_dim3A_682 : vector<16xi1>, vector<16xf32>
      %add3A_684 = arith.addf %add3A_540, %select_n3A_683 : vector<16xf32>
      scf.yield %add3A_668, %add3A_672, %add3A_678, %add3A_684 : vector<16xf32>, vector<16xf32>, vector<16xf32>, vector<16xf32>
    }
    %scan3A_60 = arith.constant 16 : i32
    %eq3A_61 = arith.constant 0 : i32
    %eq3A_62 = vector.broadcast %eq3A_61 : i32 to vector<16xi32>
    %eq3A_63 = arith.cmpi eq, %iota3A, %eq3A_62 : vector<16xi32>
    %reduce_sum3A = arith.constant true
    %reduce_sum3A_64 = vector.broadcast %reduce_sum3A : i1 to vector<16xi1>
    %reduce_sum3A_65 = tpu.scan <sum>, %scan3A_59#0 masked %reduce_sum3A_64 : vector<16xf32>, vector<16xi1> -> vector<16xf32>
    %reduce_sum3A_66 = vector.extract %reduce_sum3A_65[15] : f32 from vector<16xf32>
    %eq3A_67 = arith.constant 1 : i32
    %eq3A_68 = vector.broadcast %eq3A_67 : i32 to vector<16xi32>
    %eq3A_69 = arith.cmpi eq, %iota3A, %eq3A_68 : vector<16xi32>
    %reduce_sum3A_70 = arith.constant true
    %reduce_sum3A_71 = vector.broadcast %reduce_sum3A_70 : i1 to vector<16xi1>
    %reduce_sum3A_72 = tpu.scan <sum>, %scan3A_59#1 masked %reduce_sum3A_71 : vector<16xf32>, vector<16xi1> -> vector<16xf32>
    %reduce_sum3A_73 = vector.extract %reduce_sum3A_72[15] : f32 from vector<16xf32>
    %eq3A_74 = arith.constant 2 : i32
    %eq3A_75 = vector.broadcast %eq3A_74 : i32 to vector<16xi32>
    %eq3A_76 = arith.cmpi eq, %iota3A, %eq3A_75 : vector<16xi32>
    %reduce_sum3A_77 = arith.constant true
    %reduce_sum3A_78 = vector.broadcast %reduce_sum3A_77 : i1 to vector<16xi1>
    %reduce_sum3A_79 = tpu.scan <sum>, %scan3A_59#2 masked %reduce_sum3A_78 : vector<16xf32>, vector<16xi1> -> vector<16xf32>
    %reduce_sum3A_80 = vector.extract %reduce_sum3A_79[15] : f32 from vector<16xf32>
    %eq3A_81 = arith.constant 3 : i32
    %eq3A_82 = vector.broadcast %eq3A_81 : i32 to vector<16xi32>
    %eq3A_83 = arith.cmpi eq, %iota3A, %eq3A_82 : vector<16xi32>
    %reduce_sum3A_84 = arith.constant true
    %reduce_sum3A_85 = vector.broadcast %reduce_sum3A_84 : i1 to vector<16xi1>
    %reduce_sum3A_86 = tpu.scan <sum>, %scan3A_59#3 masked %reduce_sum3A_85 : vector<16xf32>, vector<16xi1> -> vector<16xf32>
    %reduce_sum3A_87 = vector.extract %reduce_sum3A_86[15] : f32 from vector<16xf32>
    %jit3A_88 = arith.constant 0.000000e+00 : f32
    %broadcast_in_dim3A_89 = vector.broadcast %reduce_sum3A_87 : f32 to vector<16xf32>
    %broadcast_in_dim3A_90 = vector.broadcast %jit3A_88 : f32 to vector<16xf32>
    %select_n3A_91 = arith.select %eq3A_83, %broadcast_in_dim3A_89, %broadcast_in_dim3A_90 : vector<16xi1>, vector<16xf32>
    %broadcast_in_dim3A_92 = vector.broadcast %reduce_sum3A_80 : f32 to vector<16xf32>
    %select_n3A_93 = arith.select %eq3A_76, %broadcast_in_dim3A_92, %select_n3A_91 : vector<16xi1>, vector<16xf32>
    %broadcast_in_dim3A_94 = vector.broadcast %reduce_sum3A_73 : f32 to vector<16xf32>
    %select_n3A_95 = arith.select %eq3A_69, %broadcast_in_dim3A_94, %select_n3A_93 : vector<16xi1>, vector<16xf32>
    %broadcast_in_dim3A_96 = vector.broadcast %reduce_sum3A_66 : f32 to vector<16xf32>
    %select_n3A_97 = arith.select %eq3A_63, %broadcast_in_dim3A_96, %select_n3A_95 : vector<16xi1>, vector<16xf32>
    %swap3A = arith.constant 0 : index
    %swap3A_98 = tpu.vector_load %arg7[%swap3A] {strides = array<i32>} : memref<16xf32, #tpu.memory_space<vmem>>, vector<16xf32>,
    tpu.vector_store %arg7[%swap3A], %select_n3A_97 {strides = array<i32>} : memref<16xf32, #tpu.memory_space<vmem>>, vector<16xf32>,
    %mul3A_99 = arith.constant 16 : i32
    %mul3A_100 = arith.muli %arg1, %mul3A_99 : i32
    "tpu.region"() ({
      %run_scoped3A = tpu.sem_alloc : memref<!tpu.dma_semaphore, #tpu.memory_space<semaphore_mem>>
      %dma_start3A = tpu.memref_slice %arg12[%mul3A_100] : memref<256xf32, #tpu.memory_space<vmem_shared>> -> memref<16xf32, #tpu.memory_space<vmem_shared>>
      %dma_start3A_106 = tpu.memref_slice %arg12[%mul3A_100] : memref<256xf32, #tpu.memory_space<vmem_shared>> -> memref<16xf32, #tpu.memory_space<vmem_shared>>
      tpu.enqueue_dma source(%arg7 : memref<16xf32, #tpu.memory_space<vmem>>) target(%dma_start3A_106 : memref<16xf32, #tpu.memory_space<vmem_shared>>) target_semaphore(%run_scoped3A : memref<!tpu.dma_semaphore, #tpu.memory_space<semaphore_mem>>)
      %dma_wait3A = tpu.memref_slice %arg12[%mul3A_100] : memref<256xf32, #tpu.memory_space<vmem_shared>> -> memref<16xf32, #tpu.memory_space<vmem_shared>>
      %dma_wait3A_107 = tpu.memref_slice %arg12[%mul3A_100] : memref<256xf32, #tpu.memory_space<vmem_shared>> -> memref<16xf32, #tpu.memory_space<vmem_shared>>
      tpu.wait_dma2 semaphore(%run_scoped3A : memref<!tpu.dma_semaphore, #tpu.memory_space<semaphore_mem>>) src(%arg7 : memref<16xf32, #tpu.memory_space<vmem>>) dst(%dma_wait3A_107 : memref<16xf32, #tpu.memory_space<vmem_shared>>)
      tpu.yield
    }) : () -> ()
    %barrier3A = arith.constant 0 : index
    tpu.barrier barrier_id(%barrier3A)
    %eq3A_101 = arith.constant 3 : i32
    %eq3A_102 = arith.cmpi eq, %select_n3A_28, %eq3A_101 : i32
    %convert_element_type3A_103 = arith.extui %eq3A_102 : i1 to i32
    %cond3A_104 = arith.constant 0 : i32
    %cond3A_105 = arith.cmpi ne, %convert_element_type3A_103, %cond3A_104 : i32
    scf.if %cond3A_105 {
      %sub3A_106 = arith.constant 3 : i32
      %sub3A_107 = arith.subi %arg1, %sub3A_106 : i32
      %add3A_108 = arith.constant 0 : i32
      %add3A_109 = arith.addi %sub3A_107, %add3A_108 : i32
      %mul3A_110 = arith.constant 16 : i32
      %mul3A_111 = arith.muli %add3A_109, %mul3A_110 : i32
      "tpu.region"() ({
        %run_scoped3A = tpu.sem_alloc : memref<!tpu.dma_semaphore, #tpu.memory_space<semaphore_mem>>
        %dma_start3A = arith.constant 0 : i32
        %dma_start3A_168 = tpu.memref_slice %arg8[%dma_start3A] : memref<64xf32, #tpu.memory_space<vmem>> -> memref<16xf32, #tpu.memory_space<vmem>>
        %dma_start3A_169 = tpu.memref_slice %arg12[%mul3A_111] : memref<256xf32, #tpu.memory_space<vmem_shared>> -> memref<16xf32, #tpu.memory_space<vmem_shared>>
        %dma_start3A_170 = arith.constant 0 : i32
        %dma_start3A_171 = tpu.memref_slice %arg8[%dma_start3A_170] : memref<64xf32, #tpu.memory_space<vmem>> -> memref<16xf32, #tpu.memory_space<vmem>>
        %dma_start3A_172 = tpu.memref_slice %arg12[%mul3A_111] : memref<256xf32, #tpu.memory_space<vmem_shared>> -> memref<16xf32, #tpu.memory_space<vmem_shared>>
        tpu.enqueue_dma source(%dma_start3A_172 : memref<16xf32, #tpu.memory_space<vmem_shared>>) target(%dma_start3A_171 : memref<16xf32, #tpu.memory_space<vmem>>) target_semaphore(%run_scoped3A : memref<!tpu.dma_semaphore, #tpu.memory_space<semaphore_mem>>)
        %dma_wait3A = arith.constant 0 : i32
        %dma_wait3A_173 = tpu.memref_slice %arg8[%dma_wait3A] : memref<64xf32, #tpu.memory_space<vmem>> -> memref<16xf32, #tpu.memory_space<vmem>>
        %dma_wait3A_174 = tpu.memref_slice %arg12[%mul3A_111] : memref<256xf32, #tpu.memory_space<vmem_shared>> -> memref<16xf32, #tpu.memory_space<vmem_shared>>
        %dma_wait3A_175 = arith.constant 0 : i32
        %dma_wait3A_176 = tpu.memref_slice %arg8[%dma_wait3A_175] : memref<64xf32, #tpu.memory_space<vmem>> -> memref<16xf32, #tpu.memory_space<vmem>>
        %dma_wait3A_177 = tpu.memref_slice %arg12[%mul3A_111] : memref<256xf32, #tpu.memory_space<vmem_shared>> -> memref<16xf32, #tpu.memory_space<vmem_shared>>
        tpu.wait_dma2 semaphore(%run_scoped3A : memref<!tpu.dma_semaphore, #tpu.memory_space<semaphore_mem>>) src(%dma_wait3A_177 : memref<16xf32, #tpu.memory_space<vmem_shared>>) dst(%dma_wait3A_176 : memref<16xf32, #tpu.memory_space<vmem>>)
        tpu.yield
      }) : () -> ()
      %sub3A_112 = arith.constant 3 : i32
      %sub3A_113 = arith.subi %arg1, %sub3A_112 : i32
      %add3A_114 = arith.constant 1 : i32
      %add3A_115 = arith.addi %sub3A_113, %add3A_114 : i32
      %mul3A_116 = arith.constant 16 : i32
      %mul3A_117 = arith.muli %add3A_115, %mul3A_116 : i32
      "tpu.region"() ({
        %run_scoped3A = tpu.sem_alloc : memref<!tpu.dma_semaphore, #tpu.memory_space<semaphore_mem>>
        %dma_start3A = arith.constant 16 : i32
        %dma_start3A_168 = tpu.memref_slice %arg8[%dma_start3A] : memref<64xf32, #tpu.memory_space<vmem>> -> memref<16xf32, #tpu.memory_space<vmem>>
        %dma_start3A_169 = tpu.memref_slice %arg12[%mul3A_117] : memref<256xf32, #tpu.memory_space<vmem_shared>> -> memref<16xf32, #tpu.memory_space<vmem_shared>>
        %dma_start3A_170 = arith.constant 16 : i32
        %dma_start3A_171 = tpu.memref_slice %arg8[%dma_start3A_170] : memref<64xf32, #tpu.memory_space<vmem>> -> memref<16xf32, #tpu.memory_space<vmem>>
        %dma_start3A_172 = tpu.memref_slice %arg12[%mul3A_117] : memref<256xf32, #tpu.memory_space<vmem_shared>> -> memref<16xf32, #tpu.memory_space<vmem_shared>>
        tpu.enqueue_dma source(%dma_start3A_172 : memref<16xf32, #tpu.memory_space<vmem_shared>>) target(%dma_start3A_171 : memref<16xf32, #tpu.memory_space<vmem>>) target_semaphore(%run_scoped3A : memref<!tpu.dma_semaphore, #tpu.memory_space<semaphore_mem>>)
        %dma_wait3A = arith.constant 16 : i32
        %dma_wait3A_173 = tpu.memref_slice %arg8[%dma_wait3A] : memref<64xf32, #tpu.memory_space<vmem>> -> memref<16xf32, #tpu.memory_space<vmem>>
        %dma_wait3A_174 = tpu.memref_slice %arg12[%mul3A_117] : memref<256xf32, #tpu.memory_space<vmem_shared>> -> memref<16xf32, #tpu.memory_space<vmem_shared>>
        %dma_wait3A_175 = arith.constant 16 : i32
        %dma_wait3A_176 = tpu.memref_slice %arg8[%dma_wait3A_175] : memref<64xf32, #tpu.memory_space<vmem>> -> memref<16xf32, #tpu.memory_space<vmem>>
        %dma_wait3A_177 = tpu.memref_slice %arg12[%mul3A_117] : memref<256xf32, #tpu.memory_space<vmem_shared>> -> memref<16xf32, #tpu.memory_space<vmem_shared>>
        tpu.wait_dma2 semaphore(%run_scoped3A : memref<!tpu.dma_semaphore, #tpu.memory_space<semaphore_mem>>) src(%dma_wait3A_177 : memref<16xf32, #tpu.memory_space<vmem_shared>>) dst(%dma_wait3A_176 : memref<16xf32, #tpu.memory_space<vmem>>)
        tpu.yield
      }) : () -> ()
      %sub3A_118 = arith.constant 3 : i32
      %sub3A_119 = arith.subi %arg1, %sub3A_118 : i32
      %add3A_120 = arith.constant 2 : i32
      %add3A_121 = arith.addi %sub3A_119, %add3A_120 : i32
      %mul3A_122 = arith.constant 16 : i32
      %mul3A_123 = arith.muli %add3A_121, %mul3A_122 : i32
      "tpu.region"() ({
        %run_scoped3A = tpu.sem_alloc : memref<!tpu.dma_semaphore, #tpu.memory_space<semaphore_mem>>
        %dma_start3A = arith.constant 32 : i32
        %dma_start3A_168 = tpu.memref_slice %arg8[%dma_start3A] : memref<64xf32, #tpu.memory_space<vmem>> -> memref<16xf32, #tpu.memory_space<vmem>>
        %dma_start3A_169 = tpu.memref_slice %arg12[%mul3A_123] : memref<256xf32, #tpu.memory_space<vmem_shared>> -> memref<16xf32, #tpu.memory_space<vmem_shared>>
        %dma_start3A_170 = arith.constant 32 : i32
        %dma_start3A_171 = tpu.memref_slice %arg8[%dma_start3A_170] : memref<64xf32, #tpu.memory_space<vmem>> -> memref<16xf32, #tpu.memory_space<vmem>>
        %dma_start3A_172 = tpu.memref_slice %arg12[%mul3A_123] : memref<256xf32, #tpu.memory_space<vmem_shared>> -> memref<16xf32, #tpu.memory_space<vmem_shared>>
        tpu.enqueue_dma source(%dma_start3A_172 : memref<16xf32, #tpu.memory_space<vmem_shared>>) target(%dma_start3A_171 : memref<16xf32, #tpu.memory_space<vmem>>) target_semaphore(%run_scoped3A : memref<!tpu.dma_semaphore, #tpu.memory_space<semaphore_mem>>)
        %dma_wait3A = arith.constant 32 : i32
        %dma_wait3A_173 = tpu.memref_slice %arg8[%dma_wait3A] : memref<64xf32, #tpu.memory_space<vmem>> -> memref<16xf32, #tpu.memory_space<vmem>>
        %dma_wait3A_174 = tpu.memref_slice %arg12[%mul3A_123] : memref<256xf32, #tpu.memory_space<vmem_shared>> -> memref<16xf32, #tpu.memory_space<vmem_shared>>
        %dma_wait3A_175 = arith.constant 32 : i32
        %dma_wait3A_176 = tpu.memref_slice %arg8[%dma_wait3A_175] : memref<64xf32, #tpu.memory_space<vmem>> -> memref<16xf32, #tpu.memory_space<vmem>>
        %dma_wait3A_177 = tpu.memref_slice %arg12[%mul3A_123] : memref<256xf32, #tpu.memory_space<vmem_shared>> -> memref<16xf32, #tpu.memory_space<vmem_shared>>
        tpu.wait_dma2 semaphore(%run_scoped3A : memref<!tpu.dma_semaphore, #tpu.memory_space<semaphore_mem>>) src(%dma_wait3A_177 : memref<16xf32, #tpu.memory_space<vmem_shared>>) dst(%dma_wait3A_176 : memref<16xf32, #tpu.memory_space<vmem>>)
        tpu.yield
      }) : () -> ()
      %sub3A_124 = arith.constant 3 : i32
      %sub3A_125 = arith.subi %arg1, %sub3A_124 : i32
      %add3A_126 = arith.constant 3 : i32
      %add3A_127 = arith.addi %sub3A_125, %add3A_126 : i32
      %mul3A_128 = arith.constant 16 : i32
      %mul3A_129 = arith.muli %add3A_127, %mul3A_128 : i32
      "tpu.region"() ({
        %run_scoped3A = tpu.sem_alloc : memref<!tpu.dma_semaphore, #tpu.memory_space<semaphore_mem>>
        %dma_start3A = arith.constant 48 : i32
        %dma_start3A_168 = tpu.memref_slice %arg8[%dma_start3A] : memref<64xf32, #tpu.memory_space<vmem>> -> memref<16xf32, #tpu.memory_space<vmem>>
        %dma_start3A_169 = tpu.memref_slice %arg12[%mul3A_129] : memref<256xf32, #tpu.memory_space<vmem_shared>> -> memref<16xf32, #tpu.memory_space<vmem_shared>>
        %dma_start3A_170 = arith.constant 48 : i32
        %dma_start3A_171 = tpu.memref_slice %arg8[%dma_start3A_170] : memref<64xf32, #tpu.memory_space<vmem>> -> memref<16xf32, #tpu.memory_space<vmem>>
        %dma_start3A_172 = tpu.memref_slice %arg12[%mul3A_129] : memref<256xf32, #tpu.memory_space<vmem_shared>> -> memref<16xf32, #tpu.memory_space<vmem_shared>>
        tpu.enqueue_dma source(%dma_start3A_172 : memref<16xf32, #tpu.memory_space<vmem_shared>>) target(%dma_start3A_171 : memref<16xf32, #tpu.memory_space<vmem>>) target_semaphore(%run_scoped3A : memref<!tpu.dma_semaphore, #tpu.memory_space<semaphore_mem>>)
        %dma_wait3A = arith.constant 48 : i32
        %dma_wait3A_173 = tpu.memref_slice %arg8[%dma_wait3A] : memref<64xf32, #tpu.memory_space<vmem>> -> memref<16xf32, #tpu.memory_space<vmem>>
        %dma_wait3A_174 = tpu.memref_slice %arg12[%mul3A_129] : memref<256xf32, #tpu.memory_space<vmem_shared>> -> memref<16xf32, #tpu.memory_space<vmem_shared>>
        %dma_wait3A_175 = arith.constant 48 : i32
        %dma_wait3A_176 = tpu.memref_slice %arg8[%dma_wait3A_175] : memref<64xf32, #tpu.memory_space<vmem>> -> memref<16xf32, #tpu.memory_space<vmem>>
        %dma_wait3A_177 = tpu.memref_slice %arg12[%mul3A_129] : memref<256xf32, #tpu.memory_space<vmem_shared>> -> memref<16xf32, #tpu.memory_space<vmem_shared>>
        tpu.wait_dma2 semaphore(%run_scoped3A : memref<!tpu.dma_semaphore, #tpu.memory_space<semaphore_mem>>) src(%dma_wait3A_177 : memref<16xf32, #tpu.memory_space<vmem_shared>>) dst(%dma_wait3A_176 : memref<16xf32, #tpu.memory_space<vmem>>)
        tpu.yield
      }) : () -> ()
      %get3A_130 = arith.constant 0 : index
      %get3A_131 = tpu.vector_load %arg8[%get3A_130] {strides = array<i32>} : memref<64xf32, #tpu.memory_space<vmem>>, vector<16xf32>,
      %get3A_132 = arith.constant 16 : index
      %get3A_133 = tpu.vector_load %arg8[%get3A_132] {strides = array<i32>} : memref<64xf32, #tpu.memory_space<vmem>>, vector<16xf32>,
      %add3A_134 = arith.addf %get3A_131, %get3A_133 : vector<16xf32>
      %get3A_135 = arith.constant 32 : index
      %get3A_136 = tpu.vector_load %arg8[%get3A_135] {strides = array<i32>} : memref<64xf32, #tpu.memory_space<vmem>>, vector<16xf32>,
      %add3A_137 = arith.addf %add3A_134, %get3A_136 : vector<16xf32>
      %get3A_138 = arith.constant 48 : index
      %get3A_139 = tpu.vector_load %arg8[%get3A_138] {strides = array<i32>} : memref<64xf32, #tpu.memory_space<vmem>>, vector<16xf32>,
      %add3A_140 = arith.addf %add3A_137, %get3A_139 : vector<16xf32>
      %slice3A = vector.extract_strided_slice %add3A_140 {offsets = [0], sizes = [1], strides = [1]} : vector<16xf32> to vector<1xf32>
      %reshape3A = vector.extract %slice3A[0] : f32 from vector<1xf32>
      %slice3A_141 = vector.extract_strided_slice %add3A_140 {offsets = [1], sizes = [1], strides = [1]} : vector<16xf32> to vector<1xf32>
      %reshape3A_142 = vector.extract %slice3A_141[0] : f32 from vector<1xf32>
      %slice3A_143 = vector.extract_strided_slice %add3A_140 {offsets = [2], sizes = [1], strides = [1]} : vector<16xf32> to vector<1xf32>
      %reshape3A_144 = vector.extract %slice3A_143[0] : f32 from vector<1xf32>
      %slice3A_145 = vector.extract_strided_slice %add3A_140 {offsets = [3], sizes = [1], strides = [1]} : vector<16xf32> to vector<1xf32>
      %reshape3A_146 = vector.extract %slice3A_145[0] : f32 from vector<1xf32>
      %gt3A = arith.constant 0.000000e+00 : f32
      %gt3A_147 = arith.cmpf ogt, %reshape3A_146, %gt3A : f32
      %convert_element_type3A_148 = arith.extui %gt3A_147 : i1 to i32
      %cond3A_149 = arith.constant 2.51952646E-4 : f32
      %cond3A_150 = arith.constant 0 : i32
      %cond3A_151 = arith.constant 0 : i32
      %cond3A_152 = arith.cmpi ne, %convert_element_type3A_148, %cond3A_151 : i32
      %cond3A_153 = scf.if %cond3A_152 -> (f32) {
        %mul3A_168 = arith.constant 4096 : i32
        %mul3A_169 = arith.muli %add3A_30, %mul3A_168 : i32
        "tpu.region"() ({
          %run_scoped3A = tpu.sem_alloc : memref<!tpu.dma_semaphore, #tpu.memory_space<semaphore_mem>>
          %dma_start3A = tpu.memref_slice %arg2[%mul3A_169] : memref<32768xf32, #tpu.memory_space<hbm>> -> memref<4096xf32, #tpu.memory_space<hbm>>
          %dma_start3A_196 = tpu.memref_slice %arg2[%mul3A_169] : memref<32768xf32, #tpu.memory_space<hbm>> -> memref<4096xf32, #tpu.memory_space<hbm>>
          tpu.enqueue_dma source(%dma_start3A_196 : memref<4096xf32, #tpu.memory_space<hbm>>) target(%arg9 : memref<4096xf32, #tpu.memory_space<vmem>>) target_semaphore(%run_scoped3A : memref<!tpu.dma_semaphore, #tpu.memory_space<semaphore_mem>>)
          %dma_wait3A = tpu.memref_slice %arg2[%mul3A_169] : memref<32768xf32, #tpu.memory_space<hbm>> -> memref<4096xf32, #tpu.memory_space<hbm>>
          %dma_wait3A_197 = tpu.memref_slice %arg2[%mul3A_169] : memref<32768xf32, #tpu.memory_space<hbm>> -> memref<4096xf32, #tpu.memory_space<hbm>>
          tpu.wait_dma2 semaphore(%run_scoped3A : memref<!tpu.dma_semaphore, #tpu.memory_space<semaphore_mem>>) src(%dma_wait3A_197 : memref<4096xf32, #tpu.memory_space<hbm>>) dst(%arg9 : memref<4096xf32, #tpu.memory_space<vmem>>)
          tpu.yield
        }) : () -> ()
        %scan3A_170 = arith.constant 0 : i32
        %scan3A_171 = arith.constant 0 : i32
        %scan3A_172 = arith.constant 64 : i32
        %scan3A_173 = arith.addi %scan3A_171, %scan3A_172 : i32
        %scan3A_174 = arith.constant 1 : i32
        scf.for %scan3A_196 = %scan3A_171 to %scan3A_173 step %scan3A_174  : i32 {
          %mul3A_197 = arith.constant 64 : i32
          %mul3A_198 = arith.muli %scan3A_196, %mul3A_197 : i32
          %lt3A_199 = arith.constant 63 : i32
          %lt3A_200 = arith.cmpi slt, %scan3A_196, %lt3A_199 : i32
          %add3A_201 = arith.constant 0 : i32
          %add3A_202 = vector.broadcast %add3A_201 : i32 to vector<16xi32>
          %add3A_203 = arith.addi %iota3A, %add3A_202 : vector<16xi32>
          %add3A_204 = arith.constant 0 : i32
          %add3A_205 = arith.addi %mul3A_198, %add3A_204 : i32
          %add3A_206 = vector.broadcast %add3A_205 : i32 to vector<16xi32>
          %add3A_207 = arith.addi %add3A_203, %add3A_206 : vector<16xi32>
          %min3A = arith.constant 4095 : i32
          %min3A_208 = vector.broadcast %min3A : i32 to vector<16xi32>
          %min3A_209 = arith.minsi %add3A_207, %min3A_208 : vector<16xi32>
          %add3A_210 = arith.constant 1 : i32
          %add3A_211 = arith.addi %add3A_205, %add3A_210 : i32
          %add3A_212 = vector.broadcast %add3A_211 : i32 to vector<16xi32>
          %add3A_213 = arith.addi %add3A_203, %add3A_212 : vector<16xi32>
          %min3A_214 = arith.constant 4095 : i32
          %min3A_215 = vector.broadcast %min3A_214 : i32 to vector<16xi32>
          %min3A_216 = arith.minsi %add3A_213, %min3A_215 : vector<16xi32>
          %add3A_217 = arith.constant 64 : i32
          %add3A_218 = arith.addi %add3A_205, %add3A_217 : i32
          %add3A_219 = vector.broadcast %add3A_218 : i32 to vector<16xi32>
          %add3A_220 = arith.addi %add3A_203, %add3A_219 : vector<16xi32>
          %min3A_221 = arith.constant 4095 : i32
          %min3A_222 = vector.broadcast %min3A_221 : i32 to vector<16xi32>
          %min3A_223 = arith.minsi %add3A_220, %min3A_222 : vector<16xi32>
          %add3A_224 = arith.constant 65 : i32
          %add3A_225 = arith.addi %add3A_205, %add3A_224 : i32
          %add3A_226 = vector.broadcast %add3A_225 : i32 to vector<16xi32>
          %add3A_227 = arith.addi %add3A_203, %add3A_226 : vector<16xi32>
          %min3A_228 = arith.constant 4095 : i32
          %min3A_229 = vector.broadcast %min3A_228 : i32 to vector<16xi32>
          %min3A_230 = arith.minsi %add3A_227, %min3A_229 : vector<16xi32>
          %gather3A = tpu.vector_load_idx %arg9[%min3A_209] : memref<4096xf32, #tpu.memory_space<vmem>>[vector<16xi32>], vector<16xf32>,
          %gather3A_231 = tpu.vector_load_idx %arg9[%min3A_216] : memref<4096xf32, #tpu.memory_space<vmem>>[vector<16xi32>], vector<16xf32>,
          %gather3A_232 = tpu.vector_load_idx %arg9[%min3A_223] : memref<4096xf32, #tpu.memory_space<vmem>>[vector<16xi32>], vector<16xf32>,
          %gather3A_233 = tpu.vector_load_idx %arg9[%min3A_230] : memref<4096xf32, #tpu.memory_space<vmem>>[vector<16xi32>], vector<16xf32>,
          %mul3A_234 = arith.mulf %gather3A, %get3A_44 : vector<16xf32>
          %mul3A_235 = arith.mulf %gather3A_231, %get3A_46 : vector<16xf32>
          %add3A_236 = arith.addf %mul3A_234, %mul3A_235 : vector<16xf32>
          %mul3A_237 = arith.mulf %gather3A_232, %get3A_48 : vector<16xf32>
          %add3A_238 = arith.addf %add3A_236, %mul3A_237 : vector<16xf32>
          %mul3A_239 = arith.mulf %gather3A_233, %get3A_50 : vector<16xf32>
          %add3A_240 = arith.addf %add3A_238, %mul3A_239 : vector<16xf32>
          %add3A_241 = arith.addf %add3A_240, %get3A_52 : vector<16xf32>
          %neg3A = arith.constant 0.000000e+00 : f32
          %neg3A_242 = vector.broadcast %neg3A : f32 to vector<16xf32>
          %neg3A_243 = arith.subf %neg3A_242, %add3A_241 : vector<16xf32>
          %jit3A_244 = arith.constant -8.700000e+01 : f32
          %jit3A_245 = arith.constant 8.800000e+01 : f32
          %max3A = vector.broadcast %jit3A_244 : f32 to vector<16xf32>
          %max3A_246 = arith.maximumf %max3A, %neg3A_243 : vector<16xf32>
          %min3A_247 = vector.broadcast %jit3A_245 : f32 to vector<16xf32>
          %min3A_248 = arith.minimumf %min3A_247, %max3A_246 : vector<16xf32>
          %mul3A_249 = arith.constant 1.44269502 : f32
          %mul3A_250 = vector.broadcast %mul3A_249 : f32 to vector<16xf32>
          %mul3A_251 = arith.mulf %min3A_248, %mul3A_250 : vector<16xf32>
          %add3A_252 = arith.constant 0x4B400000 : f32
          %add3A_253 = vector.broadcast %add3A_252 : f32 to vector<16xf32>
          %add3A_254 = arith.addf %mul3A_251, %add3A_253 : vector<16xf32>
          %sub3A_255 = arith.constant 0x4B400000 : f32
          %sub3A_256 = vector.broadcast %sub3A_255 : f32 to vector<16xf32>
          %sub3A_257 = arith.subf %add3A_254, %sub3A_256 : vector<16xf32>
          %convert_element_type3A_258 = arith.fptosi %sub3A_257 : vector<16xf32> to vector<16xi32>
          %mul3A_259 = arith.constant 0.693359375 : f32
          %mul3A_260 = vector.broadcast %mul3A_259 : f32 to vector<16xf32>
          %mul3A_261 = arith.mulf %sub3A_257, %mul3A_260 : vector<16xf32>
          %sub3A_262 = arith.subf %min3A_248, %mul3A_261 : vector<16xf32>
          %mul3A_263 = arith.constant -2.12194442E-4 : f32
          %mul3A_264 = vector.broadcast %mul3A_263 : f32 to vector<16xf32>
          %mul3A_265 = arith.mulf %sub3A_257, %mul3A_264 : vector<16xf32>
          %sub3A_266 = arith.subf %sub3A_262, %mul3A_265 : vector<16xf32>
          %mul3A_267 = arith.constant 0.00138888892 : f32
          %mul3A_268 = vector.broadcast %mul3A_267 : f32 to vector<16xf32>
          %mul3A_269 = arith.mulf %mul3A_268, %sub3A_266 : vector<16xf32>
          %add3A_270 = arith.constant 0.00833333377 : f32
          %add3A_271 = vector.broadcast %add3A_270 : f32 to vector<16xf32>
          %add3A_272 = arith.addf %mul3A_269, %add3A_271 : vector<16xf32>
          %mul3A_273 = arith.mulf %add3A_272, %sub3A_266 : vector<16xf32>
          %add3A_274 = arith.constant 0.0416666679 : f32
          %add3A_275 = vector.broadcast %add3A_274 : f32 to vector<16xf32>
          %add3A_276 = arith.addf %mul3A_273, %add3A_275 : vector<16xf32>
          %mul3A_277 = arith.mulf %add3A_276, %sub3A_266 : vector<16xf32>
          %add3A_278 = arith.constant 0.166666672 : f32
          %add3A_279 = vector.broadcast %add3A_278 : f32 to vector<16xf32>
          %add3A_280 = arith.addf %mul3A_277, %add3A_279 : vector<16xf32>
          %mul3A_281 = arith.mulf %add3A_280, %sub3A_266 : vector<16xf32>
          %add3A_282 = arith.constant 5.000000e-01 : f32
          %add3A_283 = vector.broadcast %add3A_282 : f32 to vector<16xf32>
          %add3A_284 = arith.addf %mul3A_281, %add3A_283 : vector<16xf32>
          %mul3A_285 = arith.mulf %add3A_284, %sub3A_266 : vector<16xf32>
          %add3A_286 = arith.constant 1.000000e+00 : f32
          %add3A_287 = vector.broadcast %add3A_286 : f32 to vector<16xf32>
          %add3A_288 = arith.addf %mul3A_285, %add3A_287 : vector<16xf32>
          %mul3A_289 = arith.mulf %add3A_288, %sub3A_266 : vector<16xf32>
          %add3A_290 = arith.constant 1.000000e+00 : f32
          %add3A_291 = vector.broadcast %add3A_290 : f32 to vector<16xf32>
          %add3A_292 = arith.addf %mul3A_289, %add3A_291 : vector<16xf32>
          %add3A_293 = arith.constant 127 : i32
          %add3A_294 = vector.broadcast %add3A_293 : i32 to vector<16xi32>
          %add3A_295 = arith.addi %convert_element_type3A_258, %add3A_294 : vector<16xi32>
          %shift_left3A = arith.constant 23 : i32
          %shift_left3A_296 = vector.broadcast %shift_left3A : i32 to vector<16xi32>
          %shift_left3A_297 = arith.shli %add3A_295, %shift_left3A_296 : vector<16xi32>
          %bitcast_convert_type3A = tpu.bitcast %shift_left3A_297 : vector<16xi32> -> vector<16xf32>
          %mul3A_298 = arith.mulf %add3A_292, %bitcast_convert_type3A : vector<16xf32>
          %add3A_299 = arith.constant 1.000000e+00 : f32
          %add3A_300 = vector.broadcast %add3A_299 : f32 to vector<16xf32>
          %add3A_301 = arith.addf %add3A_300, %mul3A_298 : vector<16xf32>
          %div3A_302 = arith.constant 1.000000e+00 : f32
          %div3A_303 = vector.broadcast %div3A_302 : f32 to vector<16xf32>
          %div3A_304 = arith.divf %div3A_303, %add3A_301 : vector<16xf32>
          %mul3A_305 = arith.mulf %add3A_301, %div3A_304 : vector<16xf32>
          %sub3A_306 = arith.constant 2.000000e+00 : f32
          %sub3A_307 = vector.broadcast %sub3A_306 : f32 to vector<16xf32>
          %sub3A_308 = arith.subf %sub3A_307, %mul3A_305 : vector<16xf32>
          %mul3A_309 = arith.mulf %div3A_304, %sub3A_308 : vector<16xf32>
          %mul3A_310 = arith.mulf %add3A_301, %mul3A_309 : vector<16xf32>
          %sub3A_311 = arith.constant 2.000000e+00 : f32
          %sub3A_312 = vector.broadcast %sub3A_311 : f32 to vector<16xf32>
          %sub3A_313 = arith.subf %sub3A_312, %mul3A_310 : vector<16xf32>
          %mul3A_314 = arith.mulf %mul3A_309, %sub3A_313 : vector<16xf32>
          %lt3A_315 = arith.constant 63 : i32
          %lt3A_316 = vector.broadcast %lt3A_315 : i32 to vector<16xi32>
          %lt3A_317 = arith.cmpi slt, %add3A_203, %lt3A_316 : vector<16xi32>
          %and3A_318 = vector.broadcast %lt3A_200 : i1 to vector<16xi1>
          %and3A_319 = arith.andi %lt3A_317, %and3A_318 : vector<16xi1>
          %jit3A_320 = arith.constant 0.000000e+00 : f32
          %broadcast_in_dim3A_321 = vector.broadcast %jit3A_320 : f32 to vector<16xf32>
          %select_n3A_322 = arith.select %and3A_319, %mul3A_314, %broadcast_in_dim3A_321 : vector<16xi1>, vector<16xf32>
          %swap3A_323 = arith.index_cast %add3A_205 : i32 to index
          %swap3A_324 = tpu.vector_load %arg10[%swap3A_323] {strides = array<i32>} : memref<4096xf32, #tpu.memory_space<vmem>>, vector<16xf32>,
          tpu.vector_store %arg10[%swap3A_323], %select_n3A_322 {strides = array<i32>} : memref<4096xf32, #tpu.memory_space<vmem>>, vector<16xf32>,
          %add3A_325 = arith.constant 16 : i32
          %add3A_326 = vector.broadcast %add3A_325 : i32 to vector<16xi32>
          %add3A_327 = arith.addi %iota3A, %add3A_326 : vector<16xi32>
          %add3A_328 = arith.constant 16 : i32
          %add3A_329 = arith.addi %mul3A_198, %add3A_328 : i32
          %add3A_330 = vector.broadcast %add3A_329 : i32 to vector<16xi32>
          %add3A_331 = arith.addi %add3A_327, %add3A_330 : vector<16xi32>
          %min3A_332 = arith.constant 4095 : i32
          %min3A_333 = vector.broadcast %min3A_332 : i32 to vector<16xi32>
          %min3A_334 = arith.minsi %add3A_331, %min3A_333 : vector<16xi32>
          %add3A_335 = arith.constant 1 : i32
          %add3A_336 = arith.addi %add3A_329, %add3A_335 : i32
          %add3A_337 = vector.broadcast %add3A_336 : i32 to vector<16xi32>
          %add3A_338 = arith.addi %add3A_327, %add3A_337 : vector<16xi32>
          %min3A_339 = arith.constant 4095 : i32
          %min3A_340 = vector.broadcast %min3A_339 : i32 to vector<16xi32>
          %min3A_341 = arith.minsi %add3A_338, %min3A_340 : vector<16xi32>
          %add3A_342 = arith.constant 64 : i32
          %add3A_343 = arith.addi %add3A_329, %add3A_342 : i32
          %add3A_344 = vector.broadcast %add3A_343 : i32 to vector<16xi32>
          %add3A_345 = arith.addi %add3A_327, %add3A_344 : vector<16xi32>
          %min3A_346 = arith.constant 4095 : i32
          %min3A_347 = vector.broadcast %min3A_346 : i32 to vector<16xi32>
          %min3A_348 = arith.minsi %add3A_345, %min3A_347 : vector<16xi32>
          %add3A_349 = arith.constant 65 : i32
          %add3A_350 = arith.addi %add3A_329, %add3A_349 : i32
          %add3A_351 = vector.broadcast %add3A_350 : i32 to vector<16xi32>
          %add3A_352 = arith.addi %add3A_327, %add3A_351 : vector<16xi32>
          %min3A_353 = arith.constant 4095 : i32
          %min3A_354 = vector.broadcast %min3A_353 : i32 to vector<16xi32>
          %min3A_355 = arith.minsi %add3A_352, %min3A_354 : vector<16xi32>
          %gather3A_356 = tpu.vector_load_idx %arg9[%min3A_334] : memref<4096xf32, #tpu.memory_space<vmem>>[vector<16xi32>], vector<16xf32>,
          %gather3A_357 = tpu.vector_load_idx %arg9[%min3A_341] : memref<4096xf32, #tpu.memory_space<vmem>>[vector<16xi32>], vector<16xf32>,
          %gather3A_358 = tpu.vector_load_idx %arg9[%min3A_348] : memref<4096xf32, #tpu.memory_space<vmem>>[vector<16xi32>], vector<16xf32>,
          %gather3A_359 = tpu.vector_load_idx %arg9[%min3A_355] : memref<4096xf32, #tpu.memory_space<vmem>>[vector<16xi32>], vector<16xf32>,
          %mul3A_360 = arith.mulf %gather3A_356, %get3A_44 : vector<16xf32>
          %mul3A_361 = arith.mulf %gather3A_357, %get3A_46 : vector<16xf32>
          %add3A_362 = arith.addf %mul3A_360, %mul3A_361 : vector<16xf32>
          %mul3A_363 = arith.mulf %gather3A_358, %get3A_48 : vector<16xf32>
          %add3A_364 = arith.addf %add3A_362, %mul3A_363 : vector<16xf32>
          %mul3A_365 = arith.mulf %gather3A_359, %get3A_50 : vector<16xf32>
          %add3A_366 = arith.addf %add3A_364, %mul3A_365 : vector<16xf32>
          %add3A_367 = arith.addf %add3A_366, %get3A_52 : vector<16xf32>
          %neg3A_368 = arith.constant 0.000000e+00 : f32
          %neg3A_369 = vector.broadcast %neg3A_368 : f32 to vector<16xf32>
          %neg3A_370 = arith.subf %neg3A_369, %add3A_367 : vector<16xf32>
          %jit3A_371 = arith.constant -8.700000e+01 : f32
          %jit3A_372 = arith.constant 8.800000e+01 : f32
          %max3A_373 = vector.broadcast %jit3A_371 : f32 to vector<16xf32>
          %max3A_374 = arith.maximumf %max3A_373, %neg3A_370 : vector<16xf32>
          %min3A_375 = vector.broadcast %jit3A_372 : f32 to vector<16xf32>
          %min3A_376 = arith.minimumf %min3A_375, %max3A_374 : vector<16xf32>
          %mul3A_377 = arith.constant 1.44269502 : f32
          %mul3A_378 = vector.broadcast %mul3A_377 : f32 to vector<16xf32>
          %mul3A_379 = arith.mulf %min3A_376, %mul3A_378 : vector<16xf32>
          %add3A_380 = arith.constant 0x4B400000 : f32
          %add3A_381 = vector.broadcast %add3A_380 : f32 to vector<16xf32>
          %add3A_382 = arith.addf %mul3A_379, %add3A_381 : vector<16xf32>
          %sub3A_383 = arith.constant 0x4B400000 : f32
          %sub3A_384 = vector.broadcast %sub3A_383 : f32 to vector<16xf32>
          %sub3A_385 = arith.subf %add3A_382, %sub3A_384 : vector<16xf32>
          %convert_element_type3A_386 = arith.fptosi %sub3A_385 : vector<16xf32> to vector<16xi32>
          %mul3A_387 = arith.constant 0.693359375 : f32
          %mul3A_388 = vector.broadcast %mul3A_387 : f32 to vector<16xf32>
          %mul3A_389 = arith.mulf %sub3A_385, %mul3A_388 : vector<16xf32>
          %sub3A_390 = arith.subf %min3A_376, %mul3A_389 : vector<16xf32>
          %mul3A_391 = arith.constant -2.12194442E-4 : f32
          %mul3A_392 = vector.broadcast %mul3A_391 : f32 to vector<16xf32>
          %mul3A_393 = arith.mulf %sub3A_385, %mul3A_392 : vector<16xf32>
          %sub3A_394 = arith.subf %sub3A_390, %mul3A_393 : vector<16xf32>
          %mul3A_395 = arith.constant 0.00138888892 : f32
          %mul3A_396 = vector.broadcast %mul3A_395 : f32 to vector<16xf32>
          %mul3A_397 = arith.mulf %mul3A_396, %sub3A_394 : vector<16xf32>
          %add3A_398 = arith.constant 0.00833333377 : f32
          %add3A_399 = vector.broadcast %add3A_398 : f32 to vector<16xf32>
          %add3A_400 = arith.addf %mul3A_397, %add3A_399 : vector<16xf32>
          %mul3A_401 = arith.mulf %add3A_400, %sub3A_394 : vector<16xf32>
          %add3A_402 = arith.constant 0.0416666679 : f32
          %add3A_403 = vector.broadcast %add3A_402 : f32 to vector<16xf32>
          %add3A_404 = arith.addf %mul3A_401, %add3A_403 : vector<16xf32>
          %mul3A_405 = arith.mulf %add3A_404, %sub3A_394 : vector<16xf32>
          %add3A_406 = arith.constant 0.166666672 : f32
          %add3A_407 = vector.broadcast %add3A_406 : f32 to vector<16xf32>
          %add3A_408 = arith.addf %mul3A_405, %add3A_407 : vector<16xf32>
          %mul3A_409 = arith.mulf %add3A_408, %sub3A_394 : vector<16xf32>
          %add3A_410 = arith.constant 5.000000e-01 : f32
          %add3A_411 = vector.broadcast %add3A_410 : f32 to vector<16xf32>
          %add3A_412 = arith.addf %mul3A_409, %add3A_411 : vector<16xf32>
          %mul3A_413 = arith.mulf %add3A_412, %sub3A_394 : vector<16xf32>
          %add3A_414 = arith.constant 1.000000e+00 : f32
          %add3A_415 = vector.broadcast %add3A_414 : f32 to vector<16xf32>
          %add3A_416 = arith.addf %mul3A_413, %add3A_415 : vector<16xf32>
          %mul3A_417 = arith.mulf %add3A_416, %sub3A_394 : vector<16xf32>
          %add3A_418 = arith.constant 1.000000e+00 : f32
          %add3A_419 = vector.broadcast %add3A_418 : f32 to vector<16xf32>
          %add3A_420 = arith.addf %mul3A_417, %add3A_419 : vector<16xf32>
          %add3A_421 = arith.constant 127 : i32
          %add3A_422 = vector.broadcast %add3A_421 : i32 to vector<16xi32>
          %add3A_423 = arith.addi %convert_element_type3A_386, %add3A_422 : vector<16xi32>
          %shift_left3A_424 = arith.constant 23 : i32
          %shift_left3A_425 = vector.broadcast %shift_left3A_424 : i32 to vector<16xi32>
          %shift_left3A_426 = arith.shli %add3A_423, %shift_left3A_425 : vector<16xi32>
          %bitcast_convert_type3A_427 = tpu.bitcast %shift_left3A_426 : vector<16xi32> -> vector<16xf32>
          %mul3A_428 = arith.mulf %add3A_420, %bitcast_convert_type3A_427 : vector<16xf32>
          %add3A_429 = arith.constant 1.000000e+00 : f32
          %add3A_430 = vector.broadcast %add3A_429 : f32 to vector<16xf32>
          %add3A_431 = arith.addf %add3A_430, %mul3A_428 : vector<16xf32>
          %div3A_432 = arith.constant 1.000000e+00 : f32
          %div3A_433 = vector.broadcast %div3A_432 : f32 to vector<16xf32>
          %div3A_434 = arith.divf %div3A_433, %add3A_431 : vector<16xf32>
          %mul3A_435 = arith.mulf %add3A_431, %div3A_434 : vector<16xf32>
          %sub3A_436 = arith.constant 2.000000e+00 : f32
          %sub3A_437 = vector.broadcast %sub3A_436 : f32 to vector<16xf32>
          %sub3A_438 = arith.subf %sub3A_437, %mul3A_435 : vector<16xf32>
          %mul3A_439 = arith.mulf %div3A_434, %sub3A_438 : vector<16xf32>
          %mul3A_440 = arith.mulf %add3A_431, %mul3A_439 : vector<16xf32>
          %sub3A_441 = arith.constant 2.000000e+00 : f32
          %sub3A_442 = vector.broadcast %sub3A_441 : f32 to vector<16xf32>
          %sub3A_443 = arith.subf %sub3A_442, %mul3A_440 : vector<16xf32>
          %mul3A_444 = arith.mulf %mul3A_439, %sub3A_443 : vector<16xf32>
          %lt3A_445 = arith.constant 63 : i32
          %lt3A_446 = vector.broadcast %lt3A_445 : i32 to vector<16xi32>
          %lt3A_447 = arith.cmpi slt, %add3A_327, %lt3A_446 : vector<16xi32>
          %and3A_448 = vector.broadcast %lt3A_200 : i1 to vector<16xi1>
          %and3A_449 = arith.andi %lt3A_447, %and3A_448 : vector<16xi1>
          %jit3A_450 = arith.constant 0.000000e+00 : f32
          %broadcast_in_dim3A_451 = vector.broadcast %jit3A_450 : f32 to vector<16xf32>
          %select_n3A_452 = arith.select %and3A_449, %mul3A_444, %broadcast_in_dim3A_451 : vector<16xi1>, vector<16xf32>
          %swap3A_453 = arith.index_cast %add3A_329 : i32 to index
          %swap3A_454 = tpu.vector_load %arg10[%swap3A_453] {strides = array<i32>} : memref<4096xf32, #tpu.memory_space<vmem>>, vector<16xf32>,
          tpu.vector_store %arg10[%swap3A_453], %select_n3A_452 {strides = array<i32>} : memref<4096xf32, #tpu.memory_space<vmem>>, vector<16xf32>,
          %add3A_455 = arith.constant 32 : i32
          %add3A_456 = vector.broadcast %add3A_455 : i32 to vector<16xi32>
          %add3A_457 = arith.addi %iota3A, %add3A_456 : vector<16xi32>
          %add3A_458 = arith.constant 32 : i32
          %add3A_459 = arith.addi %mul3A_198, %add3A_458 : i32
          %add3A_460 = vector.broadcast %add3A_459 : i32 to vector<16xi32>
          %add3A_461 = arith.addi %add3A_457, %add3A_460 : vector<16xi32>
          %min3A_462 = arith.constant 4095 : i32
          %min3A_463 = vector.broadcast %min3A_462 : i32 to vector<16xi32>
          %min3A_464 = arith.minsi %add3A_461, %min3A_463 : vector<16xi32>
          %add3A_465 = arith.constant 1 : i32
          %add3A_466 = arith.addi %add3A_459, %add3A_465 : i32
          %add3A_467 = vector.broadcast %add3A_466 : i32 to vector<16xi32>
          %add3A_468 = arith.addi %add3A_457, %add3A_467 : vector<16xi32>
          %min3A_469 = arith.constant 4095 : i32
          %min3A_470 = vector.broadcast %min3A_469 : i32 to vector<16xi32>
          %min3A_471 = arith.minsi %add3A_468, %min3A_470 : vector<16xi32>
          %add3A_472 = arith.constant 64 : i32
          %add3A_473 = arith.addi %add3A_459, %add3A_472 : i32
          %add3A_474 = vector.broadcast %add3A_473 : i32 to vector<16xi32>
          %add3A_475 = arith.addi %add3A_457, %add3A_474 : vector<16xi32>
          %min3A_476 = arith.constant 4095 : i32
          %min3A_477 = vector.broadcast %min3A_476 : i32 to vector<16xi32>
          %min3A_478 = arith.minsi %add3A_475, %min3A_477 : vector<16xi32>
          %add3A_479 = arith.constant 65 : i32
          %add3A_480 = arith.addi %add3A_459, %add3A_479 : i32
          %add3A_481 = vector.broadcast %add3A_480 : i32 to vector<16xi32>
          %add3A_482 = arith.addi %add3A_457, %add3A_481 : vector<16xi32>
          %min3A_483 = arith.constant 4095 : i32
          %min3A_484 = vector.broadcast %min3A_483 : i32 to vector<16xi32>
          %min3A_485 = arith.minsi %add3A_482, %min3A_484 : vector<16xi32>
          %gather3A_486 = tpu.vector_load_idx %arg9[%min3A_464] : memref<4096xf32, #tpu.memory_space<vmem>>[vector<16xi32>], vector<16xf32>,
          %gather3A_487 = tpu.vector_load_idx %arg9[%min3A_471] : memref<4096xf32, #tpu.memory_space<vmem>>[vector<16xi32>], vector<16xf32>,
          %gather3A_488 = tpu.vector_load_idx %arg9[%min3A_478] : memref<4096xf32, #tpu.memory_space<vmem>>[vector<16xi32>], vector<16xf32>,
          %gather3A_489 = tpu.vector_load_idx %arg9[%min3A_485] : memref<4096xf32, #tpu.memory_space<vmem>>[vector<16xi32>], vector<16xf32>,
          %mul3A_490 = arith.mulf %gather3A_486, %get3A_44 : vector<16xf32>
          %mul3A_491 = arith.mulf %gather3A_487, %get3A_46 : vector<16xf32>
          %add3A_492 = arith.addf %mul3A_490, %mul3A_491 : vector<16xf32>
          %mul3A_493 = arith.mulf %gather3A_488, %get3A_48 : vector<16xf32>
          %add3A_494 = arith.addf %add3A_492, %mul3A_493 : vector<16xf32>
          %mul3A_495 = arith.mulf %gather3A_489, %get3A_50 : vector<16xf32>
          %add3A_496 = arith.addf %add3A_494, %mul3A_495 : vector<16xf32>
          %add3A_497 = arith.addf %add3A_496, %get3A_52 : vector<16xf32>
          %neg3A_498 = arith.constant 0.000000e+00 : f32
          %neg3A_499 = vector.broadcast %neg3A_498 : f32 to vector<16xf32>
          %neg3A_500 = arith.subf %neg3A_499, %add3A_497 : vector<16xf32>
          %jit3A_501 = arith.constant -8.700000e+01 : f32
          %jit3A_502 = arith.constant 8.800000e+01 : f32
          %max3A_503 = vector.broadcast %jit3A_501 : f32 to vector<16xf32>
          %max3A_504 = arith.maximumf %max3A_503, %neg3A_500 : vector<16xf32>
          %min3A_505 = vector.broadcast %jit3A_502 : f32 to vector<16xf32>
          %min3A_506 = arith.minimumf %min3A_505, %max3A_504 : vector<16xf32>
          %mul3A_507 = arith.constant 1.44269502 : f32
          %mul3A_508 = vector.broadcast %mul3A_507 : f32 to vector<16xf32>
          %mul3A_509 = arith.mulf %min3A_506, %mul3A_508 : vector<16xf32>
          %add3A_510 = arith.constant 0x4B400000 : f32
          %add3A_511 = vector.broadcast %add3A_510 : f32 to vector<16xf32>
          %add3A_512 = arith.addf %mul3A_509, %add3A_511 : vector<16xf32>
          %sub3A_513 = arith.constant 0x4B400000 : f32
          %sub3A_514 = vector.broadcast %sub3A_513 : f32 to vector<16xf32>
          %sub3A_515 = arith.subf %add3A_512, %sub3A_514 : vector<16xf32>
          %convert_element_type3A_516 = arith.fptosi %sub3A_515 : vector<16xf32> to vector<16xi32>
          %mul3A_517 = arith.constant 0.693359375 : f32
          %mul3A_518 = vector.broadcast %mul3A_517 : f32 to vector<16xf32>
          %mul3A_519 = arith.mulf %sub3A_515, %mul3A_518 : vector<16xf32>
          %sub3A_520 = arith.subf %min3A_506, %mul3A_519 : vector<16xf32>
          %mul3A_521 = arith.constant -2.12194442E-4 : f32
          %mul3A_522 = vector.broadcast %mul3A_521 : f32 to vector<16xf32>
          %mul3A_523 = arith.mulf %sub3A_515, %mul3A_522 : vector<16xf32>
          %sub3A_524 = arith.subf %sub3A_520, %mul3A_523 : vector<16xf32>
          %mul3A_525 = arith.constant 0.00138888892 : f32
          %mul3A_526 = vector.broadcast %mul3A_525 : f32 to vector<16xf32>
          %mul3A_527 = arith.mulf %mul3A_526, %sub3A_524 : vector<16xf32>
          %add3A_528 = arith.constant 0.00833333377 : f32
          %add3A_529 = vector.broadcast %add3A_528 : f32 to vector<16xf32>
          %add3A_530 = arith.addf %mul3A_527, %add3A_529 : vector<16xf32>
          %mul3A_531 = arith.mulf %add3A_530, %sub3A_524 : vector<16xf32>
          %add3A_532 = arith.constant 0.0416666679 : f32
          %add3A_533 = vector.broadcast %add3A_532 : f32 to vector<16xf32>
          %add3A_534 = arith.addf %mul3A_531, %add3A_533 : vector<16xf32>
          %mul3A_535 = arith.mulf %add3A_534, %sub3A_524 : vector<16xf32>
          %add3A_536 = arith.constant 0.166666672 : f32
          %add3A_537 = vector.broadcast %add3A_536 : f32 to vector<16xf32>
          %add3A_538 = arith.addf %mul3A_535, %add3A_537 : vector<16xf32>
          %mul3A_539 = arith.mulf %add3A_538, %sub3A_524 : vector<16xf32>
          %add3A_540 = arith.constant 5.000000e-01 : f32
          %add3A_541 = vector.broadcast %add3A_540 : f32 to vector<16xf32>
          %add3A_542 = arith.addf %mul3A_539, %add3A_541 : vector<16xf32>
          %mul3A_543 = arith.mulf %add3A_542, %sub3A_524 : vector<16xf32>
          %add3A_544 = arith.constant 1.000000e+00 : f32
          %add3A_545 = vector.broadcast %add3A_544 : f32 to vector<16xf32>
          %add3A_546 = arith.addf %mul3A_543, %add3A_545 : vector<16xf32>
          %mul3A_547 = arith.mulf %add3A_546, %sub3A_524 : vector<16xf32>
          %add3A_548 = arith.constant 1.000000e+00 : f32
          %add3A_549 = vector.broadcast %add3A_548 : f32 to vector<16xf32>
          %add3A_550 = arith.addf %mul3A_547, %add3A_549 : vector<16xf32>
          %add3A_551 = arith.constant 127 : i32
          %add3A_552 = vector.broadcast %add3A_551 : i32 to vector<16xi32>
          %add3A_553 = arith.addi %convert_element_type3A_516, %add3A_552 : vector<16xi32>
          %shift_left3A_554 = arith.constant 23 : i32
          %shift_left3A_555 = vector.broadcast %shift_left3A_554 : i32 to vector<16xi32>
          %shift_left3A_556 = arith.shli %add3A_553, %shift_left3A_555 : vector<16xi32>
          %bitcast_convert_type3A_557 = tpu.bitcast %shift_left3A_556 : vector<16xi32> -> vector<16xf32>
          %mul3A_558 = arith.mulf %add3A_550, %bitcast_convert_type3A_557 : vector<16xf32>
          %add3A_559 = arith.constant 1.000000e+00 : f32
          %add3A_560 = vector.broadcast %add3A_559 : f32 to vector<16xf32>
          %add3A_561 = arith.addf %add3A_560, %mul3A_558 : vector<16xf32>
          %div3A_562 = arith.constant 1.000000e+00 : f32
          %div3A_563 = vector.broadcast %div3A_562 : f32 to vector<16xf32>
          %div3A_564 = arith.divf %div3A_563, %add3A_561 : vector<16xf32>
          %mul3A_565 = arith.mulf %add3A_561, %div3A_564 : vector<16xf32>
          %sub3A_566 = arith.constant 2.000000e+00 : f32
          %sub3A_567 = vector.broadcast %sub3A_566 : f32 to vector<16xf32>
          %sub3A_568 = arith.subf %sub3A_567, %mul3A_565 : vector<16xf32>
          %mul3A_569 = arith.mulf %div3A_564, %sub3A_568 : vector<16xf32>
          %mul3A_570 = arith.mulf %add3A_561, %mul3A_569 : vector<16xf32>
          %sub3A_571 = arith.constant 2.000000e+00 : f32
          %sub3A_572 = vector.broadcast %sub3A_571 : f32 to vector<16xf32>
          %sub3A_573 = arith.subf %sub3A_572, %mul3A_570 : vector<16xf32>
          %mul3A_574 = arith.mulf %mul3A_569, %sub3A_573 : vector<16xf32>
          %lt3A_575 = arith.constant 63 : i32
          %lt3A_576 = vector.broadcast %lt3A_575 : i32 to vector<16xi32>
          %lt3A_577 = arith.cmpi slt, %add3A_457, %lt3A_576 : vector<16xi32>
          %and3A_578 = vector.broadcast %lt3A_200 : i1 to vector<16xi1>
          %and3A_579 = arith.andi %lt3A_577, %and3A_578 : vector<16xi1>
          %jit3A_580 = arith.constant 0.000000e+00 : f32
          %broadcast_in_dim3A_581 = vector.broadcast %jit3A_580 : f32 to vector<16xf32>
          %select_n3A_582 = arith.select %and3A_579, %mul3A_574, %broadcast_in_dim3A_581 : vector<16xi1>, vector<16xf32>
          %swap3A_583 = arith.index_cast %add3A_459 : i32 to index
          %swap3A_584 = tpu.vector_load %arg10[%swap3A_583] {strides = array<i32>} : memref<4096xf32, #tpu.memory_space<vmem>>, vector<16xf32>,
          tpu.vector_store %arg10[%swap3A_583], %select_n3A_582 {strides = array<i32>} : memref<4096xf32, #tpu.memory_space<vmem>>, vector<16xf32>,
          %add3A_585 = arith.constant 48 : i32
          %add3A_586 = vector.broadcast %add3A_585 : i32 to vector<16xi32>
          %add3A_587 = arith.addi %iota3A, %add3A_586 : vector<16xi32>
          %add3A_588 = arith.constant 48 : i32
          %add3A_589 = arith.addi %mul3A_198, %add3A_588 : i32
          %add3A_590 = vector.broadcast %add3A_589 : i32 to vector<16xi32>
          %add3A_591 = arith.addi %add3A_587, %add3A_590 : vector<16xi32>
          %min3A_592 = arith.constant 4095 : i32
          %min3A_593 = vector.broadcast %min3A_592 : i32 to vector<16xi32>
          %min3A_594 = arith.minsi %add3A_591, %min3A_593 : vector<16xi32>
          %add3A_595 = arith.constant 1 : i32
          %add3A_596 = arith.addi %add3A_589, %add3A_595 : i32
          %add3A_597 = vector.broadcast %add3A_596 : i32 to vector<16xi32>
          %add3A_598 = arith.addi %add3A_587, %add3A_597 : vector<16xi32>
          %min3A_599 = arith.constant 4095 : i32
          %min3A_600 = vector.broadcast %min3A_599 : i32 to vector<16xi32>
          %min3A_601 = arith.minsi %add3A_598, %min3A_600 : vector<16xi32>
          %add3A_602 = arith.constant 64 : i32
          %add3A_603 = arith.addi %add3A_589, %add3A_602 : i32
          %add3A_604 = vector.broadcast %add3A_603 : i32 to vector<16xi32>
          %add3A_605 = arith.addi %add3A_587, %add3A_604 : vector<16xi32>
          %min3A_606 = arith.constant 4095 : i32
          %min3A_607 = vector.broadcast %min3A_606 : i32 to vector<16xi32>
          %min3A_608 = arith.minsi %add3A_605, %min3A_607 : vector<16xi32>
          %add3A_609 = arith.constant 65 : i32
          %add3A_610 = arith.addi %add3A_589, %add3A_609 : i32
          %add3A_611 = vector.broadcast %add3A_610 : i32 to vector<16xi32>
          %add3A_612 = arith.addi %add3A_587, %add3A_611 : vector<16xi32>
          %min3A_613 = arith.constant 4095 : i32
          %min3A_614 = vector.broadcast %min3A_613 : i32 to vector<16xi32>
          %min3A_615 = arith.minsi %add3A_612, %min3A_614 : vector<16xi32>
          %gather3A_616 = tpu.vector_load_idx %arg9[%min3A_594] : memref<4096xf32, #tpu.memory_space<vmem>>[vector<16xi32>], vector<16xf32>,
          %gather3A_617 = tpu.vector_load_idx %arg9[%min3A_601] : memref<4096xf32, #tpu.memory_space<vmem>>[vector<16xi32>], vector<16xf32>,
          %gather3A_618 = tpu.vector_load_idx %arg9[%min3A_608] : memref<4096xf32, #tpu.memory_space<vmem>>[vector<16xi32>], vector<16xf32>,
          %gather3A_619 = tpu.vector_load_idx %arg9[%min3A_615] : memref<4096xf32, #tpu.memory_space<vmem>>[vector<16xi32>], vector<16xf32>,
          %mul3A_620 = arith.mulf %gather3A_616, %get3A_44 : vector<16xf32>
          %mul3A_621 = arith.mulf %gather3A_617, %get3A_46 : vector<16xf32>
          %add3A_622 = arith.addf %mul3A_620, %mul3A_621 : vector<16xf32>
          %mul3A_623 = arith.mulf %gather3A_618, %get3A_48 : vector<16xf32>
          %add3A_624 = arith.addf %add3A_622, %mul3A_623 : vector<16xf32>
          %mul3A_625 = arith.mulf %gather3A_619, %get3A_50 : vector<16xf32>
          %add3A_626 = arith.addf %add3A_624, %mul3A_625 : vector<16xf32>
          %add3A_627 = arith.addf %add3A_626, %get3A_52 : vector<16xf32>
          %neg3A_628 = arith.constant 0.000000e+00 : f32
          %neg3A_629 = vector.broadcast %neg3A_628 : f32 to vector<16xf32>
          %neg3A_630 = arith.subf %neg3A_629, %add3A_627 : vector<16xf32>
          %jit3A_631 = arith.constant -8.700000e+01 : f32
          %jit3A_632 = arith.constant 8.800000e+01 : f32
          %max3A_633 = vector.broadcast %jit3A_631 : f32 to vector<16xf32>
          %max3A_634 = arith.maximumf %max3A_633, %neg3A_630 : vector<16xf32>
          %min3A_635 = vector.broadcast %jit3A_632 : f32 to vector<16xf32>
          %min3A_636 = arith.minimumf %min3A_635, %max3A_634 : vector<16xf32>
          %mul3A_637 = arith.constant 1.44269502 : f32
          %mul3A_638 = vector.broadcast %mul3A_637 : f32 to vector<16xf32>
          %mul3A_639 = arith.mulf %min3A_636, %mul3A_638 : vector<16xf32>
          %add3A_640 = arith.constant 0x4B400000 : f32
          %add3A_641 = vector.broadcast %add3A_640 : f32 to vector<16xf32>
          %add3A_642 = arith.addf %mul3A_639, %add3A_641 : vector<16xf32>
          %sub3A_643 = arith.constant 0x4B400000 : f32
          %sub3A_644 = vector.broadcast %sub3A_643 : f32 to vector<16xf32>
          %sub3A_645 = arith.subf %add3A_642, %sub3A_644 : vector<16xf32>
          %convert_element_type3A_646 = arith.fptosi %sub3A_645 : vector<16xf32> to vector<16xi32>
          %mul3A_647 = arith.constant 0.693359375 : f32
          %mul3A_648 = vector.broadcast %mul3A_647 : f32 to vector<16xf32>
          %mul3A_649 = arith.mulf %sub3A_645, %mul3A_648 : vector<16xf32>
          %sub3A_650 = arith.subf %min3A_636, %mul3A_649 : vector<16xf32>
          %mul3A_651 = arith.constant -2.12194442E-4 : f32
          %mul3A_652 = vector.broadcast %mul3A_651 : f32 to vector<16xf32>
          %mul3A_653 = arith.mulf %sub3A_645, %mul3A_652 : vector<16xf32>
          %sub3A_654 = arith.subf %sub3A_650, %mul3A_653 : vector<16xf32>
          %mul3A_655 = arith.constant 0.00138888892 : f32
          %mul3A_656 = vector.broadcast %mul3A_655 : f32 to vector<16xf32>
          %mul3A_657 = arith.mulf %mul3A_656, %sub3A_654 : vector<16xf32>
          %add3A_658 = arith.constant 0.00833333377 : f32
          %add3A_659 = vector.broadcast %add3A_658 : f32 to vector<16xf32>
          %add3A_660 = arith.addf %mul3A_657, %add3A_659 : vector<16xf32>
          %mul3A_661 = arith.mulf %add3A_660, %sub3A_654 : vector<16xf32>
          %add3A_662 = arith.constant 0.0416666679 : f32
          %add3A_663 = vector.broadcast %add3A_662 : f32 to vector<16xf32>
          %add3A_664 = arith.addf %mul3A_661, %add3A_663 : vector<16xf32>
          %mul3A_665 = arith.mulf %add3A_664, %sub3A_654 : vector<16xf32>
          %add3A_666 = arith.constant 0.166666672 : f32
          %add3A_667 = vector.broadcast %add3A_666 : f32 to vector<16xf32>
          %add3A_668 = arith.addf %mul3A_665, %add3A_667 : vector<16xf32>
          %mul3A_669 = arith.mulf %add3A_668, %sub3A_654 : vector<16xf32>
          %add3A_670 = arith.constant 5.000000e-01 : f32
          %add3A_671 = vector.broadcast %add3A_670 : f32 to vector<16xf32>
          %add3A_672 = arith.addf %mul3A_669, %add3A_671 : vector<16xf32>
          %mul3A_673 = arith.mulf %add3A_672, %sub3A_654 : vector<16xf32>
          %add3A_674 = arith.constant 1.000000e+00 : f32
          %add3A_675 = vector.broadcast %add3A_674 : f32 to vector<16xf32>
          %add3A_676 = arith.addf %mul3A_673, %add3A_675 : vector<16xf32>
          %mul3A_677 = arith.mulf %add3A_676, %sub3A_654 : vector<16xf32>
          %add3A_678 = arith.constant 1.000000e+00 : f32
          %add3A_679 = vector.broadcast %add3A_678 : f32 to vector<16xf32>
          %add3A_680 = arith.addf %mul3A_677, %add3A_679 : vector<16xf32>
          %add3A_681 = arith.constant 127 : i32
          %add3A_682 = vector.broadcast %add3A_681 : i32 to vector<16xi32>
          %add3A_683 = arith.addi %convert_element_type3A_646, %add3A_682 : vector<16xi32>
          %shift_left3A_684 = arith.constant 23 : i32
          %shift_left3A_685 = vector.broadcast %shift_left3A_684 : i32 to vector<16xi32>
          %shift_left3A_686 = arith.shli %add3A_683, %shift_left3A_685 : vector<16xi32>
          %bitcast_convert_type3A_687 = tpu.bitcast %shift_left3A_686 : vector<16xi32> -> vector<16xf32>
          %mul3A_688 = arith.mulf %add3A_680, %bitcast_convert_type3A_687 : vector<16xf32>
          %add3A_689 = arith.constant 1.000000e+00 : f32
          %add3A_690 = vector.broadcast %add3A_689 : f32 to vector<16xf32>
          %add3A_691 = arith.addf %add3A_690, %mul3A_688 : vector<16xf32>
          %div3A_692 = arith.constant 1.000000e+00 : f32
          %div3A_693 = vector.broadcast %div3A_692 : f32 to vector<16xf32>
          %div3A_694 = arith.divf %div3A_693, %add3A_691 : vector<16xf32>
          %mul3A_695 = arith.mulf %add3A_691, %div3A_694 : vector<16xf32>
          %sub3A_696 = arith.constant 2.000000e+00 : f32
          %sub3A_697 = vector.broadcast %sub3A_696 : f32 to vector<16xf32>
          %sub3A_698 = arith.subf %sub3A_697, %mul3A_695 : vector<16xf32>
          %mul3A_699 = arith.mulf %div3A_694, %sub3A_698 : vector<16xf32>
          %mul3A_700 = arith.mulf %add3A_691, %mul3A_699 : vector<16xf32>
          %sub3A_701 = arith.constant 2.000000e+00 : f32
          %sub3A_702 = vector.broadcast %sub3A_701 : f32 to vector<16xf32>
          %sub3A_703 = arith.subf %sub3A_702, %mul3A_700 : vector<16xf32>
          %mul3A_704 = arith.mulf %mul3A_699, %sub3A_703 : vector<16xf32>
          %lt3A_705 = arith.constant 63 : i32
          %lt3A_706 = vector.broadcast %lt3A_705 : i32 to vector<16xi32>
          %lt3A_707 = arith.cmpi slt, %add3A_587, %lt3A_706 : vector<16xi32>
          %and3A_708 = vector.broadcast %lt3A_200 : i1 to vector<16xi1>
          %and3A_709 = arith.andi %lt3A_707, %and3A_708 : vector<16xi1>
          %jit3A_710 = arith.constant 0.000000e+00 : f32
          %broadcast_in_dim3A_711 = vector.broadcast %jit3A_710 : f32 to vector<16xf32>
          %select_n3A_712 = arith.select %and3A_709, %mul3A_704, %broadcast_in_dim3A_711 : vector<16xi1>, vector<16xf32>
          %swap3A_713 = arith.index_cast %add3A_589 : i32 to index
          %swap3A_714 = tpu.vector_load %arg10[%swap3A_713] {strides = array<i32>} : memref<4096xf32, #tpu.memory_space<vmem>>, vector<16xf32>,
          tpu.vector_store %arg10[%swap3A_713], %select_n3A_712 {strides = array<i32>} : memref<4096xf32, #tpu.memory_space<vmem>>, vector<16xf32>,
        }
        %scan3A_175 = arith.constant 64 : i32
        %scan3A_176 = arith.constant 0 : i32
        %scan3A_177 = arith.constant 0 : i32
        %scan3A_178 = arith.constant 252 : i32
        %scan3A_179 = arith.addi %scan3A_177, %scan3A_178 : i32
        %scan3A_180 = arith.constant 1 : i32
        scf.for %scan3A_196 = %scan3A_177 to %scan3A_179 step %scan3A_180  : i32 {
          %mul3A_197 = arith.constant 16 : i32
          %mul3A_198 = arith.muli %scan3A_196, %mul3A_197 : i32
          %get3A_199 = arith.index_cast %mul3A_198 : i32 to index
          %get3A_200 = tpu.vector_load %arg10[%get3A_199] {strides = array<i32>} : memref<4096xf32, #tpu.memory_space<vmem>>, vector<16xf32>,
          %add3A_201 = arith.constant 9.99999996E-13 : f32
          %add3A_202 = vector.broadcast %add3A_201 : f32 to vector<16xf32>
          %add3A_203 = arith.addf %get3A_200, %add3A_202 : vector<16xf32>
          %div3A_204 = arith.constant 1.000000e+00 : f32
          %div3A_205 = vector.broadcast %div3A_204 : f32 to vector<16xf32>
          %div3A_206 = arith.divf %div3A_205, %add3A_203 : vector<16xf32>
          %mul3A_207 = arith.mulf %add3A_203, %div3A_206 : vector<16xf32>
          %sub3A_208 = arith.constant 2.000000e+00 : f32
          %sub3A_209 = vector.broadcast %sub3A_208 : f32 to vector<16xf32>
          %sub3A_210 = arith.subf %sub3A_209, %mul3A_207 : vector<16xf32>
          %mul3A_211 = arith.mulf %div3A_206, %sub3A_210 : vector<16xf32>
          %mul3A_212 = arith.mulf %add3A_203, %mul3A_211 : vector<16xf32>
          %sub3A_213 = arith.constant 2.000000e+00 : f32
          %sub3A_214 = vector.broadcast %sub3A_213 : f32 to vector<16xf32>
          %sub3A_215 = arith.subf %sub3A_214, %mul3A_212 : vector<16xf32>
          %mul3A_216 = arith.mulf %mul3A_211, %sub3A_215 : vector<16xf32>
          %mul3A_217 = arith.mulf %get3A_200, %mul3A_216 : vector<16xf32>
          %mul3A_218 = arith.constant 16 : i32
          %mul3A_219 = arith.muli %scan3A_196, %mul3A_218 : i32
          %swap3A_220 = arith.index_cast %mul3A_219 : i32 to index
          %swap3A_221 = tpu.vector_load %arg11[%swap3A_220] {strides = array<i32>} : memref<4096xf32, #tpu.memory_space<vmem>>, vector<16xf32>,
          tpu.vector_store %arg11[%swap3A_220], %mul3A_217 {strides = array<i32>} : memref<4096xf32, #tpu.memory_space<vmem>>, vector<16xf32>,
        }
        %scan3A_181 = arith.constant 252 : i32
        %broadcast_in_dim3A_182 = arith.constant 0.000000e+00 : f32
        %broadcast_in_dim3A_183 = vector.broadcast %broadcast_in_dim3A_182 : f32 to vector<16xf32>
        %scan3A_184 = arith.constant 0.899999976 : f32
        %scan3A_185 = arith.constant 0 : i32
        %scan3A_186 = arith.constant 252 : i32
        %scan3A_187 = arith.addi %scan3A_185, %scan3A_186 : i32
        %scan3A_188 = arith.constant 1 : i32
        %scan3A_189 = scf.for %scan3A_196 = %scan3A_185 to %scan3A_187 step %scan3A_188 iter_args(%scan3A_197 = %broadcast_in_dim3A_183) -> (vector<16xf32>)  : i32 {
          %mul3A_198 = arith.constant 16 : i32
          %mul3A_199 = arith.muli %scan3A_196, %mul3A_198 : i32
          %get3A_200 = arith.index_cast %mul3A_199 : i32 to index
          %get3A_201 = tpu.vector_load %arg10[%get3A_200] {strides = array<i32>} : memref<4096xf32, #tpu.memory_space<vmem>>, vector<16xf32>,
          %mul3A_202 = arith.constant 16 : i32
          %mul3A_203 = arith.muli %scan3A_196, %mul3A_202 : i32
          %get3A_204 = arith.index_cast %mul3A_203 : i32 to index
          %get3A_205 = tpu.vector_load %arg11[%get3A_204] {strides = array<i32>} : memref<4096xf32, #tpu.memory_space<vmem>>, vector<16xf32>,
          %broadcast_in_dim3A_206 = arith.constant 0.000000e+00 : f32
          %broadcast_in_dim3A_207 = vector.broadcast %broadcast_in_dim3A_206 : f32 to vector<16xf32>
          %broadcast_in_dim3A_208 = arith.constant 0.000000e+00 : f32
          %broadcast_in_dim3A_209 = vector.broadcast %broadcast_in_dim3A_208 : f32 to vector<16xf32>
          %slice3A_210 = vector.extract_strided_slice %get3A_205 {offsets = [0], sizes = [1], strides = [1]} : vector<16xf32> to vector<1xf32>
          %reshape3A_211 = vector.extract %slice3A_210[0] : f32 from vector<1xf32>
          %slice3A_212 = vector.extract_strided_slice %get3A_201 {offsets = [0], sizes = [1], strides = [1]} : vector<16xf32> to vector<1xf32>
          %reshape3A_213 = vector.extract %slice3A_212[0] : f32 from vector<1xf32>
          %broadcast_in_dim3A_214 = vector.broadcast %reshape3A_211 : f32 to vector<16xf32>
          %broadcast_in_dim3A_215 = arith.constant 0.000000e+00 : f32
          %broadcast_in_dim3A_216 = vector.broadcast %broadcast_in_dim3A_215 : f32 to vector<16xf32>
          %scan3A_217 = arith.constant 0 : i32
          %scan3A_218 = arith.constant 252 : i32
          %scan3A_219 = arith.addi %scan3A_217, %scan3A_218 : i32
          %scan3A_220 = arith.constant 1 : i32
          %scan3A_221:2 = scf.for %scan3A_861 = %scan3A_217 to %scan3A_219 step %scan3A_220 iter_args(%scan3A_862 = %broadcast_in_dim3A_216, %scan3A_863 = %broadcast_in_dim3A_216) -> (vector<16xf32>, vector<16xf32>)  : i32 {
            %mul3A_864 = arith.constant 16 : i32
            %mul3A_865 = arith.muli %scan3A_861, %mul3A_864 : i32
            %get3A_866 = arith.index_cast %mul3A_865 : i32 to index
            %get3A_867 = tpu.vector_load %arg11[%get3A_866] {strides = array<i32>} : memref<4096xf32, #tpu.memory_space<vmem>>, vector<16xf32>,
            %mul3A_868 = arith.constant 16 : i32
            %mul3A_869 = arith.muli %scan3A_861, %mul3A_868 : i32
            %get3A_870 = arith.index_cast %mul3A_869 : i32 to index
            %get3A_871 = tpu.vector_load %arg10[%get3A_870] {strides = array<i32>} : memref<4096xf32, #tpu.memory_space<vmem>>, vector<16xf32>,
            %mul3A_872 = arith.mulf %broadcast_in_dim3A_214, %get3A_867 : vector<16xf32>
            %ge3A_873 = vector.broadcast %scan3A_184 : f32 to vector<16xf32>
            %ge3A_874 = arith.cmpf oge, %mul3A_872, %ge3A_873 : vector<16xf32>
            %jit3A_875 = arith.constant 1.000000e+00 : f32
            %jit3A_876 = arith.constant 0.000000e+00 : f32
            %broadcast_in_dim3A_877 = vector.broadcast %jit3A_875 : f32 to vector<16xf32>
            %broadcast_in_dim3A_878 = vector.broadcast %jit3A_876 : f32 to vector<16xf32>
            %select_n3A_879 = arith.select %ge3A_874, %broadcast_in_dim3A_877, %broadcast_in_dim3A_878 : vector<16xi1>, vector<16xf32>
            %add3A_880 = arith.addf %scan3A_862, %select_n3A_879 : vector<16xf32>
            %jit3A_881 = arith.constant 0.000000e+00 : f32
            %broadcast_in_dim3A_882 = vector.broadcast %jit3A_881 : f32 to vector<16xf32>
            %select_n3A_883 = arith.select %ge3A_874, %get3A_871, %broadcast_in_dim3A_882 : vector<16xi1>, vector<16xf32>
            %add3A_884 = arith.addf %scan3A_863, %select_n3A_883 : vector<16xf32>
            scf.yield %add3A_880, %add3A_884 : vector<16xf32>, vector<16xf32>
          }
          %scan3A_222 = arith.constant 252 : i32
          %mul3A_223 = arith.mulf %reshape3A_211, %reshape3A_211 : f32
          %ge3A = arith.cmpf oge, %mul3A_223, %scan3A_184 : f32
          %jit3A_224 = arith.constant 1.000000e+00 : f32
          %jit3A_225 = arith.constant 0.000000e+00 : f32
          %select_n3A_226 = arith.select %ge3A, %jit3A_224, %jit3A_225 : f32
          %reduce_sum3A_227 = arith.constant true
          %reduce_sum3A_228 = vector.broadcast %reduce_sum3A_227 : i1 to vector<16xi1>
          %reduce_sum3A_229 = tpu.scan <sum>, %scan3A_221#0 masked %reduce_sum3A_228 : vector<16xf32>, vector<16xi1> -> vector<16xf32>
          %reduce_sum3A_230 = vector.extract %reduce_sum3A_229[15] : f32 from vector<16xf32>
          %sub3A_231 = arith.subf %reduce_sum3A_230, %select_n3A_226 : f32
          %reduce_sum3A_232 = arith.constant true
          %reduce_sum3A_233 = vector.broadcast %reduce_sum3A_232 : i1 to vector<16xi1>
          %reduce_sum3A_234 = tpu.scan <sum>, %scan3A_221#1 masked %reduce_sum3A_233 : vector<16xf32>, vector<16xi1> -> vector<16xf32>
          %reduce_sum3A_235 = vector.extract %reduce_sum3A_234[15] : f32 from vector<16xf32>
          %mul3A_236 = arith.mulf %select_n3A_226, %reshape3A_213 : f32
          %sub3A_237 = arith.subf %reduce_sum3A_235, %mul3A_236 : f32
          %eq3A_238 = arith.constant 0 : i32
          %eq3A_239 = vector.broadcast %eq3A_238 : i32 to vector<16xi32>
          %eq3A_240 = arith.cmpi eq, %iota3A, %eq3A_239 : vector<16xi32>
          %broadcast_in_dim3A_241 = vector.broadcast %sub3A_231 : f32 to vector<16xf32>
          %select_n3A_242 = arith.select %eq3A_240, %broadcast_in_dim3A_241, %broadcast_in_dim3A_207 : vector<16xi1>, vector<16xf32>
          %eq3A_243 = arith.constant 0 : i32
          %eq3A_244 = vector.broadcast %eq3A_243 : i32 to vector<16xi32>
          %eq3A_245 = arith.cmpi eq, %iota3A, %eq3A_244 : vector<16xi32>
          %broadcast_in_dim3A_246 = vector.broadcast %sub3A_237 : f32 to vector<16xf32>
          %select_n3A_247 = arith.select %eq3A_245, %broadcast_in_dim3A_246, %broadcast_in_dim3A_209 : vector<16xi1>, vector<16xf32>
          %slice3A_248 = vector.extract_strided_slice %get3A_205 {offsets = [1], sizes = [1], strides = [1]} : vector<16xf32> to vector<1xf32>
          %reshape3A_249 = vector.extract %slice3A_248[0] : f32 from vector<1xf32>
          %slice3A_250 = vector.extract_strided_slice %get3A_201 {offsets = [1], sizes = [1], strides = [1]} : vector<16xf32> to vector<1xf32>
          %reshape3A_251 = vector.extract %slice3A_250[0] : f32 from vector<1xf32>
          %broadcast_in_dim3A_252 = vector.broadcast %reshape3A_249 : f32 to vector<16xf32>
          %broadcast_in_dim3A_253 = arith.constant 0.000000e+00 : f32
          %broadcast_in_dim3A_254 = vector.broadcast %broadcast_in_dim3A_253 : f32 to vector<16xf32>
          %scan3A_255 = arith.constant 0 : i32
          %scan3A_256 = arith.constant 252 : i32
          %scan3A_257 = arith.addi %scan3A_255, %scan3A_256 : i32
          %scan3A_258 = arith.constant 1 : i32
          %scan3A_259:2 = scf.for %scan3A_861 = %scan3A_255 to %scan3A_257 step %scan3A_258 iter_args(%scan3A_862 = %broadcast_in_dim3A_254, %scan3A_863 = %broadcast_in_dim3A_254) -> (vector<16xf32>, vector<16xf32>)  : i32 {
            %mul3A_864 = arith.constant 16 : i32
            %mul3A_865 = arith.muli %scan3A_861, %mul3A_864 : i32
            %get3A_866 = arith.index_cast %mul3A_865 : i32 to index
            %get3A_867 = tpu.vector_load %arg11[%get3A_866] {strides = array<i32>} : memref<4096xf32, #tpu.memory_space<vmem>>, vector<16xf32>,
            %mul3A_868 = arith.constant 16 : i32
            %mul3A_869 = arith.muli %scan3A_861, %mul3A_868 : i32
            %get3A_870 = arith.index_cast %mul3A_869 : i32 to index
            %get3A_871 = tpu.vector_load %arg10[%get3A_870] {strides = array<i32>} : memref<4096xf32, #tpu.memory_space<vmem>>, vector<16xf32>,
            %mul3A_872 = arith.mulf %broadcast_in_dim3A_252, %get3A_867 : vector<16xf32>
            %ge3A_873 = vector.broadcast %scan3A_184 : f32 to vector<16xf32>
            %ge3A_874 = arith.cmpf oge, %mul3A_872, %ge3A_873 : vector<16xf32>
            %jit3A_875 = arith.constant 1.000000e+00 : f32
            %jit3A_876 = arith.constant 0.000000e+00 : f32
            %broadcast_in_dim3A_877 = vector.broadcast %jit3A_875 : f32 to vector<16xf32>
            %broadcast_in_dim3A_878 = vector.broadcast %jit3A_876 : f32 to vector<16xf32>
            %select_n3A_879 = arith.select %ge3A_874, %broadcast_in_dim3A_877, %broadcast_in_dim3A_878 : vector<16xi1>, vector<16xf32>
            %add3A_880 = arith.addf %scan3A_862, %select_n3A_879 : vector<16xf32>
            %jit3A_881 = arith.constant 0.000000e+00 : f32
            %broadcast_in_dim3A_882 = vector.broadcast %jit3A_881 : f32 to vector<16xf32>
            %select_n3A_883 = arith.select %ge3A_874, %get3A_871, %broadcast_in_dim3A_882 : vector<16xi1>, vector<16xf32>
            %add3A_884 = arith.addf %scan3A_863, %select_n3A_883 : vector<16xf32>
            scf.yield %add3A_880, %add3A_884 : vector<16xf32>, vector<16xf32>
          }
          %scan3A_260 = arith.constant 252 : i32
          %mul3A_261 = arith.mulf %reshape3A_249, %reshape3A_249 : f32
          %ge3A_262 = arith.cmpf oge, %mul3A_261, %scan3A_184 : f32
          %jit3A_263 = arith.constant 1.000000e+00 : f32
          %jit3A_264 = arith.constant 0.000000e+00 : f32
          %select_n3A_265 = arith.select %ge3A_262, %jit3A_263, %jit3A_264 : f32
          %reduce_sum3A_266 = arith.constant true
          %reduce_sum3A_267 = vector.broadcast %reduce_sum3A_266 : i1 to vector<16xi1>
          %reduce_sum3A_268 = tpu.scan <sum>, %scan3A_259#0 masked %reduce_sum3A_267 : vector<16xf32>, vector<16xi1> -> vector<16xf32>
          %reduce_sum3A_269 = vector.extract %reduce_sum3A_268[15] : f32 from vector<16xf32>
          %sub3A_270 = arith.subf %reduce_sum3A_269, %select_n3A_265 : f32
          %reduce_sum3A_271 = arith.constant true
          %reduce_sum3A_272 = vector.broadcast %reduce_sum3A_271 : i1 to vector<16xi1>
          %reduce_sum3A_273 = tpu.scan <sum>, %scan3A_259#1 masked %reduce_sum3A_272 : vector<16xf32>, vector<16xi1> -> vector<16xf32>
          %reduce_sum3A_274 = vector.extract %reduce_sum3A_273[15] : f32 from vector<16xf32>
          %mul3A_275 = arith.mulf %select_n3A_265, %reshape3A_251 : f32
          %sub3A_276 = arith.subf %reduce_sum3A_274, %mul3A_275 : f32
          %eq3A_277 = arith.constant 1 : i32
          %eq3A_278 = vector.broadcast %eq3A_277 : i32 to vector<16xi32>
          %eq3A_279 = arith.cmpi eq, %iota3A, %eq3A_278 : vector<16xi32>
          %broadcast_in_dim3A_280 = vector.broadcast %sub3A_270 : f32 to vector<16xf32>
          %select_n3A_281 = arith.select %eq3A_279, %broadcast_in_dim3A_280, %select_n3A_242 : vector<16xi1>, vector<16xf32>
          %eq3A_282 = arith.constant 1 : i32
          %eq3A_283 = vector.broadcast %eq3A_282 : i32 to vector<16xi32>
          %eq3A_284 = arith.cmpi eq, %iota3A, %eq3A_283 : vector<16xi32>
          %broadcast_in_dim3A_285 = vector.broadcast %sub3A_276 : f32 to vector<16xf32>
          %select_n3A_286 = arith.select %eq3A_284, %broadcast_in_dim3A_285, %select_n3A_247 : vector<16xi1>, vector<16xf32>
          %slice3A_287 = vector.extract_strided_slice %get3A_205 {offsets = [2], sizes = [1], strides = [1]} : vector<16xf32> to vector<1xf32>
          %reshape3A_288 = vector.extract %slice3A_287[0] : f32 from vector<1xf32>
          %slice3A_289 = vector.extract_strided_slice %get3A_201 {offsets = [2], sizes = [1], strides = [1]} : vector<16xf32> to vector<1xf32>
          %reshape3A_290 = vector.extract %slice3A_289[0] : f32 from vector<1xf32>
          %broadcast_in_dim3A_291 = vector.broadcast %reshape3A_288 : f32 to vector<16xf32>
          %broadcast_in_dim3A_292 = arith.constant 0.000000e+00 : f32
          %broadcast_in_dim3A_293 = vector.broadcast %broadcast_in_dim3A_292 : f32 to vector<16xf32>
          %scan3A_294 = arith.constant 0 : i32
          %scan3A_295 = arith.constant 252 : i32
          %scan3A_296 = arith.addi %scan3A_294, %scan3A_295 : i32
          %scan3A_297 = arith.constant 1 : i32
          %scan3A_298:2 = scf.for %scan3A_861 = %scan3A_294 to %scan3A_296 step %scan3A_297 iter_args(%scan3A_862 = %broadcast_in_dim3A_293, %scan3A_863 = %broadcast_in_dim3A_293) -> (vector<16xf32>, vector<16xf32>)  : i32 {
            %mul3A_864 = arith.constant 16 : i32
            %mul3A_865 = arith.muli %scan3A_861, %mul3A_864 : i32
            %get3A_866 = arith.index_cast %mul3A_865 : i32 to index
            %get3A_867 = tpu.vector_load %arg11[%get3A_866] {strides = array<i32>} : memref<4096xf32, #tpu.memory_space<vmem>>, vector<16xf32>,
            %mul3A_868 = arith.constant 16 : i32
            %mul3A_869 = arith.muli %scan3A_861, %mul3A_868 : i32
            %get3A_870 = arith.index_cast %mul3A_869 : i32 to index
            %get3A_871 = tpu.vector_load %arg10[%get3A_870] {strides = array<i32>} : memref<4096xf32, #tpu.memory_space<vmem>>, vector<16xf32>,
            %mul3A_872 = arith.mulf %broadcast_in_dim3A_291, %get3A_867 : vector<16xf32>
            %ge3A_873 = vector.broadcast %scan3A_184 : f32 to vector<16xf32>
            %ge3A_874 = arith.cmpf oge, %mul3A_872, %ge3A_873 : vector<16xf32>
            %jit3A_875 = arith.constant 1.000000e+00 : f32
            %jit3A_876 = arith.constant 0.000000e+00 : f32
            %broadcast_in_dim3A_877 = vector.broadcast %jit3A_875 : f32 to vector<16xf32>
            %broadcast_in_dim3A_878 = vector.broadcast %jit3A_876 : f32 to vector<16xf32>
            %select_n3A_879 = arith.select %ge3A_874, %broadcast_in_dim3A_877, %broadcast_in_dim3A_878 : vector<16xi1>, vector<16xf32>
            %add3A_880 = arith.addf %scan3A_862, %select_n3A_879 : vector<16xf32>
            %jit3A_881 = arith.constant 0.000000e+00 : f32
            %broadcast_in_dim3A_882 = vector.broadcast %jit3A_881 : f32 to vector<16xf32>
            %select_n3A_883 = arith.select %ge3A_874, %get3A_871, %broadcast_in_dim3A_882 : vector<16xi1>, vector<16xf32>
            %add3A_884 = arith.addf %scan3A_863, %select_n3A_883 : vector<16xf32>
            scf.yield %add3A_880, %add3A_884 : vector<16xf32>, vector<16xf32>
          }
          %scan3A_299 = arith.constant 252 : i32
          %mul3A_300 = arith.mulf %reshape3A_288, %reshape3A_288 : f32
          %ge3A_301 = arith.cmpf oge, %mul3A_300, %scan3A_184 : f32
          %jit3A_302 = arith.constant 1.000000e+00 : f32
          %jit3A_303 = arith.constant 0.000000e+00 : f32
          %select_n3A_304 = arith.select %ge3A_301, %jit3A_302, %jit3A_303 : f32
          %reduce_sum3A_305 = arith.constant true
          %reduce_sum3A_306 = vector.broadcast %reduce_sum3A_305 : i1 to vector<16xi1>
          %reduce_sum3A_307 = tpu.scan <sum>, %scan3A_298#0 masked %reduce_sum3A_306 : vector<16xf32>, vector<16xi1> -> vector<16xf32>
          %reduce_sum3A_308 = vector.extract %reduce_sum3A_307[15] : f32 from vector<16xf32>
          %sub3A_309 = arith.subf %reduce_sum3A_308, %select_n3A_304 : f32
          %reduce_sum3A_310 = arith.constant true
          %reduce_sum3A_311 = vector.broadcast %reduce_sum3A_310 : i1 to vector<16xi1>
          %reduce_sum3A_312 = tpu.scan <sum>, %scan3A_298#1 masked %reduce_sum3A_311 : vector<16xf32>, vector<16xi1> -> vector<16xf32>
          %reduce_sum3A_313 = vector.extract %reduce_sum3A_312[15] : f32 from vector<16xf32>
          %mul3A_314 = arith.mulf %select_n3A_304, %reshape3A_290 : f32
          %sub3A_315 = arith.subf %reduce_sum3A_313, %mul3A_314 : f32
          %eq3A_316 = arith.constant 2 : i32
          %eq3A_317 = vector.broadcast %eq3A_316 : i32 to vector<16xi32>
          %eq3A_318 = arith.cmpi eq, %iota3A, %eq3A_317 : vector<16xi32>
          %broadcast_in_dim3A_319 = vector.broadcast %sub3A_309 : f32 to vector<16xf32>
          %select_n3A_320 = arith.select %eq3A_318, %broadcast_in_dim3A_319, %select_n3A_281 : vector<16xi1>, vector<16xf32>
          %eq3A_321 = arith.constant 2 : i32
          %eq3A_322 = vector.broadcast %eq3A_321 : i32 to vector<16xi32>
          %eq3A_323 = arith.cmpi eq, %iota3A, %eq3A_322 : vector<16xi32>
          %broadcast_in_dim3A_324 = vector.broadcast %sub3A_315 : f32 to vector<16xf32>
          %select_n3A_325 = arith.select %eq3A_323, %broadcast_in_dim3A_324, %select_n3A_286 : vector<16xi1>, vector<16xf32>
          %slice3A_326 = vector.extract_strided_slice %get3A_205 {offsets = [3], sizes = [1], strides = [1]} : vector<16xf32> to vector<1xf32>
          %reshape3A_327 = vector.extract %slice3A_326[0] : f32 from vector<1xf32>
          %slice3A_328 = vector.extract_strided_slice %get3A_201 {offsets = [3], sizes = [1], strides = [1]} : vector<16xf32> to vector<1xf32>
          %reshape3A_329 = vector.extract %slice3A_328[0] : f32 from vector<1xf32>
          %broadcast_in_dim3A_330 = vector.broadcast %reshape3A_327 : f32 to vector<16xf32>
          %broadcast_in_dim3A_331 = arith.constant 0.000000e+00 : f32
          %broadcast_in_dim3A_332 = vector.broadcast %broadcast_in_dim3A_331 : f32 to vector<16xf32>
          %scan3A_333 = arith.constant 0 : i32
          %scan3A_334 = arith.constant 252 : i32
          %scan3A_335 = arith.addi %scan3A_333, %scan3A_334 : i32
          %scan3A_336 = arith.constant 1 : i32
          %scan3A_337:2 = scf.for %scan3A_861 = %scan3A_333 to %scan3A_335 step %scan3A_336 iter_args(%scan3A_862 = %broadcast_in_dim3A_332, %scan3A_863 = %broadcast_in_dim3A_332) -> (vector<16xf32>, vector<16xf32>)  : i32 {
            %mul3A_864 = arith.constant 16 : i32
            %mul3A_865 = arith.muli %scan3A_861, %mul3A_864 : i32
            %get3A_866 = arith.index_cast %mul3A_865 : i32 to index
            %get3A_867 = tpu.vector_load %arg11[%get3A_866] {strides = array<i32>} : memref<4096xf32, #tpu.memory_space<vmem>>, vector<16xf32>,
            %mul3A_868 = arith.constant 16 : i32
            %mul3A_869 = arith.muli %scan3A_861, %mul3A_868 : i32
            %get3A_870 = arith.index_cast %mul3A_869 : i32 to index
            %get3A_871 = tpu.vector_load %arg10[%get3A_870] {strides = array<i32>} : memref<4096xf32, #tpu.memory_space<vmem>>, vector<16xf32>,
            %mul3A_872 = arith.mulf %broadcast_in_dim3A_330, %get3A_867 : vector<16xf32>
            %ge3A_873 = vector.broadcast %scan3A_184 : f32 to vector<16xf32>
            %ge3A_874 = arith.cmpf oge, %mul3A_872, %ge3A_873 : vector<16xf32>
            %jit3A_875 = arith.constant 1.000000e+00 : f32
            %jit3A_876 = arith.constant 0.000000e+00 : f32
            %broadcast_in_dim3A_877 = vector.broadcast %jit3A_875 : f32 to vector<16xf32>
            %broadcast_in_dim3A_878 = vector.broadcast %jit3A_876 : f32 to vector<16xf32>
            %select_n3A_879 = arith.select %ge3A_874, %broadcast_in_dim3A_877, %broadcast_in_dim3A_878 : vector<16xi1>, vector<16xf32>
            %add3A_880 = arith.addf %scan3A_862, %select_n3A_879 : vector<16xf32>
            %jit3A_881 = arith.constant 0.000000e+00 : f32
            %broadcast_in_dim3A_882 = vector.broadcast %jit3A_881 : f32 to vector<16xf32>
            %select_n3A_883 = arith.select %ge3A_874, %get3A_871, %broadcast_in_dim3A_882 : vector<16xi1>, vector<16xf32>
            %add3A_884 = arith.addf %scan3A_863, %select_n3A_883 : vector<16xf32>
            scf.yield %add3A_880, %add3A_884 : vector<16xf32>, vector<16xf32>
          }
          %scan3A_338 = arith.constant 252 : i32
          %mul3A_339 = arith.mulf %reshape3A_327, %reshape3A_327 : f32
          %ge3A_340 = arith.cmpf oge, %mul3A_339, %scan3A_184 : f32
          %jit3A_341 = arith.constant 1.000000e+00 : f32
          %jit3A_342 = arith.constant 0.000000e+00 : f32
          %select_n3A_343 = arith.select %ge3A_340, %jit3A_341, %jit3A_342 : f32
          %reduce_sum3A_344 = arith.constant true
          %reduce_sum3A_345 = vector.broadcast %reduce_sum3A_344 : i1 to vector<16xi1>
          %reduce_sum3A_346 = tpu.scan <sum>, %scan3A_337#0 masked %reduce_sum3A_345 : vector<16xf32>, vector<16xi1> -> vector<16xf32>
          %reduce_sum3A_347 = vector.extract %reduce_sum3A_346[15] : f32 from vector<16xf32>
          %sub3A_348 = arith.subf %reduce_sum3A_347, %select_n3A_343 : f32
          %reduce_sum3A_349 = arith.constant true
          %reduce_sum3A_350 = vector.broadcast %reduce_sum3A_349 : i1 to vector<16xi1>
          %reduce_sum3A_351 = tpu.scan <sum>, %scan3A_337#1 masked %reduce_sum3A_350 : vector<16xf32>, vector<16xi1> -> vector<16xf32>
          %reduce_sum3A_352 = vector.extract %reduce_sum3A_351[15] : f32 from vector<16xf32>
          %mul3A_353 = arith.mulf %select_n3A_343, %reshape3A_329 : f32
          %sub3A_354 = arith.subf %reduce_sum3A_352, %mul3A_353 : f32
          %eq3A_355 = arith.constant 3 : i32
          %eq3A_356 = vector.broadcast %eq3A_355 : i32 to vector<16xi32>
          %eq3A_357 = arith.cmpi eq, %iota3A, %eq3A_356 : vector<16xi32>
          %broadcast_in_dim3A_358 = vector.broadcast %sub3A_348 : f32 to vector<16xf32>
          %select_n3A_359 = arith.select %eq3A_357, %broadcast_in_dim3A_358, %select_n3A_320 : vector<16xi1>, vector<16xf32>
          %eq3A_360 = arith.constant 3 : i32
          %eq3A_361 = vector.broadcast %eq3A_360 : i32 to vector<16xi32>
          %eq3A_362 = arith.cmpi eq, %iota3A, %eq3A_361 : vector<16xi32>
          %broadcast_in_dim3A_363 = vector.broadcast %sub3A_354 : f32 to vector<16xf32>
          %select_n3A_364 = arith.select %eq3A_362, %broadcast_in_dim3A_363, %select_n3A_325 : vector<16xi1>, vector<16xf32>
          %slice3A_365 = vector.extract_strided_slice %get3A_205 {offsets = [4], sizes = [1], strides = [1]} : vector<16xf32> to vector<1xf32>
          %reshape3A_366 = vector.extract %slice3A_365[0] : f32 from vector<1xf32>
          %slice3A_367 = vector.extract_strided_slice %get3A_201 {offsets = [4], sizes = [1], strides = [1]} : vector<16xf32> to vector<1xf32>
          %reshape3A_368 = vector.extract %slice3A_367[0] : f32 from vector<1xf32>
          %broadcast_in_dim3A_369 = vector.broadcast %reshape3A_366 : f32 to vector<16xf32>
          %broadcast_in_dim3A_370 = arith.constant 0.000000e+00 : f32
          %broadcast_in_dim3A_371 = vector.broadcast %broadcast_in_dim3A_370 : f32 to vector<16xf32>
          %scan3A_372 = arith.constant 0 : i32
          %scan3A_373 = arith.constant 252 : i32
          %scan3A_374 = arith.addi %scan3A_372, %scan3A_373 : i32
          %scan3A_375 = arith.constant 1 : i32
          %scan3A_376:2 = scf.for %scan3A_861 = %scan3A_372 to %scan3A_374 step %scan3A_375 iter_args(%scan3A_862 = %broadcast_in_dim3A_371, %scan3A_863 = %broadcast_in_dim3A_371) -> (vector<16xf32>, vector<16xf32>)  : i32 {
            %mul3A_864 = arith.constant 16 : i32
            %mul3A_865 = arith.muli %scan3A_861, %mul3A_864 : i32
            %get3A_866 = arith.index_cast %mul3A_865 : i32 to index
            %get3A_867 = tpu.vector_load %arg11[%get3A_866] {strides = array<i32>} : memref<4096xf32, #tpu.memory_space<vmem>>, vector<16xf32>,
            %mul3A_868 = arith.constant 16 : i32
            %mul3A_869 = arith.muli %scan3A_861, %mul3A_868 : i32
            %get3A_870 = arith.index_cast %mul3A_869 : i32 to index
            %get3A_871 = tpu.vector_load %arg10[%get3A_870] {strides = array<i32>} : memref<4096xf32, #tpu.memory_space<vmem>>, vector<16xf32>,
            %mul3A_872 = arith.mulf %broadcast_in_dim3A_369, %get3A_867 : vector<16xf32>
            %ge3A_873 = vector.broadcast %scan3A_184 : f32 to vector<16xf32>
            %ge3A_874 = arith.cmpf oge, %mul3A_872, %ge3A_873 : vector<16xf32>
            %jit3A_875 = arith.constant 1.000000e+00 : f32
            %jit3A_876 = arith.constant 0.000000e+00 : f32
            %broadcast_in_dim3A_877 = vector.broadcast %jit3A_875 : f32 to vector<16xf32>
            %broadcast_in_dim3A_878 = vector.broadcast %jit3A_876 : f32 to vector<16xf32>
            %select_n3A_879 = arith.select %ge3A_874, %broadcast_in_dim3A_877, %broadcast_in_dim3A_878 : vector<16xi1>, vector<16xf32>
            %add3A_880 = arith.addf %scan3A_862, %select_n3A_879 : vector<16xf32>
            %jit3A_881 = arith.constant 0.000000e+00 : f32
            %broadcast_in_dim3A_882 = vector.broadcast %jit3A_881 : f32 to vector<16xf32>
            %select_n3A_883 = arith.select %ge3A_874, %get3A_871, %broadcast_in_dim3A_882 : vector<16xi1>, vector<16xf32>
            %add3A_884 = arith.addf %scan3A_863, %select_n3A_883 : vector<16xf32>
            scf.yield %add3A_880, %add3A_884 : vector<16xf32>, vector<16xf32>
          }
          %scan3A_377 = arith.constant 252 : i32
          %mul3A_378 = arith.mulf %reshape3A_366, %reshape3A_366 : f32
          %ge3A_379 = arith.cmpf oge, %mul3A_378, %scan3A_184 : f32
          %jit3A_380 = arith.constant 1.000000e+00 : f32
          %jit3A_381 = arith.constant 0.000000e+00 : f32
          %select_n3A_382 = arith.select %ge3A_379, %jit3A_380, %jit3A_381 : f32
          %reduce_sum3A_383 = arith.constant true
          %reduce_sum3A_384 = vector.broadcast %reduce_sum3A_383 : i1 to vector<16xi1>
          %reduce_sum3A_385 = tpu.scan <sum>, %scan3A_376#0 masked %reduce_sum3A_384 : vector<16xf32>, vector<16xi1> -> vector<16xf32>
          %reduce_sum3A_386 = vector.extract %reduce_sum3A_385[15] : f32 from vector<16xf32>
          %sub3A_387 = arith.subf %reduce_sum3A_386, %select_n3A_382 : f32
          %reduce_sum3A_388 = arith.constant true
          %reduce_sum3A_389 = vector.broadcast %reduce_sum3A_388 : i1 to vector<16xi1>
          %reduce_sum3A_390 = tpu.scan <sum>, %scan3A_376#1 masked %reduce_sum3A_389 : vector<16xf32>, vector<16xi1> -> vector<16xf32>
          %reduce_sum3A_391 = vector.extract %reduce_sum3A_390[15] : f32 from vector<16xf32>
          %mul3A_392 = arith.mulf %select_n3A_382, %reshape3A_368 : f32
          %sub3A_393 = arith.subf %reduce_sum3A_391, %mul3A_392 : f32
          %eq3A_394 = arith.constant 4 : i32
          %eq3A_395 = vector.broadcast %eq3A_394 : i32 to vector<16xi32>
          %eq3A_396 = arith.cmpi eq, %iota3A, %eq3A_395 : vector<16xi32>
          %broadcast_in_dim3A_397 = vector.broadcast %sub3A_387 : f32 to vector<16xf32>
          %select_n3A_398 = arith.select %eq3A_396, %broadcast_in_dim3A_397, %select_n3A_359 : vector<16xi1>, vector<16xf32>
          %eq3A_399 = arith.constant 4 : i32
          %eq3A_400 = vector.broadcast %eq3A_399 : i32 to vector<16xi32>
          %eq3A_401 = arith.cmpi eq, %iota3A, %eq3A_400 : vector<16xi32>
          %broadcast_in_dim3A_402 = vector.broadcast %sub3A_393 : f32 to vector<16xf32>
          %select_n3A_403 = arith.select %eq3A_401, %broadcast_in_dim3A_402, %select_n3A_364 : vector<16xi1>, vector<16xf32>
          %slice3A_404 = vector.extract_strided_slice %get3A_205 {offsets = [5], sizes = [1], strides = [1]} : vector<16xf32> to vector<1xf32>
          %reshape3A_405 = vector.extract %slice3A_404[0] : f32 from vector<1xf32>
          %slice3A_406 = vector.extract_strided_slice %get3A_201 {offsets = [5], sizes = [1], strides = [1]} : vector<16xf32> to vector<1xf32>
          %reshape3A_407 = vector.extract %slice3A_406[0] : f32 from vector<1xf32>
          %broadcast_in_dim3A_408 = vector.broadcast %reshape3A_405 : f32 to vector<16xf32>
          %broadcast_in_dim3A_409 = arith.constant 0.000000e+00 : f32
          %broadcast_in_dim3A_410 = vector.broadcast %broadcast_in_dim3A_409 : f32 to vector<16xf32>
          %scan3A_411 = arith.constant 0 : i32
          %scan3A_412 = arith.constant 252 : i32
          %scan3A_413 = arith.addi %scan3A_411, %scan3A_412 : i32
          %scan3A_414 = arith.constant 1 : i32
          %scan3A_415:2 = scf.for %scan3A_861 = %scan3A_411 to %scan3A_413 step %scan3A_414 iter_args(%scan3A_862 = %broadcast_in_dim3A_410, %scan3A_863 = %broadcast_in_dim3A_410) -> (vector<16xf32>, vector<16xf32>)  : i32 {
            %mul3A_864 = arith.constant 16 : i32
            %mul3A_865 = arith.muli %scan3A_861, %mul3A_864 : i32
            %get3A_866 = arith.index_cast %mul3A_865 : i32 to index
            %get3A_867 = tpu.vector_load %arg11[%get3A_866] {strides = array<i32>} : memref<4096xf32, #tpu.memory_space<vmem>>, vector<16xf32>,
            %mul3A_868 = arith.constant 16 : i32
            %mul3A_869 = arith.muli %scan3A_861, %mul3A_868 : i32
            %get3A_870 = arith.index_cast %mul3A_869 : i32 to index
            %get3A_871 = tpu.vector_load %arg10[%get3A_870] {strides = array<i32>} : memref<4096xf32, #tpu.memory_space<vmem>>, vector<16xf32>,
            %mul3A_872 = arith.mulf %broadcast_in_dim3A_408, %get3A_867 : vector<16xf32>
            %ge3A_873 = vector.broadcast %scan3A_184 : f32 to vector<16xf32>
            %ge3A_874 = arith.cmpf oge, %mul3A_872, %ge3A_873 : vector<16xf32>
            %jit3A_875 = arith.constant 1.000000e+00 : f32
            %jit3A_876 = arith.constant 0.000000e+00 : f32
            %broadcast_in_dim3A_877 = vector.broadcast %jit3A_875 : f32 to vector<16xf32>
            %broadcast_in_dim3A_878 = vector.broadcast %jit3A_876 : f32 to vector<16xf32>
            %select_n3A_879 = arith.select %ge3A_874, %broadcast_in_dim3A_877, %broadcast_in_dim3A_878 : vector<16xi1>, vector<16xf32>
            %add3A_880 = arith.addf %scan3A_862, %select_n3A_879 : vector<16xf32>
            %jit3A_881 = arith.constant 0.000000e+00 : f32
            %broadcast_in_dim3A_882 = vector.broadcast %jit3A_881 : f32 to vector<16xf32>
            %select_n3A_883 = arith.select %ge3A_874, %get3A_871, %broadcast_in_dim3A_882 : vector<16xi1>, vector<16xf32>
            %add3A_884 = arith.addf %scan3A_863, %select_n3A_883 : vector<16xf32>
            scf.yield %add3A_880, %add3A_884 : vector<16xf32>, vector<16xf32>
          }
          %scan3A_416 = arith.constant 252 : i32
          %mul3A_417 = arith.mulf %reshape3A_405, %reshape3A_405 : f32
          %ge3A_418 = arith.cmpf oge, %mul3A_417, %scan3A_184 : f32
          %jit3A_419 = arith.constant 1.000000e+00 : f32
          %jit3A_420 = arith.constant 0.000000e+00 : f32
          %select_n3A_421 = arith.select %ge3A_418, %jit3A_419, %jit3A_420 : f32
          %reduce_sum3A_422 = arith.constant true
          %reduce_sum3A_423 = vector.broadcast %reduce_sum3A_422 : i1 to vector<16xi1>
          %reduce_sum3A_424 = tpu.scan <sum>, %scan3A_415#0 masked %reduce_sum3A_423 : vector<16xf32>, vector<16xi1> -> vector<16xf32>
          %reduce_sum3A_425 = vector.extract %reduce_sum3A_424[15] : f32 from vector<16xf32>
          %sub3A_426 = arith.subf %reduce_sum3A_425, %select_n3A_421 : f32
          %reduce_sum3A_427 = arith.constant true
          %reduce_sum3A_428 = vector.broadcast %reduce_sum3A_427 : i1 to vector<16xi1>
          %reduce_sum3A_429 = tpu.scan <sum>, %scan3A_415#1 masked %reduce_sum3A_428 : vector<16xf32>, vector<16xi1> -> vector<16xf32>
          %reduce_sum3A_430 = vector.extract %reduce_sum3A_429[15] : f32 from vector<16xf32>
          %mul3A_431 = arith.mulf %select_n3A_421, %reshape3A_407 : f32
          %sub3A_432 = arith.subf %reduce_sum3A_430, %mul3A_431 : f32
          %eq3A_433 = arith.constant 5 : i32
          %eq3A_434 = vector.broadcast %eq3A_433 : i32 to vector<16xi32>
          %eq3A_435 = arith.cmpi eq, %iota3A, %eq3A_434 : vector<16xi32>
          %broadcast_in_dim3A_436 = vector.broadcast %sub3A_426 : f32 to vector<16xf32>
          %select_n3A_437 = arith.select %eq3A_435, %broadcast_in_dim3A_436, %select_n3A_398 : vector<16xi1>, vector<16xf32>
          %eq3A_438 = arith.constant 5 : i32
          %eq3A_439 = vector.broadcast %eq3A_438 : i32 to vector<16xi32>
          %eq3A_440 = arith.cmpi eq, %iota3A, %eq3A_439 : vector<16xi32>
          %broadcast_in_dim3A_441 = vector.broadcast %sub3A_432 : f32 to vector<16xf32>
          %select_n3A_442 = arith.select %eq3A_440, %broadcast_in_dim3A_441, %select_n3A_403 : vector<16xi1>, vector<16xf32>
          %slice3A_443 = vector.extract_strided_slice %get3A_205 {offsets = [6], sizes = [1], strides = [1]} : vector<16xf32> to vector<1xf32>
          %reshape3A_444 = vector.extract %slice3A_443[0] : f32 from vector<1xf32>
          %slice3A_445 = vector.extract_strided_slice %get3A_201 {offsets = [6], sizes = [1], strides = [1]} : vector<16xf32> to vector<1xf32>
          %reshape3A_446 = vector.extract %slice3A_445[0] : f32 from vector<1xf32>
          %broadcast_in_dim3A_447 = vector.broadcast %reshape3A_444 : f32 to vector<16xf32>
          %broadcast_in_dim3A_448 = arith.constant 0.000000e+00 : f32
          %broadcast_in_dim3A_449 = vector.broadcast %broadcast_in_dim3A_448 : f32 to vector<16xf32>
          %scan3A_450 = arith.constant 0 : i32
          %scan3A_451 = arith.constant 252 : i32
          %scan3A_452 = arith.addi %scan3A_450, %scan3A_451 : i32
          %scan3A_453 = arith.constant 1 : i32
          %scan3A_454:2 = scf.for %scan3A_861 = %scan3A_450 to %scan3A_452 step %scan3A_453 iter_args(%scan3A_862 = %broadcast_in_dim3A_449, %scan3A_863 = %broadcast_in_dim3A_449) -> (vector<16xf32>, vector<16xf32>)  : i32 {
            %mul3A_864 = arith.constant 16 : i32
            %mul3A_865 = arith.muli %scan3A_861, %mul3A_864 : i32
            %get3A_866 = arith.index_cast %mul3A_865 : i32 to index
            %get3A_867 = tpu.vector_load %arg11[%get3A_866] {strides = array<i32>} : memref<4096xf32, #tpu.memory_space<vmem>>, vector<16xf32>,
            %mul3A_868 = arith.constant 16 : i32
            %mul3A_869 = arith.muli %scan3A_861, %mul3A_868 : i32
            %get3A_870 = arith.index_cast %mul3A_869 : i32 to index
            %get3A_871 = tpu.vector_load %arg10[%get3A_870] {strides = array<i32>} : memref<4096xf32, #tpu.memory_space<vmem>>, vector<16xf32>,
            %mul3A_872 = arith.mulf %broadcast_in_dim3A_447, %get3A_867 : vector<16xf32>
            %ge3A_873 = vector.broadcast %scan3A_184 : f32 to vector<16xf32>
            %ge3A_874 = arith.cmpf oge, %mul3A_872, %ge3A_873 : vector<16xf32>
            %jit3A_875 = arith.constant 1.000000e+00 : f32
            %jit3A_876 = arith.constant 0.000000e+00 : f32
            %broadcast_in_dim3A_877 = vector.broadcast %jit3A_875 : f32 to vector<16xf32>
            %broadcast_in_dim3A_878 = vector.broadcast %jit3A_876 : f32 to vector<16xf32>
            %select_n3A_879 = arith.select %ge3A_874, %broadcast_in_dim3A_877, %broadcast_in_dim3A_878 : vector<16xi1>, vector<16xf32>
            %add3A_880 = arith.addf %scan3A_862, %select_n3A_879 : vector<16xf32>
            %jit3A_881 = arith.constant 0.000000e+00 : f32
            %broadcast_in_dim3A_882 = vector.broadcast %jit3A_881 : f32 to vector<16xf32>
            %select_n3A_883 = arith.select %ge3A_874, %get3A_871, %broadcast_in_dim3A_882 : vector<16xi1>, vector<16xf32>
            %add3A_884 = arith.addf %scan3A_863, %select_n3A_883 : vector<16xf32>
            scf.yield %add3A_880, %add3A_884 : vector<16xf32>, vector<16xf32>
          }
          %scan3A_455 = arith.constant 252 : i32
          %mul3A_456 = arith.mulf %reshape3A_444, %reshape3A_444 : f32
          %ge3A_457 = arith.cmpf oge, %mul3A_456, %scan3A_184 : f32
          %jit3A_458 = arith.constant 1.000000e+00 : f32
          %jit3A_459 = arith.constant 0.000000e+00 : f32
          %select_n3A_460 = arith.select %ge3A_457, %jit3A_458, %jit3A_459 : f32
          %reduce_sum3A_461 = arith.constant true
          %reduce_sum3A_462 = vector.broadcast %reduce_sum3A_461 : i1 to vector<16xi1>
          %reduce_sum3A_463 = tpu.scan <sum>, %scan3A_454#0 masked %reduce_sum3A_462 : vector<16xf32>, vector<16xi1> -> vector<16xf32>
          %reduce_sum3A_464 = vector.extract %reduce_sum3A_463[15] : f32 from vector<16xf32>
          %sub3A_465 = arith.subf %reduce_sum3A_464, %select_n3A_460 : f32
          %reduce_sum3A_466 = arith.constant true
          %reduce_sum3A_467 = vector.broadcast %reduce_sum3A_466 : i1 to vector<16xi1>
          %reduce_sum3A_468 = tpu.scan <sum>, %scan3A_454#1 masked %reduce_sum3A_467 : vector<16xf32>, vector<16xi1> -> vector<16xf32>
          %reduce_sum3A_469 = vector.extract %reduce_sum3A_468[15] : f32 from vector<16xf32>
          %mul3A_470 = arith.mulf %select_n3A_460, %reshape3A_446 : f32
          %sub3A_471 = arith.subf %reduce_sum3A_469, %mul3A_470 : f32
          %eq3A_472 = arith.constant 6 : i32
          %eq3A_473 = vector.broadcast %eq3A_472 : i32 to vector<16xi32>
          %eq3A_474 = arith.cmpi eq, %iota3A, %eq3A_473 : vector<16xi32>
          %broadcast_in_dim3A_475 = vector.broadcast %sub3A_465 : f32 to vector<16xf32>
          %select_n3A_476 = arith.select %eq3A_474, %broadcast_in_dim3A_475, %select_n3A_437 : vector<16xi1>, vector<16xf32>
          %eq3A_477 = arith.constant 6 : i32
          %eq3A_478 = vector.broadcast %eq3A_477 : i32 to vector<16xi32>
          %eq3A_479 = arith.cmpi eq, %iota3A, %eq3A_478 : vector<16xi32>
          %broadcast_in_dim3A_480 = vector.broadcast %sub3A_471 : f32 to vector<16xf32>
          %select_n3A_481 = arith.select %eq3A_479, %broadcast_in_dim3A_480, %select_n3A_442 : vector<16xi1>, vector<16xf32>
          %slice3A_482 = vector.extract_strided_slice %get3A_205 {offsets = [7], sizes = [1], strides = [1]} : vector<16xf32> to vector<1xf32>
          %reshape3A_483 = vector.extract %slice3A_482[0] : f32 from vector<1xf32>
          %slice3A_484 = vector.extract_strided_slice %get3A_201 {offsets = [7], sizes = [1], strides = [1]} : vector<16xf32> to vector<1xf32>
          %reshape3A_485 = vector.extract %slice3A_484[0] : f32 from vector<1xf32>
          %broadcast_in_dim3A_486 = vector.broadcast %reshape3A_483 : f32 to vector<16xf32>
          %broadcast_in_dim3A_487 = arith.constant 0.000000e+00 : f32
          %broadcast_in_dim3A_488 = vector.broadcast %broadcast_in_dim3A_487 : f32 to vector<16xf32>
          %scan3A_489 = arith.constant 0 : i32
          %scan3A_490 = arith.constant 252 : i32
          %scan3A_491 = arith.addi %scan3A_489, %scan3A_490 : i32
          %scan3A_492 = arith.constant 1 : i32
          %scan3A_493:2 = scf.for %scan3A_861 = %scan3A_489 to %scan3A_491 step %scan3A_492 iter_args(%scan3A_862 = %broadcast_in_dim3A_488, %scan3A_863 = %broadcast_in_dim3A_488) -> (vector<16xf32>, vector<16xf32>)  : i32 {
            %mul3A_864 = arith.constant 16 : i32
            %mul3A_865 = arith.muli %scan3A_861, %mul3A_864 : i32
            %get3A_866 = arith.index_cast %mul3A_865 : i32 to index
            %get3A_867 = tpu.vector_load %arg11[%get3A_866] {strides = array<i32>} : memref<4096xf32, #tpu.memory_space<vmem>>, vector<16xf32>,
            %mul3A_868 = arith.constant 16 : i32
            %mul3A_869 = arith.muli %scan3A_861, %mul3A_868 : i32
            %get3A_870 = arith.index_cast %mul3A_869 : i32 to index
            %get3A_871 = tpu.vector_load %arg10[%get3A_870] {strides = array<i32>} : memref<4096xf32, #tpu.memory_space<vmem>>, vector<16xf32>,
            %mul3A_872 = arith.mulf %broadcast_in_dim3A_486, %get3A_867 : vector<16xf32>
            %ge3A_873 = vector.broadcast %scan3A_184 : f32 to vector<16xf32>
            %ge3A_874 = arith.cmpf oge, %mul3A_872, %ge3A_873 : vector<16xf32>
            %jit3A_875 = arith.constant 1.000000e+00 : f32
            %jit3A_876 = arith.constant 0.000000e+00 : f32
            %broadcast_in_dim3A_877 = vector.broadcast %jit3A_875 : f32 to vector<16xf32>
            %broadcast_in_dim3A_878 = vector.broadcast %jit3A_876 : f32 to vector<16xf32>
            %select_n3A_879 = arith.select %ge3A_874, %broadcast_in_dim3A_877, %broadcast_in_dim3A_878 : vector<16xi1>, vector<16xf32>
            %add3A_880 = arith.addf %scan3A_862, %select_n3A_879 : vector<16xf32>
            %jit3A_881 = arith.constant 0.000000e+00 : f32
            %broadcast_in_dim3A_882 = vector.broadcast %jit3A_881 : f32 to vector<16xf32>
            %select_n3A_883 = arith.select %ge3A_874, %get3A_871, %broadcast_in_dim3A_882 : vector<16xi1>, vector<16xf32>
            %add3A_884 = arith.addf %scan3A_863, %select_n3A_883 : vector<16xf32>
            scf.yield %add3A_880, %add3A_884 : vector<16xf32>, vector<16xf32>
          }
          %scan3A_494 = arith.constant 252 : i32
          %mul3A_495 = arith.mulf %reshape3A_483, %reshape3A_483 : f32
          %ge3A_496 = arith.cmpf oge, %mul3A_495, %scan3A_184 : f32
          %jit3A_497 = arith.constant 1.000000e+00 : f32
          %jit3A_498 = arith.constant 0.000000e+00 : f32
          %select_n3A_499 = arith.select %ge3A_496, %jit3A_497, %jit3A_498 : f32
          %reduce_sum3A_500 = arith.constant true
          %reduce_sum3A_501 = vector.broadcast %reduce_sum3A_500 : i1 to vector<16xi1>
          %reduce_sum3A_502 = tpu.scan <sum>, %scan3A_493#0 masked %reduce_sum3A_501 : vector<16xf32>, vector<16xi1> -> vector<16xf32>
          %reduce_sum3A_503 = vector.extract %reduce_sum3A_502[15] : f32 from vector<16xf32>
          %sub3A_504 = arith.subf %reduce_sum3A_503, %select_n3A_499 : f32
          %reduce_sum3A_505 = arith.constant true
          %reduce_sum3A_506 = vector.broadcast %reduce_sum3A_505 : i1 to vector<16xi1>
          %reduce_sum3A_507 = tpu.scan <sum>, %scan3A_493#1 masked %reduce_sum3A_506 : vector<16xf32>, vector<16xi1> -> vector<16xf32>
          %reduce_sum3A_508 = vector.extract %reduce_sum3A_507[15] : f32 from vector<16xf32>
          %mul3A_509 = arith.mulf %select_n3A_499, %reshape3A_485 : f32
          %sub3A_510 = arith.subf %reduce_sum3A_508, %mul3A_509 : f32
          %eq3A_511 = arith.constant 7 : i32
          %eq3A_512 = vector.broadcast %eq3A_511 : i32 to vector<16xi32>
          %eq3A_513 = arith.cmpi eq, %iota3A, %eq3A_512 : vector<16xi32>
          %broadcast_in_dim3A_514 = vector.broadcast %sub3A_504 : f32 to vector<16xf32>
          %select_n3A_515 = arith.select %eq3A_513, %broadcast_in_dim3A_514, %select_n3A_476 : vector<16xi1>, vector<16xf32>
          %eq3A_516 = arith.constant 7 : i32
          %eq3A_517 = vector.broadcast %eq3A_516 : i32 to vector<16xi32>
          %eq3A_518 = arith.cmpi eq, %iota3A, %eq3A_517 : vector<16xi32>
          %broadcast_in_dim3A_519 = vector.broadcast %sub3A_510 : f32 to vector<16xf32>
          %select_n3A_520 = arith.select %eq3A_518, %broadcast_in_dim3A_519, %select_n3A_481 : vector<16xi1>, vector<16xf32>
          %slice3A_521 = vector.extract_strided_slice %get3A_205 {offsets = [8], sizes = [1], strides = [1]} : vector<16xf32> to vector<1xf32>
          %reshape3A_522 = vector.extract %slice3A_521[0] : f32 from vector<1xf32>
          %slice3A_523 = vector.extract_strided_slice %get3A_201 {offsets = [8], sizes = [1], strides = [1]} : vector<16xf32> to vector<1xf32>
          %reshape3A_524 = vector.extract %slice3A_523[0] : f32 from vector<1xf32>
          %broadcast_in_dim3A_525 = vector.broadcast %reshape3A_522 : f32 to vector<16xf32>
          %broadcast_in_dim3A_526 = arith.constant 0.000000e+00 : f32
          %broadcast_in_dim3A_527 = vector.broadcast %broadcast_in_dim3A_526 : f32 to vector<16xf32>
          %scan3A_528 = arith.constant 0 : i32
          %scan3A_529 = arith.constant 252 : i32
          %scan3A_530 = arith.addi %scan3A_528, %scan3A_529 : i32
          %scan3A_531 = arith.constant 1 : i32
          %scan3A_532:2 = scf.for %scan3A_861 = %scan3A_528 to %scan3A_530 step %scan3A_531 iter_args(%scan3A_862 = %broadcast_in_dim3A_527, %scan3A_863 = %broadcast_in_dim3A_527) -> (vector<16xf32>, vector<16xf32>)  : i32 {
            %mul3A_864 = arith.constant 16 : i32
            %mul3A_865 = arith.muli %scan3A_861, %mul3A_864 : i32
            %get3A_866 = arith.index_cast %mul3A_865 : i32 to index
            %get3A_867 = tpu.vector_load %arg11[%get3A_866] {strides = array<i32>} : memref<4096xf32, #tpu.memory_space<vmem>>, vector<16xf32>,
            %mul3A_868 = arith.constant 16 : i32
            %mul3A_869 = arith.muli %scan3A_861, %mul3A_868 : i32
            %get3A_870 = arith.index_cast %mul3A_869 : i32 to index
            %get3A_871 = tpu.vector_load %arg10[%get3A_870] {strides = array<i32>} : memref<4096xf32, #tpu.memory_space<vmem>>, vector<16xf32>,
            %mul3A_872 = arith.mulf %broadcast_in_dim3A_525, %get3A_867 : vector<16xf32>
            %ge3A_873 = vector.broadcast %scan3A_184 : f32 to vector<16xf32>
            %ge3A_874 = arith.cmpf oge, %mul3A_872, %ge3A_873 : vector<16xf32>
            %jit3A_875 = arith.constant 1.000000e+00 : f32
            %jit3A_876 = arith.constant 0.000000e+00 : f32
            %broadcast_in_dim3A_877 = vector.broadcast %jit3A_875 : f32 to vector<16xf32>
            %broadcast_in_dim3A_878 = vector.broadcast %jit3A_876 : f32 to vector<16xf32>
            %select_n3A_879 = arith.select %ge3A_874, %broadcast_in_dim3A_877, %broadcast_in_dim3A_878 : vector<16xi1>, vector<16xf32>
            %add3A_880 = arith.addf %scan3A_862, %select_n3A_879 : vector<16xf32>
            %jit3A_881 = arith.constant 0.000000e+00 : f32
            %broadcast_in_dim3A_882 = vector.broadcast %jit3A_881 : f32 to vector<16xf32>
            %select_n3A_883 = arith.select %ge3A_874, %get3A_871, %broadcast_in_dim3A_882 : vector<16xi1>, vector<16xf32>
            %add3A_884 = arith.addf %scan3A_863, %select_n3A_883 : vector<16xf32>
            scf.yield %add3A_880, %add3A_884 : vector<16xf32>, vector<16xf32>
          }
          %scan3A_533 = arith.constant 252 : i32
          %mul3A_534 = arith.mulf %reshape3A_522, %reshape3A_522 : f32
          %ge3A_535 = arith.cmpf oge, %mul3A_534, %scan3A_184 : f32
          %jit3A_536 = arith.constant 1.000000e+00 : f32
          %jit3A_537 = arith.constant 0.000000e+00 : f32
          %select_n3A_538 = arith.select %ge3A_535, %jit3A_536, %jit3A_537 : f32
          %reduce_sum3A_539 = arith.constant true
          %reduce_sum3A_540 = vector.broadcast %reduce_sum3A_539 : i1 to vector<16xi1>
          %reduce_sum3A_541 = tpu.scan <sum>, %scan3A_532#0 masked %reduce_sum3A_540 : vector<16xf32>, vector<16xi1> -> vector<16xf32>
          %reduce_sum3A_542 = vector.extract %reduce_sum3A_541[15] : f32 from vector<16xf32>
          %sub3A_543 = arith.subf %reduce_sum3A_542, %select_n3A_538 : f32
          %reduce_sum3A_544 = arith.constant true
          %reduce_sum3A_545 = vector.broadcast %reduce_sum3A_544 : i1 to vector<16xi1>
          %reduce_sum3A_546 = tpu.scan <sum>, %scan3A_532#1 masked %reduce_sum3A_545 : vector<16xf32>, vector<16xi1> -> vector<16xf32>
          %reduce_sum3A_547 = vector.extract %reduce_sum3A_546[15] : f32 from vector<16xf32>
          %mul3A_548 = arith.mulf %select_n3A_538, %reshape3A_524 : f32
          %sub3A_549 = arith.subf %reduce_sum3A_547, %mul3A_548 : f32
          %eq3A_550 = arith.constant 8 : i32
          %eq3A_551 = vector.broadcast %eq3A_550 : i32 to vector<16xi32>
          %eq3A_552 = arith.cmpi eq, %iota3A, %eq3A_551 : vector<16xi32>
          %broadcast_in_dim3A_553 = vector.broadcast %sub3A_543 : f32 to vector<16xf32>
          %select_n3A_554 = arith.select %eq3A_552, %broadcast_in_dim3A_553, %select_n3A_515 : vector<16xi1>, vector<16xf32>
          %eq3A_555 = arith.constant 8 : i32
          %eq3A_556 = vector.broadcast %eq3A_555 : i32 to vector<16xi32>
          %eq3A_557 = arith.cmpi eq, %iota3A, %eq3A_556 : vector<16xi32>
          %broadcast_in_dim3A_558 = vector.broadcast %sub3A_549 : f32 to vector<16xf32>
          %select_n3A_559 = arith.select %eq3A_557, %broadcast_in_dim3A_558, %select_n3A_520 : vector<16xi1>, vector<16xf32>
          %slice3A_560 = vector.extract_strided_slice %get3A_205 {offsets = [9], sizes = [1], strides = [1]} : vector<16xf32> to vector<1xf32>
          %reshape3A_561 = vector.extract %slice3A_560[0] : f32 from vector<1xf32>
          %slice3A_562 = vector.extract_strided_slice %get3A_201 {offsets = [9], sizes = [1], strides = [1]} : vector<16xf32> to vector<1xf32>
          %reshape3A_563 = vector.extract %slice3A_562[0] : f32 from vector<1xf32>
          %broadcast_in_dim3A_564 = vector.broadcast %reshape3A_561 : f32 to vector<16xf32>
          %broadcast_in_dim3A_565 = arith.constant 0.000000e+00 : f32
          %broadcast_in_dim3A_566 = vector.broadcast %broadcast_in_dim3A_565 : f32 to vector<16xf32>
          %scan3A_567 = arith.constant 0 : i32
          %scan3A_568 = arith.constant 252 : i32
          %scan3A_569 = arith.addi %scan3A_567, %scan3A_568 : i32
          %scan3A_570 = arith.constant 1 : i32
          %scan3A_571:2 = scf.for %scan3A_861 = %scan3A_567 to %scan3A_569 step %scan3A_570 iter_args(%scan3A_862 = %broadcast_in_dim3A_566, %scan3A_863 = %broadcast_in_dim3A_566) -> (vector<16xf32>, vector<16xf32>)  : i32 {
            %mul3A_864 = arith.constant 16 : i32
            %mul3A_865 = arith.muli %scan3A_861, %mul3A_864 : i32
            %get3A_866 = arith.index_cast %mul3A_865 : i32 to index
            %get3A_867 = tpu.vector_load %arg11[%get3A_866] {strides = array<i32>} : memref<4096xf32, #tpu.memory_space<vmem>>, vector<16xf32>,
            %mul3A_868 = arith.constant 16 : i32
            %mul3A_869 = arith.muli %scan3A_861, %mul3A_868 : i32
            %get3A_870 = arith.index_cast %mul3A_869 : i32 to index
            %get3A_871 = tpu.vector_load %arg10[%get3A_870] {strides = array<i32>} : memref<4096xf32, #tpu.memory_space<vmem>>, vector<16xf32>,
            %mul3A_872 = arith.mulf %broadcast_in_dim3A_564, %get3A_867 : vector<16xf32>
            %ge3A_873 = vector.broadcast %scan3A_184 : f32 to vector<16xf32>
            %ge3A_874 = arith.cmpf oge, %mul3A_872, %ge3A_873 : vector<16xf32>
            %jit3A_875 = arith.constant 1.000000e+00 : f32
            %jit3A_876 = arith.constant 0.000000e+00 : f32
            %broadcast_in_dim3A_877 = vector.broadcast %jit3A_875 : f32 to vector<16xf32>
            %broadcast_in_dim3A_878 = vector.broadcast %jit3A_876 : f32 to vector<16xf32>
            %select_n3A_879 = arith.select %ge3A_874, %broadcast_in_dim3A_877, %broadcast_in_dim3A_878 : vector<16xi1>, vector<16xf32>
            %add3A_880 = arith.addf %scan3A_862, %select_n3A_879 : vector<16xf32>
            %jit3A_881 = arith.constant 0.000000e+00 : f32
            %broadcast_in_dim3A_882 = vector.broadcast %jit3A_881 : f32 to vector<16xf32>
            %select_n3A_883 = arith.select %ge3A_874, %get3A_871, %broadcast_in_dim3A_882 : vector<16xi1>, vector<16xf32>
            %add3A_884 = arith.addf %scan3A_863, %select_n3A_883 : vector<16xf32>
            scf.yield %add3A_880, %add3A_884 : vector<16xf32>, vector<16xf32>
          }
          %scan3A_572 = arith.constant 252 : i32
          %mul3A_573 = arith.mulf %reshape3A_561, %reshape3A_561 : f32
          %ge3A_574 = arith.cmpf oge, %mul3A_573, %scan3A_184 : f32
          %jit3A_575 = arith.constant 1.000000e+00 : f32
          %jit3A_576 = arith.constant 0.000000e+00 : f32
          %select_n3A_577 = arith.select %ge3A_574, %jit3A_575, %jit3A_576 : f32
          %reduce_sum3A_578 = arith.constant true
          %reduce_sum3A_579 = vector.broadcast %reduce_sum3A_578 : i1 to vector<16xi1>
          %reduce_sum3A_580 = tpu.scan <sum>, %scan3A_571#0 masked %reduce_sum3A_579 : vector<16xf32>, vector<16xi1> -> vector<16xf32>
          %reduce_sum3A_581 = vector.extract %reduce_sum3A_580[15] : f32 from vector<16xf32>
          %sub3A_582 = arith.subf %reduce_sum3A_581, %select_n3A_577 : f32
          %reduce_sum3A_583 = arith.constant true
          %reduce_sum3A_584 = vector.broadcast %reduce_sum3A_583 : i1 to vector<16xi1>
          %reduce_sum3A_585 = tpu.scan <sum>, %scan3A_571#1 masked %reduce_sum3A_584 : vector<16xf32>, vector<16xi1> -> vector<16xf32>
          %reduce_sum3A_586 = vector.extract %reduce_sum3A_585[15] : f32 from vector<16xf32>
          %mul3A_587 = arith.mulf %select_n3A_577, %reshape3A_563 : f32
          %sub3A_588 = arith.subf %reduce_sum3A_586, %mul3A_587 : f32
          %eq3A_589 = arith.constant 9 : i32
          %eq3A_590 = vector.broadcast %eq3A_589 : i32 to vector<16xi32>
          %eq3A_591 = arith.cmpi eq, %iota3A, %eq3A_590 : vector<16xi32>
          %broadcast_in_dim3A_592 = vector.broadcast %sub3A_582 : f32 to vector<16xf32>
          %select_n3A_593 = arith.select %eq3A_591, %broadcast_in_dim3A_592, %select_n3A_554 : vector<16xi1>, vector<16xf32>
          %eq3A_594 = arith.constant 9 : i32
          %eq3A_595 = vector.broadcast %eq3A_594 : i32 to vector<16xi32>
          %eq3A_596 = arith.cmpi eq, %iota3A, %eq3A_595 : vector<16xi32>
          %broadcast_in_dim3A_597 = vector.broadcast %sub3A_588 : f32 to vector<16xf32>
          %select_n3A_598 = arith.select %eq3A_596, %broadcast_in_dim3A_597, %select_n3A_559 : vector<16xi1>, vector<16xf32>
          %slice3A_599 = vector.extract_strided_slice %get3A_205 {offsets = [10], sizes = [1], strides = [1]} : vector<16xf32> to vector<1xf32>
          %reshape3A_600 = vector.extract %slice3A_599[0] : f32 from vector<1xf32>
          %slice3A_601 = vector.extract_strided_slice %get3A_201 {offsets = [10], sizes = [1], strides = [1]} : vector<16xf32> to vector<1xf32>
          %reshape3A_602 = vector.extract %slice3A_601[0] : f32 from vector<1xf32>
          %broadcast_in_dim3A_603 = vector.broadcast %reshape3A_600 : f32 to vector<16xf32>
          %broadcast_in_dim3A_604 = arith.constant 0.000000e+00 : f32
          %broadcast_in_dim3A_605 = vector.broadcast %broadcast_in_dim3A_604 : f32 to vector<16xf32>
          %scan3A_606 = arith.constant 0 : i32
          %scan3A_607 = arith.constant 252 : i32
          %scan3A_608 = arith.addi %scan3A_606, %scan3A_607 : i32
          %scan3A_609 = arith.constant 1 : i32
          %scan3A_610:2 = scf.for %scan3A_861 = %scan3A_606 to %scan3A_608 step %scan3A_609 iter_args(%scan3A_862 = %broadcast_in_dim3A_605, %scan3A_863 = %broadcast_in_dim3A_605) -> (vector<16xf32>, vector<16xf32>)  : i32 {
            %mul3A_864 = arith.constant 16 : i32
            %mul3A_865 = arith.muli %scan3A_861, %mul3A_864 : i32
            %get3A_866 = arith.index_cast %mul3A_865 : i32 to index
            %get3A_867 = tpu.vector_load %arg11[%get3A_866] {strides = array<i32>} : memref<4096xf32, #tpu.memory_space<vmem>>, vector<16xf32>,
            %mul3A_868 = arith.constant 16 : i32
            %mul3A_869 = arith.muli %scan3A_861, %mul3A_868 : i32
            %get3A_870 = arith.index_cast %mul3A_869 : i32 to index
            %get3A_871 = tpu.vector_load %arg10[%get3A_870] {strides = array<i32>} : memref<4096xf32, #tpu.memory_space<vmem>>, vector<16xf32>,
            %mul3A_872 = arith.mulf %broadcast_in_dim3A_603, %get3A_867 : vector<16xf32>
            %ge3A_873 = vector.broadcast %scan3A_184 : f32 to vector<16xf32>
            %ge3A_874 = arith.cmpf oge, %mul3A_872, %ge3A_873 : vector<16xf32>
            %jit3A_875 = arith.constant 1.000000e+00 : f32
            %jit3A_876 = arith.constant 0.000000e+00 : f32
            %broadcast_in_dim3A_877 = vector.broadcast %jit3A_875 : f32 to vector<16xf32>
            %broadcast_in_dim3A_878 = vector.broadcast %jit3A_876 : f32 to vector<16xf32>
            %select_n3A_879 = arith.select %ge3A_874, %broadcast_in_dim3A_877, %broadcast_in_dim3A_878 : vector<16xi1>, vector<16xf32>
            %add3A_880 = arith.addf %scan3A_862, %select_n3A_879 : vector<16xf32>
            %jit3A_881 = arith.constant 0.000000e+00 : f32
            %broadcast_in_dim3A_882 = vector.broadcast %jit3A_881 : f32 to vector<16xf32>
            %select_n3A_883 = arith.select %ge3A_874, %get3A_871, %broadcast_in_dim3A_882 : vector<16xi1>, vector<16xf32>
            %add3A_884 = arith.addf %scan3A_863, %select_n3A_883 : vector<16xf32>
            scf.yield %add3A_880, %add3A_884 : vector<16xf32>, vector<16xf32>
          }
          %scan3A_611 = arith.constant 252 : i32
          %mul3A_612 = arith.mulf %reshape3A_600, %reshape3A_600 : f32
          %ge3A_613 = arith.cmpf oge, %mul3A_612, %scan3A_184 : f32
          %jit3A_614 = arith.constant 1.000000e+00 : f32
          %jit3A_615 = arith.constant 0.000000e+00 : f32
          %select_n3A_616 = arith.select %ge3A_613, %jit3A_614, %jit3A_615 : f32
          %reduce_sum3A_617 = arith.constant true
          %reduce_sum3A_618 = vector.broadcast %reduce_sum3A_617 : i1 to vector<16xi1>
          %reduce_sum3A_619 = tpu.scan <sum>, %scan3A_610#0 masked %reduce_sum3A_618 : vector<16xf32>, vector<16xi1> -> vector<16xf32>
          %reduce_sum3A_620 = vector.extract %reduce_sum3A_619[15] : f32 from vector<16xf32>
          %sub3A_621 = arith.subf %reduce_sum3A_620, %select_n3A_616 : f32
          %reduce_sum3A_622 = arith.constant true
          %reduce_sum3A_623 = vector.broadcast %reduce_sum3A_622 : i1 to vector<16xi1>
          %reduce_sum3A_624 = tpu.scan <sum>, %scan3A_610#1 masked %reduce_sum3A_623 : vector<16xf32>, vector<16xi1> -> vector<16xf32>
          %reduce_sum3A_625 = vector.extract %reduce_sum3A_624[15] : f32 from vector<16xf32>
          %mul3A_626 = arith.mulf %select_n3A_616, %reshape3A_602 : f32
          %sub3A_627 = arith.subf %reduce_sum3A_625, %mul3A_626 : f32
          %eq3A_628 = arith.constant 10 : i32
          %eq3A_629 = vector.broadcast %eq3A_628 : i32 to vector<16xi32>
          %eq3A_630 = arith.cmpi eq, %iota3A, %eq3A_629 : vector<16xi32>
          %broadcast_in_dim3A_631 = vector.broadcast %sub3A_621 : f32 to vector<16xf32>
          %select_n3A_632 = arith.select %eq3A_630, %broadcast_in_dim3A_631, %select_n3A_593 : vector<16xi1>, vector<16xf32>
          %eq3A_633 = arith.constant 10 : i32
          %eq3A_634 = vector.broadcast %eq3A_633 : i32 to vector<16xi32>
          %eq3A_635 = arith.cmpi eq, %iota3A, %eq3A_634 : vector<16xi32>
          %broadcast_in_dim3A_636 = vector.broadcast %sub3A_627 : f32 to vector<16xf32>
          %select_n3A_637 = arith.select %eq3A_635, %broadcast_in_dim3A_636, %select_n3A_598 : vector<16xi1>, vector<16xf32>
          %slice3A_638 = vector.extract_strided_slice %get3A_205 {offsets = [11], sizes = [1], strides = [1]} : vector<16xf32> to vector<1xf32>
          %reshape3A_639 = vector.extract %slice3A_638[0] : f32 from vector<1xf32>
          %slice3A_640 = vector.extract_strided_slice %get3A_201 {offsets = [11], sizes = [1], strides = [1]} : vector<16xf32> to vector<1xf32>
          %reshape3A_641 = vector.extract %slice3A_640[0] : f32 from vector<1xf32>
          %broadcast_in_dim3A_642 = vector.broadcast %reshape3A_639 : f32 to vector<16xf32>
          %broadcast_in_dim3A_643 = arith.constant 0.000000e+00 : f32
          %broadcast_in_dim3A_644 = vector.broadcast %broadcast_in_dim3A_643 : f32 to vector<16xf32>
          %scan3A_645 = arith.constant 0 : i32
          %scan3A_646 = arith.constant 252 : i32
          %scan3A_647 = arith.addi %scan3A_645, %scan3A_646 : i32
          %scan3A_648 = arith.constant 1 : i32
          %scan3A_649:2 = scf.for %scan3A_861 = %scan3A_645 to %scan3A_647 step %scan3A_648 iter_args(%scan3A_862 = %broadcast_in_dim3A_644, %scan3A_863 = %broadcast_in_dim3A_644) -> (vector<16xf32>, vector<16xf32>)  : i32 {
            %mul3A_864 = arith.constant 16 : i32
            %mul3A_865 = arith.muli %scan3A_861, %mul3A_864 : i32
            %get3A_866 = arith.index_cast %mul3A_865 : i32 to index
            %get3A_867 = tpu.vector_load %arg11[%get3A_866] {strides = array<i32>} : memref<4096xf32, #tpu.memory_space<vmem>>, vector<16xf32>,
            %mul3A_868 = arith.constant 16 : i32
            %mul3A_869 = arith.muli %scan3A_861, %mul3A_868 : i32
            %get3A_870 = arith.index_cast %mul3A_869 : i32 to index
            %get3A_871 = tpu.vector_load %arg10[%get3A_870] {strides = array<i32>} : memref<4096xf32, #tpu.memory_space<vmem>>, vector<16xf32>,
            %mul3A_872 = arith.mulf %broadcast_in_dim3A_642, %get3A_867 : vector<16xf32>
            %ge3A_873 = vector.broadcast %scan3A_184 : f32 to vector<16xf32>
            %ge3A_874 = arith.cmpf oge, %mul3A_872, %ge3A_873 : vector<16xf32>
            %jit3A_875 = arith.constant 1.000000e+00 : f32
            %jit3A_876 = arith.constant 0.000000e+00 : f32
            %broadcast_in_dim3A_877 = vector.broadcast %jit3A_875 : f32 to vector<16xf32>
            %broadcast_in_dim3A_878 = vector.broadcast %jit3A_876 : f32 to vector<16xf32>
            %select_n3A_879 = arith.select %ge3A_874, %broadcast_in_dim3A_877, %broadcast_in_dim3A_878 : vector<16xi1>, vector<16xf32>
            %add3A_880 = arith.addf %scan3A_862, %select_n3A_879 : vector<16xf32>
            %jit3A_881 = arith.constant 0.000000e+00 : f32
            %broadcast_in_dim3A_882 = vector.broadcast %jit3A_881 : f32 to vector<16xf32>
            %select_n3A_883 = arith.select %ge3A_874, %get3A_871, %broadcast_in_dim3A_882 : vector<16xi1>, vector<16xf32>
            %add3A_884 = arith.addf %scan3A_863, %select_n3A_883 : vector<16xf32>
            scf.yield %add3A_880, %add3A_884 : vector<16xf32>, vector<16xf32>
          }
          %scan3A_650 = arith.constant 252 : i32
          %mul3A_651 = arith.mulf %reshape3A_639, %reshape3A_639 : f32
          %ge3A_652 = arith.cmpf oge, %mul3A_651, %scan3A_184 : f32
          %jit3A_653 = arith.constant 1.000000e+00 : f32
          %jit3A_654 = arith.constant 0.000000e+00 : f32
          %select_n3A_655 = arith.select %ge3A_652, %jit3A_653, %jit3A_654 : f32
          %reduce_sum3A_656 = arith.constant true
          %reduce_sum3A_657 = vector.broadcast %reduce_sum3A_656 : i1 to vector<16xi1>
          %reduce_sum3A_658 = tpu.scan <sum>, %scan3A_649#0 masked %reduce_sum3A_657 : vector<16xf32>, vector<16xi1> -> vector<16xf32>
          %reduce_sum3A_659 = vector.extract %reduce_sum3A_658[15] : f32 from vector<16xf32>
          %sub3A_660 = arith.subf %reduce_sum3A_659, %select_n3A_655 : f32
          %reduce_sum3A_661 = arith.constant true
          %reduce_sum3A_662 = vector.broadcast %reduce_sum3A_661 : i1 to vector<16xi1>
          %reduce_sum3A_663 = tpu.scan <sum>, %scan3A_649#1 masked %reduce_sum3A_662 : vector<16xf32>, vector<16xi1> -> vector<16xf32>
          %reduce_sum3A_664 = vector.extract %reduce_sum3A_663[15] : f32 from vector<16xf32>
          %mul3A_665 = arith.mulf %select_n3A_655, %reshape3A_641 : f32
          %sub3A_666 = arith.subf %reduce_sum3A_664, %mul3A_665 : f32
          %eq3A_667 = arith.constant 11 : i32
          %eq3A_668 = vector.broadcast %eq3A_667 : i32 to vector<16xi32>
          %eq3A_669 = arith.cmpi eq, %iota3A, %eq3A_668 : vector<16xi32>
          %broadcast_in_dim3A_670 = vector.broadcast %sub3A_660 : f32 to vector<16xf32>
          %select_n3A_671 = arith.select %eq3A_669, %broadcast_in_dim3A_670, %select_n3A_632 : vector<16xi1>, vector<16xf32>
          %eq3A_672 = arith.constant 11 : i32
          %eq3A_673 = vector.broadcast %eq3A_672 : i32 to vector<16xi32>
          %eq3A_674 = arith.cmpi eq, %iota3A, %eq3A_673 : vector<16xi32>
          %broadcast_in_dim3A_675 = vector.broadcast %sub3A_666 : f32 to vector<16xf32>
          %select_n3A_676 = arith.select %eq3A_674, %broadcast_in_dim3A_675, %select_n3A_637 : vector<16xi1>, vector<16xf32>
          %slice3A_677 = vector.extract_strided_slice %get3A_205 {offsets = [12], sizes = [1], strides = [1]} : vector<16xf32> to vector<1xf32>
          %reshape3A_678 = vector.extract %slice3A_677[0] : f32 from vector<1xf32>
          %slice3A_679 = vector.extract_strided_slice %get3A_201 {offsets = [12], sizes = [1], strides = [1]} : vector<16xf32> to vector<1xf32>
          %reshape3A_680 = vector.extract %slice3A_679[0] : f32 from vector<1xf32>
          %broadcast_in_dim3A_681 = vector.broadcast %reshape3A_678 : f32 to vector<16xf32>
          %broadcast_in_dim3A_682 = arith.constant 0.000000e+00 : f32
          %broadcast_in_dim3A_683 = vector.broadcast %broadcast_in_dim3A_682 : f32 to vector<16xf32>
          %scan3A_684 = arith.constant 0 : i32
          %scan3A_685 = arith.constant 252 : i32
          %scan3A_686 = arith.addi %scan3A_684, %scan3A_685 : i32
          %scan3A_687 = arith.constant 1 : i32
          %scan3A_688:2 = scf.for %scan3A_861 = %scan3A_684 to %scan3A_686 step %scan3A_687 iter_args(%scan3A_862 = %broadcast_in_dim3A_683, %scan3A_863 = %broadcast_in_dim3A_683) -> (vector<16xf32>, vector<16xf32>)  : i32 {
            %mul3A_864 = arith.constant 16 : i32
            %mul3A_865 = arith.muli %scan3A_861, %mul3A_864 : i32
            %get3A_866 = arith.index_cast %mul3A_865 : i32 to index
            %get3A_867 = tpu.vector_load %arg11[%get3A_866] {strides = array<i32>} : memref<4096xf32, #tpu.memory_space<vmem>>, vector<16xf32>,
            %mul3A_868 = arith.constant 16 : i32
            %mul3A_869 = arith.muli %scan3A_861, %mul3A_868 : i32
            %get3A_870 = arith.index_cast %mul3A_869 : i32 to index
            %get3A_871 = tpu.vector_load %arg10[%get3A_870] {strides = array<i32>} : memref<4096xf32, #tpu.memory_space<vmem>>, vector<16xf32>,
            %mul3A_872 = arith.mulf %broadcast_in_dim3A_681, %get3A_867 : vector<16xf32>
            %ge3A_873 = vector.broadcast %scan3A_184 : f32 to vector<16xf32>
            %ge3A_874 = arith.cmpf oge, %mul3A_872, %ge3A_873 : vector<16xf32>
            %jit3A_875 = arith.constant 1.000000e+00 : f32
            %jit3A_876 = arith.constant 0.000000e+00 : f32
            %broadcast_in_dim3A_877 = vector.broadcast %jit3A_875 : f32 to vector<16xf32>
            %broadcast_in_dim3A_878 = vector.broadcast %jit3A_876 : f32 to vector<16xf32>
            %select_n3A_879 = arith.select %ge3A_874, %broadcast_in_dim3A_877, %broadcast_in_dim3A_878 : vector<16xi1>, vector<16xf32>
            %add3A_880 = arith.addf %scan3A_862, %select_n3A_879 : vector<16xf32>
            %jit3A_881 = arith.constant 0.000000e+00 : f32
            %broadcast_in_dim3A_882 = vector.broadcast %jit3A_881 : f32 to vector<16xf32>
            %select_n3A_883 = arith.select %ge3A_874, %get3A_871, %broadcast_in_dim3A_882 : vector<16xi1>, vector<16xf32>
            %add3A_884 = arith.addf %scan3A_863, %select_n3A_883 : vector<16xf32>
            scf.yield %add3A_880, %add3A_884 : vector<16xf32>, vector<16xf32>
          }
          %scan3A_689 = arith.constant 252 : i32
          %mul3A_690 = arith.mulf %reshape3A_678, %reshape3A_678 : f32
          %ge3A_691 = arith.cmpf oge, %mul3A_690, %scan3A_184 : f32
          %jit3A_692 = arith.constant 1.000000e+00 : f32
          %jit3A_693 = arith.constant 0.000000e+00 : f32
          %select_n3A_694 = arith.select %ge3A_691, %jit3A_692, %jit3A_693 : f32
          %reduce_sum3A_695 = arith.constant true
          %reduce_sum3A_696 = vector.broadcast %reduce_sum3A_695 : i1 to vector<16xi1>
          %reduce_sum3A_697 = tpu.scan <sum>, %scan3A_688#0 masked %reduce_sum3A_696 : vector<16xf32>, vector<16xi1> -> vector<16xf32>
          %reduce_sum3A_698 = vector.extract %reduce_sum3A_697[15] : f32 from vector<16xf32>
          %sub3A_699 = arith.subf %reduce_sum3A_698, %select_n3A_694 : f32
          %reduce_sum3A_700 = arith.constant true
          %reduce_sum3A_701 = vector.broadcast %reduce_sum3A_700 : i1 to vector<16xi1>
          %reduce_sum3A_702 = tpu.scan <sum>, %scan3A_688#1 masked %reduce_sum3A_701 : vector<16xf32>, vector<16xi1> -> vector<16xf32>
          %reduce_sum3A_703 = vector.extract %reduce_sum3A_702[15] : f32 from vector<16xf32>
          %mul3A_704 = arith.mulf %select_n3A_694, %reshape3A_680 : f32
          %sub3A_705 = arith.subf %reduce_sum3A_703, %mul3A_704 : f32
          %eq3A_706 = arith.constant 12 : i32
          %eq3A_707 = vector.broadcast %eq3A_706 : i32 to vector<16xi32>
          %eq3A_708 = arith.cmpi eq, %iota3A, %eq3A_707 : vector<16xi32>
          %broadcast_in_dim3A_709 = vector.broadcast %sub3A_699 : f32 to vector<16xf32>
          %select_n3A_710 = arith.select %eq3A_708, %broadcast_in_dim3A_709, %select_n3A_671 : vector<16xi1>, vector<16xf32>
          %eq3A_711 = arith.constant 12 : i32
          %eq3A_712 = vector.broadcast %eq3A_711 : i32 to vector<16xi32>
          %eq3A_713 = arith.cmpi eq, %iota3A, %eq3A_712 : vector<16xi32>
          %broadcast_in_dim3A_714 = vector.broadcast %sub3A_705 : f32 to vector<16xf32>
          %select_n3A_715 = arith.select %eq3A_713, %broadcast_in_dim3A_714, %select_n3A_676 : vector<16xi1>, vector<16xf32>
          %slice3A_716 = vector.extract_strided_slice %get3A_205 {offsets = [13], sizes = [1], strides = [1]} : vector<16xf32> to vector<1xf32>
          %reshape3A_717 = vector.extract %slice3A_716[0] : f32 from vector<1xf32>
          %slice3A_718 = vector.extract_strided_slice %get3A_201 {offsets = [13], sizes = [1], strides = [1]} : vector<16xf32> to vector<1xf32>
          %reshape3A_719 = vector.extract %slice3A_718[0] : f32 from vector<1xf32>
          %broadcast_in_dim3A_720 = vector.broadcast %reshape3A_717 : f32 to vector<16xf32>
          %broadcast_in_dim3A_721 = arith.constant 0.000000e+00 : f32
          %broadcast_in_dim3A_722 = vector.broadcast %broadcast_in_dim3A_721 : f32 to vector<16xf32>
          %scan3A_723 = arith.constant 0 : i32
          %scan3A_724 = arith.constant 252 : i32
          %scan3A_725 = arith.addi %scan3A_723, %scan3A_724 : i32
          %scan3A_726 = arith.constant 1 : i32
          %scan3A_727:2 = scf.for %scan3A_861 = %scan3A_723 to %scan3A_725 step %scan3A_726 iter_args(%scan3A_862 = %broadcast_in_dim3A_722, %scan3A_863 = %broadcast_in_dim3A_722) -> (vector<16xf32>, vector<16xf32>)  : i32 {
            %mul3A_864 = arith.constant 16 : i32
            %mul3A_865 = arith.muli %scan3A_861, %mul3A_864 : i32
            %get3A_866 = arith.index_cast %mul3A_865 : i32 to index
            %get3A_867 = tpu.vector_load %arg11[%get3A_866] {strides = array<i32>} : memref<4096xf32, #tpu.memory_space<vmem>>, vector<16xf32>,
            %mul3A_868 = arith.constant 16 : i32
            %mul3A_869 = arith.muli %scan3A_861, %mul3A_868 : i32
            %get3A_870 = arith.index_cast %mul3A_869 : i32 to index
            %get3A_871 = tpu.vector_load %arg10[%get3A_870] {strides = array<i32>} : memref<4096xf32, #tpu.memory_space<vmem>>, vector<16xf32>,
            %mul3A_872 = arith.mulf %broadcast_in_dim3A_720, %get3A_867 : vector<16xf32>
            %ge3A_873 = vector.broadcast %scan3A_184 : f32 to vector<16xf32>
            %ge3A_874 = arith.cmpf oge, %mul3A_872, %ge3A_873 : vector<16xf32>
            %jit3A_875 = arith.constant 1.000000e+00 : f32
            %jit3A_876 = arith.constant 0.000000e+00 : f32
            %broadcast_in_dim3A_877 = vector.broadcast %jit3A_875 : f32 to vector<16xf32>
            %broadcast_in_dim3A_878 = vector.broadcast %jit3A_876 : f32 to vector<16xf32>
            %select_n3A_879 = arith.select %ge3A_874, %broadcast_in_dim3A_877, %broadcast_in_dim3A_878 : vector<16xi1>, vector<16xf32>
            %add3A_880 = arith.addf %scan3A_862, %select_n3A_879 : vector<16xf32>
            %jit3A_881 = arith.constant 0.000000e+00 : f32
            %broadcast_in_dim3A_882 = vector.broadcast %jit3A_881 : f32 to vector<16xf32>
            %select_n3A_883 = arith.select %ge3A_874, %get3A_871, %broadcast_in_dim3A_882 : vector<16xi1>, vector<16xf32>
            %add3A_884 = arith.addf %scan3A_863, %select_n3A_883 : vector<16xf32>
            scf.yield %add3A_880, %add3A_884 : vector<16xf32>, vector<16xf32>
          }
          %scan3A_728 = arith.constant 252 : i32
          %mul3A_729 = arith.mulf %reshape3A_717, %reshape3A_717 : f32
          %ge3A_730 = arith.cmpf oge, %mul3A_729, %scan3A_184 : f32
          %jit3A_731 = arith.constant 1.000000e+00 : f32
          %jit3A_732 = arith.constant 0.000000e+00 : f32
          %select_n3A_733 = arith.select %ge3A_730, %jit3A_731, %jit3A_732 : f32
          %reduce_sum3A_734 = arith.constant true
          %reduce_sum3A_735 = vector.broadcast %reduce_sum3A_734 : i1 to vector<16xi1>
          %reduce_sum3A_736 = tpu.scan <sum>, %scan3A_727#0 masked %reduce_sum3A_735 : vector<16xf32>, vector<16xi1> -> vector<16xf32>
          %reduce_sum3A_737 = vector.extract %reduce_sum3A_736[15] : f32 from vector<16xf32>
          %sub3A_738 = arith.subf %reduce_sum3A_737, %select_n3A_733 : f32
          %reduce_sum3A_739 = arith.constant true
          %reduce_sum3A_740 = vector.broadcast %reduce_sum3A_739 : i1 to vector<16xi1>
          %reduce_sum3A_741 = tpu.scan <sum>, %scan3A_727#1 masked %reduce_sum3A_740 : vector<16xf32>, vector<16xi1> -> vector<16xf32>
          %reduce_sum3A_742 = vector.extract %reduce_sum3A_741[15] : f32 from vector<16xf32>
          %mul3A_743 = arith.mulf %select_n3A_733, %reshape3A_719 : f32
          %sub3A_744 = arith.subf %reduce_sum3A_742, %mul3A_743 : f32
          %eq3A_745 = arith.constant 13 : i32
          %eq3A_746 = vector.broadcast %eq3A_745 : i32 to vector<16xi32>
          %eq3A_747 = arith.cmpi eq, %iota3A, %eq3A_746 : vector<16xi32>
          %broadcast_in_dim3A_748 = vector.broadcast %sub3A_738 : f32 to vector<16xf32>
          %select_n3A_749 = arith.select %eq3A_747, %broadcast_in_dim3A_748, %select_n3A_710 : vector<16xi1>, vector<16xf32>
          %eq3A_750 = arith.constant 13 : i32
          %eq3A_751 = vector.broadcast %eq3A_750 : i32 to vector<16xi32>
          %eq3A_752 = arith.cmpi eq, %iota3A, %eq3A_751 : vector<16xi32>
          %broadcast_in_dim3A_753 = vector.broadcast %sub3A_744 : f32 to vector<16xf32>
          %select_n3A_754 = arith.select %eq3A_752, %broadcast_in_dim3A_753, %select_n3A_715 : vector<16xi1>, vector<16xf32>
          %slice3A_755 = vector.extract_strided_slice %get3A_205 {offsets = [14], sizes = [1], strides = [1]} : vector<16xf32> to vector<1xf32>
          %reshape3A_756 = vector.extract %slice3A_755[0] : f32 from vector<1xf32>
          %slice3A_757 = vector.extract_strided_slice %get3A_201 {offsets = [14], sizes = [1], strides = [1]} : vector<16xf32> to vector<1xf32>
          %reshape3A_758 = vector.extract %slice3A_757[0] : f32 from vector<1xf32>
          %broadcast_in_dim3A_759 = vector.broadcast %reshape3A_756 : f32 to vector<16xf32>
          %broadcast_in_dim3A_760 = arith.constant 0.000000e+00 : f32
          %broadcast_in_dim3A_761 = vector.broadcast %broadcast_in_dim3A_760 : f32 to vector<16xf32>
          %scan3A_762 = arith.constant 0 : i32
          %scan3A_763 = arith.constant 252 : i32
          %scan3A_764 = arith.addi %scan3A_762, %scan3A_763 : i32
          %scan3A_765 = arith.constant 1 : i32
          %scan3A_766:2 = scf.for %scan3A_861 = %scan3A_762 to %scan3A_764 step %scan3A_765 iter_args(%scan3A_862 = %broadcast_in_dim3A_761, %scan3A_863 = %broadcast_in_dim3A_761) -> (vector<16xf32>, vector<16xf32>)  : i32 {
            %mul3A_864 = arith.constant 16 : i32
            %mul3A_865 = arith.muli %scan3A_861, %mul3A_864 : i32
            %get3A_866 = arith.index_cast %mul3A_865 : i32 to index
            %get3A_867 = tpu.vector_load %arg11[%get3A_866] {strides = array<i32>} : memref<4096xf32, #tpu.memory_space<vmem>>, vector<16xf32>,
            %mul3A_868 = arith.constant 16 : i32
            %mul3A_869 = arith.muli %scan3A_861, %mul3A_868 : i32
            %get3A_870 = arith.index_cast %mul3A_869 : i32 to index
            %get3A_871 = tpu.vector_load %arg10[%get3A_870] {strides = array<i32>} : memref<4096xf32, #tpu.memory_space<vmem>>, vector<16xf32>,
            %mul3A_872 = arith.mulf %broadcast_in_dim3A_759, %get3A_867 : vector<16xf32>
            %ge3A_873 = vector.broadcast %scan3A_184 : f32 to vector<16xf32>
            %ge3A_874 = arith.cmpf oge, %mul3A_872, %ge3A_873 : vector<16xf32>
            %jit3A_875 = arith.constant 1.000000e+00 : f32
            %jit3A_876 = arith.constant 0.000000e+00 : f32
            %broadcast_in_dim3A_877 = vector.broadcast %jit3A_875 : f32 to vector<16xf32>
            %broadcast_in_dim3A_878 = vector.broadcast %jit3A_876 : f32 to vector<16xf32>
            %select_n3A_879 = arith.select %ge3A_874, %broadcast_in_dim3A_877, %broadcast_in_dim3A_878 : vector<16xi1>, vector<16xf32>
            %add3A_880 = arith.addf %scan3A_862, %select_n3A_879 : vector<16xf32>
            %jit3A_881 = arith.constant 0.000000e+00 : f32
            %broadcast_in_dim3A_882 = vector.broadcast %jit3A_881 : f32 to vector<16xf32>
            %select_n3A_883 = arith.select %ge3A_874, %get3A_871, %broadcast_in_dim3A_882 : vector<16xi1>, vector<16xf32>
            %add3A_884 = arith.addf %scan3A_863, %select_n3A_883 : vector<16xf32>
            scf.yield %add3A_880, %add3A_884 : vector<16xf32>, vector<16xf32>
          }
          %scan3A_767 = arith.constant 252 : i32
          %mul3A_768 = arith.mulf %reshape3A_756, %reshape3A_756 : f32
          %ge3A_769 = arith.cmpf oge, %mul3A_768, %scan3A_184 : f32
          %jit3A_770 = arith.constant 1.000000e+00 : f32
          %jit3A_771 = arith.constant 0.000000e+00 : f32
          %select_n3A_772 = arith.select %ge3A_769, %jit3A_770, %jit3A_771 : f32
          %reduce_sum3A_773 = arith.constant true
          %reduce_sum3A_774 = vector.broadcast %reduce_sum3A_773 : i1 to vector<16xi1>
          %reduce_sum3A_775 = tpu.scan <sum>, %scan3A_766#0 masked %reduce_sum3A_774 : vector<16xf32>, vector<16xi1> -> vector<16xf32>
          %reduce_sum3A_776 = vector.extract %reduce_sum3A_775[15] : f32 from vector<16xf32>
          %sub3A_777 = arith.subf %reduce_sum3A_776, %select_n3A_772 : f32
          %reduce_sum3A_778 = arith.constant true
          %reduce_sum3A_779 = vector.broadcast %reduce_sum3A_778 : i1 to vector<16xi1>
          %reduce_sum3A_780 = tpu.scan <sum>, %scan3A_766#1 masked %reduce_sum3A_779 : vector<16xf32>, vector<16xi1> -> vector<16xf32>
          %reduce_sum3A_781 = vector.extract %reduce_sum3A_780[15] : f32 from vector<16xf32>
          %mul3A_782 = arith.mulf %select_n3A_772, %reshape3A_758 : f32
          %sub3A_783 = arith.subf %reduce_sum3A_781, %mul3A_782 : f32
          %eq3A_784 = arith.constant 14 : i32
          %eq3A_785 = vector.broadcast %eq3A_784 : i32 to vector<16xi32>
          %eq3A_786 = arith.cmpi eq, %iota3A, %eq3A_785 : vector<16xi32>
          %broadcast_in_dim3A_787 = vector.broadcast %sub3A_777 : f32 to vector<16xf32>
          %select_n3A_788 = arith.select %eq3A_786, %broadcast_in_dim3A_787, %select_n3A_749 : vector<16xi1>, vector<16xf32>
          %eq3A_789 = arith.constant 14 : i32
          %eq3A_790 = vector.broadcast %eq3A_789 : i32 to vector<16xi32>
          %eq3A_791 = arith.cmpi eq, %iota3A, %eq3A_790 : vector<16xi32>
          %broadcast_in_dim3A_792 = vector.broadcast %sub3A_783 : f32 to vector<16xf32>
          %select_n3A_793 = arith.select %eq3A_791, %broadcast_in_dim3A_792, %select_n3A_754 : vector<16xi1>, vector<16xf32>
          %slice3A_794 = vector.extract_strided_slice %get3A_205 {offsets = [15], sizes = [1], strides = [1]} : vector<16xf32> to vector<1xf32>
          %reshape3A_795 = vector.extract %slice3A_794[0] : f32 from vector<1xf32>
          %slice3A_796 = vector.extract_strided_slice %get3A_201 {offsets = [15], sizes = [1], strides = [1]} : vector<16xf32> to vector<1xf32>
          %reshape3A_797 = vector.extract %slice3A_796[0] : f32 from vector<1xf32>
          %broadcast_in_dim3A_798 = vector.broadcast %reshape3A_795 : f32 to vector<16xf32>
          %broadcast_in_dim3A_799 = arith.constant 0.000000e+00 : f32
          %broadcast_in_dim3A_800 = vector.broadcast %broadcast_in_dim3A_799 : f32 to vector<16xf32>
          %scan3A_801 = arith.constant 0 : i32
          %scan3A_802 = arith.constant 252 : i32
          %scan3A_803 = arith.addi %scan3A_801, %scan3A_802 : i32
          %scan3A_804 = arith.constant 1 : i32
          %scan3A_805:2 = scf.for %scan3A_861 = %scan3A_801 to %scan3A_803 step %scan3A_804 iter_args(%scan3A_862 = %broadcast_in_dim3A_800, %scan3A_863 = %broadcast_in_dim3A_800) -> (vector<16xf32>, vector<16xf32>)  : i32 {
            %mul3A_864 = arith.constant 16 : i32
            %mul3A_865 = arith.muli %scan3A_861, %mul3A_864 : i32
            %get3A_866 = arith.index_cast %mul3A_865 : i32 to index
            %get3A_867 = tpu.vector_load %arg11[%get3A_866] {strides = array<i32>} : memref<4096xf32, #tpu.memory_space<vmem>>, vector<16xf32>,
            %mul3A_868 = arith.constant 16 : i32
            %mul3A_869 = arith.muli %scan3A_861, %mul3A_868 : i32
            %get3A_870 = arith.index_cast %mul3A_869 : i32 to index
            %get3A_871 = tpu.vector_load %arg10[%get3A_870] {strides = array<i32>} : memref<4096xf32, #tpu.memory_space<vmem>>, vector<16xf32>,
            %mul3A_872 = arith.mulf %broadcast_in_dim3A_798, %get3A_867 : vector<16xf32>
            %ge3A_873 = vector.broadcast %scan3A_184 : f32 to vector<16xf32>
            %ge3A_874 = arith.cmpf oge, %mul3A_872, %ge3A_873 : vector<16xf32>
            %jit3A_875 = arith.constant 1.000000e+00 : f32
            %jit3A_876 = arith.constant 0.000000e+00 : f32
            %broadcast_in_dim3A_877 = vector.broadcast %jit3A_875 : f32 to vector<16xf32>
            %broadcast_in_dim3A_878 = vector.broadcast %jit3A_876 : f32 to vector<16xf32>
            %select_n3A_879 = arith.select %ge3A_874, %broadcast_in_dim3A_877, %broadcast_in_dim3A_878 : vector<16xi1>, vector<16xf32>
            %add3A_880 = arith.addf %scan3A_862, %select_n3A_879 : vector<16xf32>
            %jit3A_881 = arith.constant 0.000000e+00 : f32
            %broadcast_in_dim3A_882 = vector.broadcast %jit3A_881 : f32 to vector<16xf32>
            %select_n3A_883 = arith.select %ge3A_874, %get3A_871, %broadcast_in_dim3A_882 : vector<16xi1>, vector<16xf32>
            %add3A_884 = arith.addf %scan3A_863, %select_n3A_883 : vector<16xf32>
            scf.yield %add3A_880, %add3A_884 : vector<16xf32>, vector<16xf32>
          }
          %scan3A_806 = arith.constant 252 : i32
          %mul3A_807 = arith.mulf %reshape3A_795, %reshape3A_795 : f32
          %ge3A_808 = arith.cmpf oge, %mul3A_807, %scan3A_184 : f32
          %jit3A_809 = arith.constant 1.000000e+00 : f32
          %jit3A_810 = arith.constant 0.000000e+00 : f32
          %select_n3A_811 = arith.select %ge3A_808, %jit3A_809, %jit3A_810 : f32
          %reduce_sum3A_812 = arith.constant true
          %reduce_sum3A_813 = vector.broadcast %reduce_sum3A_812 : i1 to vector<16xi1>
          %reduce_sum3A_814 = tpu.scan <sum>, %scan3A_805#0 masked %reduce_sum3A_813 : vector<16xf32>, vector<16xi1> -> vector<16xf32>
          %reduce_sum3A_815 = vector.extract %reduce_sum3A_814[15] : f32 from vector<16xf32>
          %sub3A_816 = arith.subf %reduce_sum3A_815, %select_n3A_811 : f32
          %reduce_sum3A_817 = arith.constant true
          %reduce_sum3A_818 = vector.broadcast %reduce_sum3A_817 : i1 to vector<16xi1>
          %reduce_sum3A_819 = tpu.scan <sum>, %scan3A_805#1 masked %reduce_sum3A_818 : vector<16xf32>, vector<16xi1> -> vector<16xf32>
          %reduce_sum3A_820 = vector.extract %reduce_sum3A_819[15] : f32 from vector<16xf32>
          %mul3A_821 = arith.mulf %select_n3A_811, %reshape3A_797 : f32
          %sub3A_822 = arith.subf %reduce_sum3A_820, %mul3A_821 : f32
          %eq3A_823 = arith.constant 15 : i32
          %eq3A_824 = vector.broadcast %eq3A_823 : i32 to vector<16xi32>
          %eq3A_825 = arith.cmpi eq, %iota3A, %eq3A_824 : vector<16xi32>
          %broadcast_in_dim3A_826 = vector.broadcast %sub3A_816 : f32 to vector<16xf32>
          %select_n3A_827 = arith.select %eq3A_825, %broadcast_in_dim3A_826, %select_n3A_788 : vector<16xi1>, vector<16xf32>
          %eq3A_828 = arith.constant 15 : i32
          %eq3A_829 = vector.broadcast %eq3A_828 : i32 to vector<16xi32>
          %eq3A_830 = arith.cmpi eq, %iota3A, %eq3A_829 : vector<16xi32>
          %broadcast_in_dim3A_831 = vector.broadcast %sub3A_822 : f32 to vector<16xf32>
          %select_n3A_832 = arith.select %eq3A_830, %broadcast_in_dim3A_831, %select_n3A_793 : vector<16xi1>, vector<16xf32>
          %gt3A_833 = arith.constant 0.000000e+00 : f32
          %gt3A_834 = vector.broadcast %gt3A_833 : f32 to vector<16xf32>
          %gt3A_835 = arith.cmpf ogt, %select_n3A_827, %gt3A_834 : vector<16xf32>
          %jit3A_836 = arith.constant 1.000000e+00 : f32
          %broadcast_in_dim3A_837 = vector.broadcast %jit3A_836 : f32 to vector<16xf32>
          %select_n3A_838 = arith.select %gt3A_835, %select_n3A_827, %broadcast_in_dim3A_837 : vector<16xi1>, vector<16xf32>
          %div3A_839 = arith.constant 1.000000e+00 : f32
          %div3A_840 = vector.broadcast %div3A_839 : f32 to vector<16xf32>
          %div3A_841 = arith.divf %div3A_840, %select_n3A_838 : vector<16xf32>
          %mul3A_842 = arith.mulf %select_n3A_838, %div3A_841 : vector<16xf32>
          %sub3A_843 = arith.constant 2.000000e+00 : f32
          %sub3A_844 = vector.broadcast %sub3A_843 : f32 to vector<16xf32>
          %sub3A_845 = arith.subf %sub3A_844, %mul3A_842 : vector<16xf32>
          %mul3A_846 = arith.mulf %div3A_841, %sub3A_845 : vector<16xf32>
          %mul3A_847 = arith.mulf %select_n3A_838, %mul3A_846 : vector<16xf32>
          %sub3A_848 = arith.constant 2.000000e+00 : f32
          %sub3A_849 = vector.broadcast %sub3A_848 : f32 to vector<16xf32>
          %sub3A_850 = arith.subf %sub3A_849, %mul3A_847 : vector<16xf32>
          %mul3A_851 = arith.mulf %mul3A_846, %sub3A_850 : vector<16xf32>
          %gt3A_852 = arith.constant 0.000000e+00 : f32
          %gt3A_853 = vector.broadcast %gt3A_852 : f32 to vector<16xf32>
          %gt3A_854 = arith.cmpf ogt, %select_n3A_827, %gt3A_853 : vector<16xf32>
          %mul3A_855 = arith.mulf %select_n3A_832, %mul3A_851 : vector<16xf32>
          %jit3A_856 = arith.constant 0.000000e+00 : f32
          %broadcast_in_dim3A_857 = vector.broadcast %jit3A_856 : f32 to vector<16xf32>
          %select_n3A_858 = arith.select %gt3A_854, %mul3A_855, %broadcast_in_dim3A_857 : vector<16xi1>, vector<16xf32>
          %add3A_859 = arith.addf %get3A_201, %select_n3A_858 : vector<16xf32>
          %add3A_860 = arith.addf %scan3A_197, %add3A_859 : vector<16xf32>
          scf.yield %add3A_860 : vector<16xf32>
        }
        %scan3A_190 = arith.constant 252 : i32
        %reduce_sum3A_191 = arith.constant true
        %reduce_sum3A_192 = vector.broadcast %reduce_sum3A_191 : i1 to vector<16xi1>
        %reduce_sum3A_193 = tpu.scan <sum>, %scan3A_189 masked %reduce_sum3A_192 : vector<16xf32>, vector<16xi1> -> vector<16xf32>
        %reduce_sum3A_194 = vector.extract %reduce_sum3A_193[15] : f32 from vector<16xf32>
        %mul3A_195 = arith.mulf %reduce_sum3A_194, %cond3A_149 : f32
        scf.yield %mul3A_195 : f32
      } else {
        %ge3A = arith.constant 2.000000e+00 : f32
        %ge3A_168 = arith.cmpf oge, %reshape3A_144, %ge3A : f32
        %add3A_169 = arith.addf %reshape3A, %reshape3A_142 : f32
        %mul3A_170 = arith.mulf %add3A_169, %cond3A_149 : f32
        %mul3A_171 = arith.mulf %reshape3A, %cond3A_149 : f32
        %select_n3A_172 = arith.select %ge3A_168, %mul3A_170, %mul3A_171 : f32
        scf.yield %select_n3A_172 : f32
      }
      %eq3A_154 = arith.constant 0 : i32
      %eq3A_155 = vector.broadcast %eq3A_154 : i32 to vector<16xi32>
      %eq3A_156 = arith.cmpi eq, %iota3A, %eq3A_155 : vector<16xi32>
      %eq3A_157 = arith.constant 1 : i32
      %eq3A_158 = vector.broadcast %eq3A_157 : i32 to vector<16xi32>
      %eq3A_159 = arith.cmpi eq, %iota3A, %eq3A_158 : vector<16xi32>
      %jit3A_160 = arith.constant 0.000000e+00 : f32
      %broadcast_in_dim3A_161 = vector.broadcast %reshape3A_146 : f32 to vector<16xf32>
      %broadcast_in_dim3A_162 = vector.broadcast %jit3A_160 : f32 to vector<16xf32>
      %select_n3A_163 = arith.select %eq3A_159, %broadcast_in_dim3A_161, %broadcast_in_dim3A_162 : vector<16xi1>, vector<16xf32>
      %broadcast_in_dim3A_164 = vector.broadcast %cond3A_153 : f32 to vector<16xf32>
      %select_n3A_165 = arith.select %eq3A_156, %broadcast_in_dim3A_164, %select_n3A_163 : vector<16xi1>, vector<16xf32>
      %swap3A_166 = arith.constant 0 : index
      %swap3A_167 = tpu.vector_load %arg7[%swap3A_166] {strides = array<i32>} : memref<16xf32, #tpu.memory_space<vmem>>, vector<16xf32>,
      tpu.vector_store %arg7[%swap3A_166], %select_n3A_165 {strides = array<i32>} : memref<16xf32, #tpu.memory_space<vmem>>, vector<16xf32>,
      "tpu.region"() ({
        %run_scoped3A = tpu.sem_alloc : memref<!tpu.dma_semaphore, #tpu.memory_space<semaphore_mem>>
        %dma_start3A = arith.constant 0 : i32
        %dma_start3A_168 = tpu.memref_slice %arg4[%add3A_30, %dma_start3A] : memref<8x16xf32, #tpu.memory_space<hbm>> -> memref<1x16xf32, #tpu.memory_space<hbm>>
        %dma_start3A_169 = tpu.memref_squeeze %dma_start3A_168 : memref<1x16xf32, #tpu.memory_space<hbm>> -> memref<16xf32, #tpu.memory_space<hbm>>
        %dma_start3A_170 = arith.constant 0 : i32
        %dma_start3A_171 = tpu.memref_slice %arg4[%add3A_30, %dma_start3A_170] : memref<8x16xf32, #tpu.memory_space<hbm>> -> memref<1x16xf32, #tpu.memory_space<hbm>>
        %dma_start3A_172 = tpu.memref_squeeze %dma_start3A_171 : memref<1x16xf32, #tpu.memory_space<hbm>> -> memref<16xf32, #tpu.memory_space<hbm>>
        tpu.enqueue_dma source(%arg7 : memref<16xf32, #tpu.memory_space<vmem>>) target(%dma_start3A_172 : memref<16xf32, #tpu.memory_space<hbm>>) target_semaphore(%run_scoped3A : memref<!tpu.dma_semaphore, #tpu.memory_space<semaphore_mem>>)
        %dma_wait3A = arith.constant 0 : i32
        %dma_wait3A_173 = tpu.memref_slice %arg4[%add3A_30, %dma_wait3A] : memref<8x16xf32, #tpu.memory_space<hbm>> -> memref<1x16xf32, #tpu.memory_space<hbm>>
        %dma_wait3A_174 = tpu.memref_squeeze %dma_wait3A_173 : memref<1x16xf32, #tpu.memory_space<hbm>> -> memref<16xf32, #tpu.memory_space<hbm>>
        %dma_wait3A_175 = arith.constant 0 : i32
        %dma_wait3A_176 = tpu.memref_slice %arg4[%add3A_30, %dma_wait3A_175] : memref<8x16xf32, #tpu.memory_space<hbm>> -> memref<1x16xf32, #tpu.memory_space<hbm>>
        %dma_wait3A_177 = tpu.memref_squeeze %dma_wait3A_176 : memref<1x16xf32, #tpu.memory_space<hbm>> -> memref<16xf32, #tpu.memory_space<hbm>>
        tpu.wait_dma2 semaphore(%run_scoped3A : memref<!tpu.dma_semaphore, #tpu.memory_space<semaphore_mem>>) src(%arg7 : memref<16xf32, #tpu.memory_space<vmem>>) dst(%dma_wait3A_177 : memref<16xf32, #tpu.memory_space<hbm>>)
        tpu.yield
      }) : () -> ()
    } else {
    }
    return
  }
}

</mosaic_0001>

<sc_bundles>
// kernel: kernel.3.cloned.1.call-start
scs
__scs_entry_jumppad:
0x0: {  	(pc) =	sbr.rel $0x88, $3  }
0x1: {  	(tag) =	ssettag $0x0;
	lr =	simm.s32 $0x1  }
0x2: {  	[smem:$0x3F9E] =	sst lr;
	_ =	strace $0xD0000000  }
0x3: {  	_ = 	snop  }
0x4: {  	_ = 	snop  }
0x5: {  	_ = 	snop  }
0x6: {  	_ = 	snop  }
0x7: {  	_ = 	snop  }
__scs_overlays_trampoline_lowered:
0x8: {  	[smem:$0x3FAD] =	sst s0  }
0x9: {  	[smem:$0x3FAE] =	sst s1  }
0xa: {  	[smem:$0x3FAF] =	sst s2  }
0xb: {  	[smem:$0x3FB0] =	sst s3  }
0xc: {  	[smem:$0x3FB1] =	sst s4  }
0xd: {  	[smem:$0x3FB2] =	sst s5  }
0xe: {  	[smem:$0x3FB3] =	sst s6  }
0xf: {  	[smem:$0x3FB4] =	sst s7  }
0x10: {  	[smem:$0x3FB5] =	sst s8  }
0x11: {  	[smem:$0x3FB6] =	sst s9;
	s0 =	simm.s32 @!p0 $0x0  }
0x12: {  	s1 =	sld [smem:$0x3F9C];
	s0 =	simm.s32 @p0 $0x1  }
0x13: {  	[smem:$0x3FB7] =	sst s0;
	s0 =	simm.s32 @!p1 $0x0  }
0x14: {  	s2 =	sld [smem:$0x3F9B];
	s0 =	simm.s32 @p1 $0x1  }
0x15: {  	[smem:$0x3FB8] =	sst s0;
	s0 =	simm.s32 @!p2 $0x0  }
0x16: {  	s3 =	sld [smem:$0x3FDB];
	s0 =	simm.s32 @p2 $0x1  }
0x17: {  	s4 =	simm.s32 $0x1BF5;
	[smem:$0x3FBA] =	sst s0  }
0x18: {  	s0 =	sld [smem:$0x3F9D];
	_ =	swait.ge [sflag:s4], $0x0  }
0x19: {  	s7 =	sld [smem:$0x3F9E]  }
0x1a: {  	s8 =	sadd.s32 $0xFFFFE003, lr  }
0x1b: {  	s9 =	sadd.s32 $0xFFFFFEF7, lr;
	s5 =	simm.s32 $0xFFFFFFFF;
	p2 =	slt.u32 s8, $0xFFFFF086  }
0x1c: {  	p1 =	slt.u32 s9, $0xF7A;
	s5 =	simm.s32 @!p2 $0x0  }
0x1d: {  	s5 =	simm.s32 @p1 $0x1;
	p0 =	seq.s32 s7, s2  }
0x1e: {  	s7 =	smul.u32 @!p0 $0xF7A, s2;
	p2 =	seq.s32 @!p0 s5, $0x0  }
0x1f: {  	s9 =	smul.u32 $0xF7A, s1;
	s8 =	simm.s32 @!p0 $0x1BF5;
	p2 =	por !p2, p0  }
0x20: {  	[sflag:s8] =	ssyncset.s32 @!p0 $0xFFFFF086;
	s6 =	sadd.s32 @!p0 s3, s7;
	s7 =	simm.s32 @!p0 $0x108  }
0x21: {  	s3 =	sadd.s32 s3, s9;
	s6 =	sadd.s32 @!p0 $0x88, s6;
	s7 =	simm.s32 @p2 $0x1082  }
0x22: {  	[simem:s7], [sflag:s8] =	dma.local @!p0 [hbm:s6], $0xF7A  }
0x23: {  	s9 =	sor.u32 $0xD0000000, s2;
	s6 =	simm.s32 $0x108;
	_ =	swait.ge @!p0 [sflag:s8], $0x0  }
0x24: {  	s3 =	sadd.s32 $0x88, s3;
	s6 =	simm.s32 @!p1 $0x1082;
	[sflag:s4] =	ssyncset.s32 $0xFFFFF086  }
0x25: {  	[simem:s6], [sflag:s4] =	dma.local [hbm:s3], $0xF7A  }
0x26: {  	[smem:$0x3F9E] =	sst s1;
	(tag) =	ssettag s2;
	_ =	strace s9  }
0x27: {  	s1 =	sld [smem:$0x3FAE]  }
0x28: {  	s2 =	sld [smem:$0x3FAF]  }
0x29: {  	s4 =	sld [smem:$0x3FB1]  }
0x2a: {  	p0 =	seq.s32 s5, $0x0;
	s5 =	sld [smem:$0x3FB2]  }
0x2b: {  	s6 =	sld [smem:$0x3FB3]  }
0x2c: {  	s7 =	sld [smem:$0x3FB4]  }
0x2d: {  	s3 =	simm.s32 $0x108;
	s8 =	sld [smem:$0x3FB5]  }
0x2e: {  	s3 =	simm.s32 @!p0 $0x1082;
	s9 =	sld [smem:$0x3FB6]  }
0x2f: {  	lr =	sadd.s32 s0, s3;
	s0 =	sld [smem:$0x3FAD]  }
0x30: {  	s3 =	sld [smem:$0x3FB0]  }
0x31: {  	[smem:$0x3FB9] =	sst s10  }
0x32: {  	s10 =	sld [smem:$0x3FB7];
	_ =	sdelay $0x3  }
0x33: {  	p0 =	seq.s32 s10, $0x1;
	s10 =	sld [smem:$0x3FB9];
	_ =	sdelay $0x3  }
0x34: {  	[smem:$0x3FB9] =	sst s10  }
0x35: {  	s10 =	sld [smem:$0x3FB8];
	_ =	sdelay $0x3  }
0x36: {  	p1 =	seq.s32 s10, $0x1;
	s10 =	sld [smem:$0x3FB9];
	_ =	sdelay $0x3  }
0x37: {  	[smem:$0x3FB9] =	sst s10  }
0x38: {  	s10 =	sld [smem:$0x3FBA]  }
0x39: {  	_ = 	snop;
	(pc) =	sbr.ind lr, $3  }
0x3a: {  	_ = 	snop  }
0x3b: {  	_ = 	snop  }
0x3c: {  	p2 =	seq.s32 s10, $0x1;
	s10 =	sld [smem:$0x3FB9]  }
0x3d: {  	_ =	shalt  }
0x3e: {  	_ =	shalt  }
0x3f: {  	_ =	shalt  }
0x40: {  	_ =	shalt  }
0x41: {  	_ =	shalt  }
0x42: {  	_ =	shalt  }
0x43: {  	_ =	shalt  }
0x44: {  	_ =	shalt  }
0x45: {  	_ =	shalt  }
0x46: {  	_ =	shalt  }
0x47: {  	_ =	shalt  }
0x48: {  	_ =	shalt  }
0x49: {  	_ =	shalt  }
0x4a: {  	_ =	shalt  }
0x4b: {  	_ =	shalt  }
0x4c: {  	_ =	shalt  }
0x4d: {  	_ =	shalt  }
0x4e: {  	_ =	shalt  }
0x4f: {  	_ =	shalt  }
0x50: {  	_ =	shalt  }
0x51: {  	_ =	shalt  }
0x52: {  	_ =	shalt  }
0x53: {  	_ =	shalt  }
0x54: {  	_ =	shalt  }
0x55: {  	_ =	shalt  }
0x56: {  	_ =	shalt  }
0x57: {  	_ =	shalt  }
0x58: {  	_ =	shalt  }
0x59: {  	_ =	shalt  }
0x5a: {  	_ =	shalt  }
0x5b: {  	_ =	shalt  }
0x5c: {  	_ =	shalt  }
0x5d: {  	_ =	shalt  }
0x5e: {  	_ =	shalt  }
0x5f: {  	_ =	shalt  }
0x60: {  	_ =	shalt  }
0x61: {  	_ =	shalt  }
0x62: {  	_ =	shalt  }
0x63: {  	_ =	shalt  }
0x64: {  	_ =	shalt  }
0x65: {  	_ =	shalt  }
0x66: {  	_ =	shalt  }
0x67: {  	_ =	shalt  }
0x68: {  	_ =	shalt  }
0x69: {  	_ =	shalt  }
0x6a: {  	_ =	shalt  }
0x6b: {  	_ =	shalt  }
0x6c: {  	_ =	shalt  }
0x6d: {  	_ =	shalt  }
0x6e: {  	_ =	shalt  }
0x6f: {  	_ =	shalt  }
0x70: {  	_ =	shalt  }
0x71: {  	_ =	shalt  }
0x72: {  	_ =	shalt  }
0x73: {  	_ =	shalt  }
0x74: {  	_ =	shalt  }
0x75: {  	_ =	shalt  }
0x76: {  	_ =	shalt  }
0x77: {  	_ =	shalt  }
0x78: {  	_ =	shalt  }
0x79: {  	_ =	shalt  }
0x7a: {  	_ =	shalt  }
0x7b: {  	_ =	shalt  }
0x7c: {  	_ =	shalt  }
0x7d: {  	_ =	shalt  }
0x7e: {  	_ =	shalt  }
0x7f: {  	_ =	shalt  }
0x80: {  	_ =	shalt  }
0x81: {  	_ =	shalt  }
0x82: {  	_ =	shalt  }
0x83: {  	_ =	shalt  }
0x84: {  	_ =	shalt  }
0x85: {  	_ =	shalt  }
0x86: {  	_ =	shalt  }
0x87: {  	_ =	shalt  }
.Lfunc_end0:
.L_simem_size_0:
called_computation_lowered:
.L_overlay_start_0:
0x88: {  	s2 =	sld [smem:$0x3FD9]  }
0x89: {  	s3 =	sld [smem:$0x3FFE];
	_ =	sdelay $0x1  }
0x8a: {  	s1 =	srdreg.scid  }
0x8b: {  	s0 =	sand.u32 $0x1, s1  }
0x8c: {  	s17 =	sshll.u32 s0, $0xA;
	s2 =	sadd.s32 s3, s2  }
0x8d: {  	s2 =	sadd.s32 s2, s17  }
0x8e: {  	[smem:$0x3FC5] =	sst s2  }
0x8f: {  	_ = 	snop  }
0x90: {  	s2 =	sld [smem:$0x3FD0];
	(tm) =	ssettm $0x1  }
0x91: {  	s18 =	sld [smem:$0x3FFB];
	_ =	sdelay $0x3  }
0x92: {  	_ =	strace s18  }
0x93: {  	s3 =	sld [smem:$0x3FFC];
	_ =	sdelay $0x3  }
0x94: {  	_ =	strace s3  }
0x95: {  	s3 =	sld [smem:$0x3FFD];
	_ =	sdelay $0x3  }
0x96: {  	_ =	strace s3  }
0x97: {  	_ =	strace $0x8FFFFFFF  }
0x98: {  	s19 =	sld [smem:$0x3FDB];
	_ =	sdelay $0x1  }
0x99: {  	s4 =	simm.s32 $_scs_section_size  }
0x9a: {  	s5 =	simm.s32 $_size__tile_overlayer_lowered;
	s6 =	simm.s32 $_tile_overlayer_lowered  }
0x9b: {  	s22 =	simm.s32 $0x1BFF;
	s21 =	sshll.u32 s6, $0x1;
	s3 =	sadd.s32 s4, s19  }
0x9c: {  	s7 =	simm.s32 $0x0;
	s20 =	sshll.u32 s5, $0x1;
	s5 =	sadd.s32 s21, s3  }
0x9d: {  	[timem:s7], [sflag:s22] =	dma.local [hbm:s5], s20  }
0x9e: {  	_ =	swait.ge [sflag:s22], s20  }
0x9f: {  	s4 =	ssub.s32 $0x0, s20;
	[sflag:s22] =	ssyncset.done $0x0  }
0xa0: {  	[sflag:s22] =	ssyncadd.s32 s4;
	_ =	sdelay $0x1  }
0xa1: {  	s23 =	simm.s32 $0x1B8B  }
0xa2: {  	_ =	swait.ge [sflag:s23], $0x1  }
0xa3: {  	[sflag:s23] =	ssyncset.done $0x0  }
0xa4: {  	s25 =	simm.s32 $0x1B8E;
	s24 =	sld [smem:$0x3FFE];
	[sflag:s23] =	ssyncadd.s32 $0xFFFFFFFF  }
0xa5: {  	s26 =	simm.s32 $execute0_lowered;
	[smem:$0x3FD2] =	sst s25  }
0xa6: {  	s5 =	sshll.u32 s26, $0x1;
	_ =	strace $0x80000046;
	[dreg:$0x1] =	wrdreg $0xFFFFFFFF  }
0xa7: {  	s28 =	simm.s32 $_size_execute0_lowered;
	s3 =	sadd.s32 s3, s5;
	[dreg:$0x0] =	wrdreg $0x0  }
0xa8: {  	s5 =	sshll.u32 s28, $0x1;
	[dreg:$0x2] =	wrdreg s3  }
0xa9: {  	[dreg:$0x3] =	wrdreg s5  }
0xaa: {  	[dreg:$0x4] =	wrdreg $0xC0  }
0xab: {  	_ =	task [dreg:s7], $0x5FFFF  }
0xac: {  	[dreg:$0x1] =	wrdreg $0xFFFFFFFF  }
0xad: {  	[dreg:$0x0] =	wrdreg $0x60  }
0xae: {  	[dreg:$0x2] =	wrdreg s24  }
0xaf: {  	[dreg:$0x3] =	wrdreg s2  }
0xb0: {  	[dreg:$0x4] =	wrdreg $0x36000  }
0xb1: {  	[dreg:$0x5] =	wrdreg $0x9  }
0xb2: {  	_ =	task.clear_ibuf [dreg:s7], $0x6FFFF;
	_ =	strace $0x90000046  }
0xb3: {  	s29 =	simm.s32 $0x9;
	_ =	strace $0x80000048  }
0xb4: {  	_ =	swait.ge [sflag:s29], $0x1  }
0xb5: {  	[sflag:s29] =	ssyncadd.s32 $0xFFFFFFFF  }
0xb6: {  	_ =	strace $0x90000048  }
0xb7: {  	_ =	sfence  }
0xb8: {  	s30 =	sld [smem:$0x0];
	_ =	sdelay $0x2  }
0xb9: {  	s31 =	sshll.u32 s1, $0xD;
	s1 =	sshrl.u32 s1, $0x2  }
0xba: {  	s3 =	sand.u32 $0x4000, s31;
	s1 =	sadd.s32 s1, s30  }
0xbb: {  	s0 =	sor.u32 s3, s0;
	s1 =	sshll.u32 s1, $0x11  }
0xbc: {  	s0 =	sor.u32 s1, s0  }
0xbd: {  	s0 =	sadd.s32 $0x8F2B, s0  }
0xbe: {  	[sflag:s0] =	ssyncadd.remote.s32 $0x1  }
0xbf: {  	_ =	sfence.sel $0xFFFF  }
0xc0: {  	[dreg:$0x0] =	wrdreg $0xFFFFFFFF;
	(pc) =	sbr.abs _section_cstart, $3  }
0xc1: {  	[dreg:$0x1] =	wrdreg $0xFFFFFFFF  }
0xc2: {  	_ =	task.clear_ibuf [dreg:s7], $0x2FFFF;
	_ =	strace $0x9FFFFFFF  }
0xc3: {  	(tm) =	ssettm $0x7FFFFFFF  }
tec
execute0_lowered:
.L_overlay_start_1:
0x0: {  	(tag) =	ssettag $0x1  }
0x1: {  	s0 =	rddreg [dreg:$0x0]  }
0x2: {  	s10 =	rddreg [dreg:$0x1]  }
0x3: {  	s1 =	rddreg [dreg:$0x2];
	s2 =	srdreg.scid  }
0x4: {  	s8 =	stileid.u32;
	s3 =	simm.s32 $0x0;
	s2 =	sand.u32 $0x1, s2  }
0x5: {  	s4 =	sshrl.u32 s8, $0x2;
	[smem:$0x7FF] =	sst s3;
	s24 =	sadd.s32 $0x600, s0  }
0x6: {  	s25 =	sand.u32 $0x3, s8;
	s8 =	sshll.u32 s8, $0x4;
	s5 =	sshll.u32 s2, $0x2  }
0x7: {  	_ =	strace $0x80000047;
	s2 =	ssub.s32 $0x2, s2;
	s7 =	sshll.u32 s25, $0x7  }
0x8: {  	s8 =	sadd.s32 s8, s1;
	s4 =	sor.u32 s4, s5;
	s9 =	sshrl.u32 s2, $0x1  }
0x9: {  	s6 =	sshll.u32 s4, $0x4;
	s4 =	sshll.u32 s4, $0x9;
	s26 =	ssub.s32 s2, s9  }
0xa: {  	s0 =	sadd.s32 s6, s0;
	s7 =	sor.u32 s7, s4;
	s4 =	sadd.s32 s24, s4  }
0xb: {  	s31 =	smax.u32 s26, $0x1;
	s28 =	sadd.s32 s24, s7;
	[dreg:$0x9] =	wrdreg s4  }
0xc: {  	s7 =	smov.u32 s8;
	s8 =	sadd.s32 $0xFFFFFFD0, s8;
	[dreg:$0xb] =	wrdreg s31  }
0xd: {  	s0 =	sadd.s32 $0x1600, s0;
	[dreg:$0x6] =	wrdreg s8  }
.Ltmp0:
0xe: {  	[dreg:$0xa] =	wrdreg s0;
	(pc) =	sbr.rel .LBB2_1-.Ltmp0, $4  }
0xf: {  	v0 =	vlaneseq.u32;
	s29 =	sadd.s32 $0xFFFFFFE0, s7;
	[dreg:$0x4] =	wrdreg s7  }
0x10: {  	v1 =	vimm.f32 $0.0e+00;
	vm8 =	vmxor vm8, vm8;
	vm1 =	vmmov $0x7fff;
	p6 =	sne.s32 s25, $0x3;
	s30 =	sadd.s32 $0xFFFFFFF0, s7;
	[dreg:$0x7] =	wrdreg s29  }
0x11: {  	vm5 =	vcmask $0x2F2C;
	vm6 =	vcmask $0x3330;
	vm7 =	vcmask $0x3734;
	s6 =	simm.s32 $0x1;
	s5 =	smov.u32 s28;
	[dreg:$0x8] =	wrdreg s30  }
0x12: {  	v2 =	vor.u32 $0x10, v0;
	v3 =	vor.u32 $0x20, v0;
	v4 =	vor.u32 $0x30, v0;
	s4 =	smov.u32 s10;
	s0 =	simm.s32 $0x0;
	[dreg:$0x5] =	wrdreg s5  }
.LBB2_44:
0x13: {  	(v2sf) =	vpush v5, $0x2  }
0x14: {  	(v2sf) =	vpush v5, $0x1  }
0x15: {  	(v2sf) =	vpush v5, $0x0;
	_ =	sdelay $0xc  }
0x16: {  	s1 =	spop (v2sf)  }
0x17: {  	s2 =	spop (v2sf)  }
0x18: {  	s0 =	spop (v2sf)  }
0x19: {  	p0 =	sge.f32 s1, $2.000000000e+00;
	s1 =	sadd.f32 s2, s0  }
0x1a: {  	_ = 	snop  }
0x1b: {  	s0 =	smov.u32 @p0 s1  }
.LBB2_45:
0x1c: {  	v5 =	vbroadcast v5, $0x3  }
0x1d: {  	s0 =	smul.f32 $2.519526460e-04, s0;
	vm0 =	vcmask $0x704  }
0x1e: {  	v5 =	vnsel vm0, $0x0, v5;
	vm0 =	veq.s32 v0, $0x0  }
0x1f: {  	v5 =	vsel vm0, s0, v5  }
0x20: {  	s31 =	rddreg [dreg:$0xa];
	s1 =	simm.s32 $0x500;
	[tilespmem:$0x500] =	vst v5  }
0x21: {  	[hbm4b:s31+s3] =	stream.linear.scatter [tilespmem:s1], [sflag:$0x1], $0x80, $0x38;
	[tilespmem:$0x3610] =	vst v63  }
0x22: {  	_ =	swait.ge [sflag:s6], $0x80  }
0x23: {  	[sflag:s6] =	ssyncset.done $0x0  }
0x24: {  	s1 =	rddreg [dreg:$0xc];
	[sflag:s6] =	ssyncadd.s32 $0xFFFFFF80  }
.LBB2_46:
0x25: {  	s1 =	sadd.s32 $0x1, s1;
	s0 =	rddreg [dreg:$0xb]  }
0x26: {  	p0 =	sne.s32 s1, s0  }
.Ltmp1:
0x27: {  	_ = 	snop;
	(pc) =	sbr.rel @!p0 .LBB2_47-.Ltmp1, $2  }
0x28: {  	_ =	sdelay $0x2  }
0x29: {  	s0 =	smov.u32 s1  }
.LBB2_1:
0x2a: {  	[dreg:$0xc] =	wrdreg s0;
	s0 =	simm.s32 @p6 $0x0  }
0x2b: {  	[tilespmem:s0], [sflag:$0x1] =	stream.linear.gather @p6 [hbm4b:s5+s0], $0x440, $0x38;
	[tilespmem:$0x3610] =	vst v63  }
0x2c: {  	s0 =	simm.s32 @p6 $0x1  }
0x2d: {  	_ =	swait.ge @p6 [sflag:s0], $0x440  }
0x2e: {  	[sflag:s0] =	ssyncset.done @p6 $0x0  }
0x2f: {  	[sflag:s0] =	ssyncadd.s32 @p6 $0xFFFFFBC0;
	s0 =	simm.s32 @!p6 $0x0  }
0x30: {  	[tilespmem:s0], [sflag:$0x1] =	stream.linear.gather @!p6 [hbm4b:s5+s0], $0x400, $0x38;
	[tilespmem:$0x3610] =	vst v63  }
0x31: {  	s0 =	simm.s32 @!p6 $0x1  }
0x32: {  	_ =	swait.ge @!p6 [sflag:s0], $0x400  }
0x33: {  	[sflag:s0] =	ssyncset.done @!p6 $0x0  }
0x34: {  	s28 =	simm.s32 $0x480;
	[sflag:s0] =	ssyncadd.s32 @!p6 $0xFFFFFC00  }
0x35: {  	[tilespmem:s28], [sflag:$0x1] =	stream.linear.gather [hbm4b:s4+s3], $0x80, $0x38;
	[tilespmem:$0x3610] =	vst v63  }
0x36: {  	s29 =	simm.s32 $0x1;
	_ =	swait.ge [sflag:s6], $0x80  }
0x37: {  	v5 =	vadd.s32 s29, v0;
	[sflag:s6] =	ssyncset.done $0x0  }
0x38: {  	s1 =	simm.s32 $0x41;
	[sflag:s6] =	ssyncadd.s32 $0xFFFFFF80  }
0x39: {  	v8 =	vadd.s32 s1, v0;
	v6 =	vld [tilespmem:$0x480]  }
0x3a: {  	s2 =	simm.s32 $0x40;
	vm0 =	vlt.s32 v8, $0x43F;
	v7 =	vld [tilespmem:$0x490]  }
0x3b: {  	v11 =	vnsel vm0, $0x43F, v8;
	v10 =	vld [tilespmem:s2+$0xFFFFFFC0]  }
0x3c: {  	v5 =	vld.idx.msk [tilespmem:v5+s3+$0x0], $0xffff  }
0x3d: {  	v8 =	vld [tilespmem:$0x4A0]  }
0x3e: {  	v13 =	vadd.s32 s29, v2;
	v12 =	vld [tilespmem:s2+$0x0]  }
0x3f: {  	v9 =	vld [tilespmem:$0x4B0]  }
0x40: {  	v11 =	vld.idx.msk [tilespmem:v11+s3+$0x0], $0xffff  }
0x41: {  	v14 =	vmul.f32 v10, v6;
	v5 =	vmul.f32 v5, v7  }
0x42: {  	v15 =	vadd.s32 s1, v2  }
0x43: {  	vm0 =	vlt.s32 v15, $0x43F;
	v13 =	vld.idx.msk [tilespmem:v13+s3+$0x0], $0xffff;
	v12 =	vmul.f32 v12, v8;
	v5 =	vadd.f32 v5, v14  }
0x44: {  	v10 =	vld [tilespmem:$0x4C0];
	v14 =	vnsel vm0, $0x43F, v15  }
0x45: {  	v11 =	vmul.f32 v11, v9;
	v15 =	vld [tilespmem:s2+$0xFFFFFFD0];
	v5 =	vadd.f32 v5, v12;
	_ =	sdelay $0x1  }
0x46: {  	v12 =	vld [tilespmem:s2+$0x10];
	v5 =	vadd.f32 v5, v11;
	_ =	sdelay $0x1  }
0x47: {  	v11 =	vld.idx.msk [tilespmem:v14+s3+$0x0], $0xffff;
	v5 =	vadd.f32 v5, v10  }
0x48: {  	v13 =	vmul.f32 v13, v7;
	v14 =	vmul.f32 v15, v6  }
0x49: {  	v5 =	vsub.f32 $0.0e+00, v5  }
0x4a: {  	v12 =	vmul.f32 v12, v8;
	v13 =	vadd.f32 v13, v14  }
0x4b: {  	v5 =	vmax.f32 v5, $-8.700000000e+01  }
0x4c: {  	v12 =	vadd.f32 v13, v12;
	v11 =	vmul.f32 v11, v9;
	v5 =	vmin.f32 v5, $8.800000000e+01  }
0x4d: {  	v14 =	vmul.f32 $1.442695020e+00, v5  }
0x4e: {  	v13 =	vadd.s32 s29, v4;
	v11 =	vadd.f32 v12, v11  }
0x4f: {  	v12 =	vadd.f32 $1.258291200e+07, v14  }
0x50: {  	v14 =	vadd.s32 s1, v4;
	v11 =	vadd.f32 v11, v10  }
0x51: {  	v15 =	vadd.s32 s29, v3;
	vm0 =	vlt.s32 v14, $0x43F;
	v12 =	vadd.f32 $-1.258291200e+07, v12  }
0x52: {  	v16 =	vadd.s32 s1, v3;
	v17 =	vld [tilespmem:s2+$0xFFFFFFF0];
	v14 =	vnsel vm0, $0x43F, v14;
	v11 =	vsub.f32 $0.0e+00, v11  }
0x53: {  	v13 =	vld.idx.msk [tilespmem:v13+s3+$0x0], $0xffff;
	vm0 =	vlt.s32 v16, $0x43F;
	v18 =	vmul.f32 $6.933593750e-01, v12  }
0x54: {  	v19 =	vld [tilespmem:s2+$0xFFFFFFE0];
	v16 =	vnsel vm0, $0x43F, v16;
	v11 =	vmax.f32 v11, $-8.700000000e+01  }
0x55: {  	v20 =	vld [tilespmem:s2+$0x30];
	v11 =	vmin.f32 v11, $8.800000000e+01;
	v5 =	vsub.f32 v5, v18;
	v18 =	vmul.f32 $2.121944420e-04, v12  }
0x56: {  	v15 =	vld.idx.msk [tilespmem:v15+s3+$0x0], $0xffff;
	v21 =	vmul.f32 $1.442695020e+00, v11  }
0x57: {  	v14 =	vld.idx.msk [tilespmem:v14+s3+$0x0], $0xffff;
	v5 =	vadd.f32 v18, v5  }
0x58: {  	v17 =	vmul.f32 v17, v6;
	v13 =	vmul.f32 v13, v7;
	v18 =	vld [tilespmem:s2+$0x20];
	v21 =	vadd.f32 $1.258291200e+07, v21  }
0x59: {  	v22 =	vmul.f32 $1.388888920e-03, v5  }
0x5a: {  	v20 =	vmul.f32 v20, v8;
	v13 =	vadd.f32 v13, v17;
	v16 =	vld.idx.msk [tilespmem:v16+s3+$0x0], $0xffff;
	v17 =	vadd.f32 $-1.258291200e+07, v21  }
0x5b: {  	v19 =	vmul.f32 v19, v6;
	v15 =	vmul.f32 v15, v7;
	v21 =	vadd.f32 $8.333333770e-03, v22  }
0x5c: {  	v13 =	vadd.f32 v13, v20;
	v14 =	vmul.f32 v14, v9;
	v20 =	vmul.f32 $6.933593750e-01, v17  }
0x5d: {  	v15 =	vadd.f32 v15, v19;
	v18 =	vmul.f32 v18, v8;
	v19 =	vmul.f32 v21, v5  }
0x5e: {  	v11 =	vsub.f32 v11, v20;
	v20 =	vmul.f32 $2.121944420e-04, v17;
	v13 =	vadd.f32 v13, v14  }
0x5f: {  	v14 =	vmul.f32 v16, v9;
	v15 =	vadd.f32 v15, v18;
	v16 =	vadd.f32 $4.166666790e-02, v19  }
0x60: {  	v18 =	vadd.f32 v20, v11;
	v11 =	vadd.f32 v13, v10  }
0x61: {  	v13 =	vadd.f32 v15, v14;
	v14 =	vmul.f32 v16, v5  }
0x62: {  	v15 =	vmul.f32 $1.388888920e-03, v18;
	v11 =	vsub.f32 $0.0e+00, v11  }
0x63: {  	v13 =	vadd.f32 v13, v10;
	v14 =	vadd.f32 $1.666666720e-01, v14  }
0x64: {  	v15 =	vadd.f32 $8.333333770e-03, v15;
	v11 =	vmax.f32 v11, $-8.700000000e+01  }
0x65: {  	v13 =	vsub.f32 $0.0e+00, v13;
	v11 =	vmin.f32 v11, $8.800000000e+01;
	v14 =	vmul.f32 v14, v5  }
0x66: {  	v15 =	vmul.f32 v15, v18;
	v16 =	vmul.f32 $1.442695020e+00, v11  }
0x67: {  	v13 =	vmax.f32 v13, $-8.700000000e+01;
	v14 =	vadd.f32 $5.000000000e-01, v14  }
0x68: {  	v13 =	vmin.f32 v13, $8.800000000e+01;
	v15 =	vadd.f32 $4.166666790e-02, v15;
	v16 =	vadd.f32 $1.258291200e+07, v16  }
0x69: {  	v19 =	vmul.f32 $1.442695020e+00, v13;
	v14 =	vmul.f32 v14, v5  }
0x6a: {  	v15 =	vmul.f32 v15, v18;
	v16 =	vadd.f32 $-1.258291200e+07, v16  }
0x6b: {  	v19 =	vadd.f32 $1.258291200e+07, v19;
	v14 =	vadd.f32 $1.000000000e+00, v14  }
0x6c: {  	v12 =	vtrunc.f32 v12;
	v15 =	vadd.f32 $1.666666720e-01, v15;
	v20 =	vmul.f32 $6.933593750e-01, v16  }
0x6d: {  	v12 =	vcvt.f32.s32 v12;
	v19 =	vadd.f32 $-1.258291200e+07, v19;
	v5 =	vmul.f32 v14, v5  }
0x6e: {  	v14 =	vmul.f32 v15, v18;
	v11 =	vsub.f32 v11, v20;
	v15 =	vmul.f32 $2.121944420e-04, v16  }
0x6f: {  	v20 =	vmul.f32 $6.933593750e-01, v19;
	v5 =	vadd.f32 $1.000000000e+00, v5  }
0x70: {  	v12 =	vshll.u32 v12, $0x17;
	v14 =	vadd.f32 $5.000000000e-01, v14;
	v15 =	vadd.f32 v15, v11  }
0x71: {  	v11 =	vadd.s32 $0x3F800000, v12;
	v12 =	vsub.f32 v13, v20;
	v13 =	vmul.f32 $2.121944420e-04, v19  }
0x72: {  	v14 =	vmul.f32 v14, v18;
	v20 =	vmul.f32 $1.388888920e-03, v15  }
0x73: {  	v5 =	vmul.f32 v11, v5;
	v13 =	vadd.f32 v13, v12  }
0x74: {  	v17 =	vtrunc.f32 v17;
	v12 =	vadd.f32 $1.000000000e+00, v14;
	v14 =	vadd.f32 $8.333333770e-03, v20  }
0x75: {  	v11 =	vadd.f32 $1.000000000e+00, v5;
	v5 =	vcvt.f32.s32 v17  }
0x76: {  	s31 =	simm.s32 $0x81;
	v12 =	vmul.f32 v12, v18;
	v14 =	vmul.f32 v14, v15  }
0x77: {  	v28 =	vadd.s32 s31, v3;
	(erf) = vrcp.f32 v11  }
0x78: {  	v5 =	vshll.u32 v5, $0x17;
	v12 =	vadd.f32 $1.000000000e+00, v12;
	v14 =	vadd.f32 $4.166666790e-02, v14  }
0x79: {  	v21 =	vadd.s32 s31, v2;
	v17 =	vmul.f32 $1.388888920e-03, v13;
	v5 =	vadd.s32 $0x3F800000, v5  }
0x7a: {  	vm9 =	vlt.s32 v21, $0x43F;
	v5 =	vmul.f32 v5, v12;
	v12 =	vmul.f32 v14, v15  }
0x7b: {  	s30 =	simm.s32 $0x41;
	v29 =	vadd.s32 s31, v4;
	v21 =	vnsel vm9, $0x43F, v21;
	v17 =	vadd.f32 $8.333333770e-03, v17  }
0x7c: {  	v14 =	vadd.s32 s30, v0;
	v20 =	vadd.f32 $1.000000000e+00, v5;
	v5 =	vadd.f32 $1.666666720e-01, v12  }
0x7d: {  	s21 =	simm.s32 $0x80;
	v18 =	vtrunc.f32 v19;
	v19 =	vadd.s32 s30, v2;
	v17 =	vmul.f32 v17, v13  }
0x7e: {  	v30 =	vadd.s32 s30, v3;
	v24 =	vld [tilespmem:s21+$0xFFFFFFC0];
	v16 =	vtrunc.f32 v16;
	v12 =	vadd.s32 s31, v0  }
0x7f: {  	v22 =	vld [tilespmem:s21+$0xFFFFFFD0];
	v16 =	vcvt.f32.s32 v16;
	v17 =	vadd.f32 $4.166666790e-02, v17;
	vm3 =	vlt.s32 v12, $0x43F  }
0x80: {  	p1 =	por $0x1, $0x1;
	vm0 =	vmmov vm8;
	v21 =	vld.idx.msk [tilespmem:v21+s3+$0x0], $0xffff;
	v23 =	vmul.f32 v5, v15;
	v25 =	vnsel vm3, $0x43F, v12;
	v5 =	vpop (erf)  }
0x81: {  	p1 =	por p6, p1;
	v17 =	vmul.f32 v17, v13;
	v12 =	vshll.u32 v16, $0x17;
	v14 =	vld.idx.msk [tilespmem:v14+s3+$0x0], $0xffff;
	v16 =	vmul.f32 v5, v11  }
0x82: {  	v31 =	vadd.s32 s30, v4;
	vm0 =	vmneg @p1 vm0;
	v19 =	vld.idx.msk [tilespmem:v19+s3+$0x0], $0xffff;
	(erf) = vrcp.f32 v20  }
0x83: {  	v17 =	vadd.f32 $1.666666720e-01, v17;
	v26 =	vadd.s32 $0x3F800000, v12;
	v12 =	vsub.f32 $2.000000000e+00, v16;
	v16 =	vld [tilespmem:s21+$0x0]  }
0x84: {  	v27 =	vld [tilespmem:s21+$0x10];
	v24 =	vmul.f32 v24, v6;
	vm10 =	vmmov vm0;
	v18 =	vcvt.f32.s32 v18  }
0x85: {  	vm0 =	vmmov vm8;
	v22 =	vmul.f32 v22, v6;
	v17 =	vmul.f32 v17, v13;
	v25 =	vld.idx.msk [tilespmem:v25+s3+$0x0], $0xffff  }
0x86: {  	v21 =	vmul.f32 v21, v9;
	v18 =	vshll.u32 v18, $0x17;
	v14 =	vmul.f32 v14, v7  }
0x87: {  	vm3 =	vlt.s32 v28, $0x43F;
	v19 =	vmul.f32 v19, v7;
	v17 =	vadd.f32 $5.000000000e-01, v17  }
0x88: {  	v28 =	vnsel vm3, $0x43F, v28;
	v14 =	vadd.f32 v14, v24;
	v16 =	vmul.f32 v16, v8  }
0x89: {  	v19 =	vadd.f32 v19, v22;
	v17 =	vmul.f32 v17, v13;
	v24 =	vmul.f32 v27, v8  }
0x8a: {  	v23 =	vadd.f32 $5.000000000e-01, v23;
	v14 =	vadd.f32 v14, v16;
	v16 =	vmul.f32 v25, v9  }
0x8b: {  	v18 =	vadd.s32 $0x3F800000, v18;
	v22 =	vpop (erf);
	v17 =	vadd.f32 $1.000000000e+00, v17;
	v19 =	vadd.f32 v19, v24  }
0x8c: {  	vm3 =	vlt.s32 v29, $0x43F;
	v24 =	vmul.f32 v22, v20;
	v14 =	vadd.f32 v14, v16  }
0x8d: {  	v23 =	vmul.f32 v23, v15;
	v13 =	vmul.f32 v17, v13;
	v25 =	vld [tilespmem:s21+$0xFFFFFFE0];
	v17 =	vadd.f32 v19, v21  }
0x8e: {  	v12 =	vmul.f32 v12, v5;
	v27 =	vld.idx.msk [tilespmem:v30+s3+$0x0], $0xffff;
	v19 =	vsub.f32 $2.000000000e+00, v24;
	v14 =	vadd.f32 v14, v10  }
0x8f: {  	v29 =	vnsel vm3, $0x43F, v29;
	v24 =	vld.idx.msk [tilespmem:v28+s3+$0x0], $0xffff;
	v13 =	vadd.f32 $1.000000000e+00, v13;
	v17 =	vadd.f32 v17, v10  }
0x90: {  	v11 =	vmul.f32 v12, v11;
	v16 =	vadd.f32 $1.000000000e+00, v23;
	v23 =	vld [tilespmem:s21+$0x20];
	v14 =	vsub.f32 $0.0e+00, v14  }
0x91: {  	v19 =	vmul.f32 v19, v22;
	v13 =	vmul.f32 v18, v13;
	v18 =	vld [tilespmem:s21+$0xFFFFFFF0];
	v17 =	vsub.f32 $0.0e+00, v17  }
0x92: {  	v15 =	vmul.f32 v16, v15;
	v16 =	vld.idx.msk [tilespmem:v31+s3+$0x0], $0xffff;
	v21 =	vmul.f32 v25, v6;
	v14 =	vmax.f32 v14, $-8.700000000e+01  }
0x93: {  	v25 =	vmul.f32 v27, v7;
	v17 =	vmax.f32 v17, $-8.700000000e+01;
	v14 =	vmin.f32 v14, $8.800000000e+01  }
0x94: {  	v13 =	vadd.f32 $1.000000000e+00, v13;
	v17 =	vmin.f32 v17, $8.800000000e+01;
	v28 =	vmul.f32 $1.442695020e+00, v14  }
0x95: {  	v22 =	vld.idx.msk [tilespmem:v29+s3+$0x0], $0xffff;
	v24 =	vmul.f32 v24, v9;
	v15 =	vadd.f32 $1.000000000e+00, v15;
	v29 =	vmul.f32 $1.442695020e+00, v17  }
0x96: {  	v27 =	vld [tilespmem:s21+$0x30];
	v23 =	vmul.f32 v23, v8;
	v21 =	vadd.f32 v25, v21;
	v25 =	vadd.f32 $1.258291200e+07, v28  }
0x97: {  	v18 =	vmul.f32 v18, v6;
	v16 =	vmul.f32 v16, v7;
	v28 =	vadd.f32 $1.258291200e+07, v29  }
0x98: {  	(erf) = vrcp.f32 v13;
	v21 =	vadd.f32 v21, v23;
	v23 =	vadd.f32 $-1.258291200e+07, v25  }
0x99: {  	v16 =	vadd.f32 v16, v18;
	v18 =	vmul.f32 v19, v20;
	v20 =	vadd.f32 $-1.258291200e+07, v28  }
0x9a: {  	v15 =	vmul.f32 v26, v15;
	v21 =	vadd.f32 v21, v24;
	v24 =	vmul.f32 $6.933593750e-01, v23  }
0x9b: {  	v11 =	vsub.f32 $2.000000000e+00, v11;
	v27 =	vmul.f32 v27, v8;
	v25 =	vmul.f32 $6.933593750e-01, v20  }
0x9c: {  	v26 =	vtrunc.f32 v23;
	v23 =	vmul.f32 $2.121944420e-04, v23;
	v14 =	vsub.f32 v14, v24  }
0x9d: {  	p2 =	por $0x1, $0x1;
	v11 =	vmul.f32 v11, v12;
	v22 =	vmul.f32 v22, v9;
	v16 =	vadd.f32 v16, v27  }
0x9e: {  	p2 =	por p6, p2;
	p1 =	por p1, p1;
	v17 =	vsub.f32 v17, v25;
	v24 =	vmul.f32 $2.121944420e-04, v20;
	v14 =	vadd.f32 v23, v14  }
0x9f: {  	vm0 =	vmneg @p2 vm0;
	vm10 =	vmand vm10, vm1;
	v11 =	vpsel !p1, $0x0, v11  }
0xa0: {  	v16 =	vadd.f32 v16, v22;
	v17 =	vadd.f32 v24, v17;
	v24 =	vmul.f32 $1.388888920e-03, v14  }
0xa1: {  	vm3 =	vge.f32 v11, $8.990010120e-12;
	v15 =	vadd.f32 $1.000000000e+00, v15;
	v21 =	vadd.f32 v21, v10  }
0xa2: {  	v22 =	vcvt.f32.s32 v26;
	v16 =	vadd.f32 v16, v10;
	v25 =	vpop (erf);
	v24 =	vadd.f32 $8.333333770e-03, v24  }
0xa3: {  	v18 =	vsub.f32 $2.000000000e+00, v18;
	v23 =	vmul.f32 v25, v13;
	v26 =	vmul.f32 $1.388888920e-03, v17  }
0xa4: {  	v21 =	vsub.f32 $0.0e+00, v21;
	v16 =	vsub.f32 $0.0e+00, v16;
	v24 =	vmul.f32 v24, v14  }
0xa5: {  	v18 =	vmul.f32 v18, v19;
	v23 =	vsub.f32 $2.000000000e+00, v23;
	v26 =	vadd.f32 $8.333333770e-03, v26  }
0xa6: {  	v21 =	vmax.f32 v21, $-8.700000000e+01;
	v16 =	vmax.f32 v16, $-8.700000000e+01;
	v24 =	vadd.f32 $4.166666790e-02, v24  }
0xa7: {  	v16 =	vmin.f32 v16, $8.800000000e+01;
	v23 =	vmul.f32 v23, v25;
	v25 =	vmul.f32 v26, v17  }
0xa8: {  	v21 =	vmin.f32 v21, $8.800000000e+01;
	v27 =	vmul.f32 $1.442695020e+00, v16;
	v24 =	vmul.f32 v24, v14  }
0xa9: {  	(erf) = vrcp.f32 v15;
	v26 =	vmul.f32 $1.442695020e+00, v21;
	v25 =	vadd.f32 $4.166666790e-02, v25  }
0xaa: {  	v27 =	vadd.f32 $1.258291200e+07, v27;
	v13 =	vmul.f32 v23, v13;
	v19 =	vadd.f32 $1.666666720e-01, v24  }
0xab: {  	v20 =	vtrunc.f32 v20;
	v26 =	vadd.f32 $1.258291200e+07, v26;
	v25 =	vmul.f32 v25, v17  }
0xac: {  	v13 =	vsub.f32 $2.000000000e+00, v13;
	v24 =	vadd.f32 $-1.258291200e+07, v27;
	v19 =	vmul.f32 v19, v14  }
0xad: {  	v20 =	vcvt.f32.s32 v20;
	v26 =	vadd.f32 $-1.258291200e+07, v26;
	v25 =	vadd.f32 $1.666666720e-01, v25  }
0xae: {  	v13 =	vmul.f32 v13, v23;
	v23 =	vmul.f32 $6.933593750e-01, v24;
	v19 =	vadd.f32 $5.000000000e-01, v19  }
0xaf: {  	v29 =	vshll.u32 v20, $0x17;
	v25 =	vmul.f32 v25, v17;
	v20 =	vtrunc.f32 v24  }
0xb0: {  	v16 =	vsub.f32 v16, v23;
	v23 =	vmul.f32 $6.933593750e-01, v26;
	v19 =	vmul.f32 v19, v14  }
0xb1: {  	vm13 =	vlt.f32 v11, $1.860784270e-11;
	v30 =	vcvt.f32.s32 v20;
	v20 =	vadd.f32 $5.000000000e-01, v25  }
0xb2: {  	v28 =	vpop (erf);
	v24 =	vmul.f32 $2.121944420e-04, v24;
	v21 =	vsub.f32 v21, v23;
	v23 =	vadd.f32 $1.000000000e+00, v19  }
0xb3: {  	vm14 =	vge.f32 v11, $1.860784270e-11;
	v27 =	vmul.f32 v28, v15;
	v20 =	vmul.f32 v20, v17  }
0xb4: {  	v22 =	vshll.u32 v22, $0x17;
	v19 =	vadd.f32 v24, v16;
	v14 =	vmul.f32 v23, v14  }
0xb5: {  	v27 =	vsub.f32 $2.000000000e+00, v27;
	v25 =	vtrunc.f32 v26;
	v16 =	vadd.f32 $1.000000000e+00, v20  }
0xb6: {  	v26 =	vmul.f32 $2.121944420e-04, v26;
	v23 =	vmul.f32 $1.388888920e-03, v19;
	v14 =	vadd.f32 $1.000000000e+00, v14  }
0xb7: {  	v22 =	vadd.s32 $0x3F800000, v22;
	v25 =	vcvt.f32.s32 v25;
	v17 =	vmul.f32 v16, v17  }
0xb8: {  	v24 =	vmul.f32 v27, v28;
	v23 =	vadd.f32 $8.333333770e-03, v23;
	v14 =	vmul.f32 v22, v14  }
0xb9: {  	v16 =	vadd.f32 v26, v21;
	v17 =	vadd.f32 $1.000000000e+00, v17;
	v22 =	vshll.u32 v25, $0x17  }
0xba: {  	v25 =	vadd.s32 $0x3F800000, v29;
	v5 =	vadd.f32 $1.000000000e+00, v14;
	v14 =	vmul.f32 v23, v19  }
0xbb: {  	vm3 =	vmand vm3, vm13;
	v26 =	vmul.f32 $1.388888920e-03, v16;
	v17 =	vmul.f32 v25, v17  }
0xbc: {  	v13 =	vpsel !p1, $0x0, v13;
	v15 =	vmul.f32 v24, v15;
	v25 =	vadd.f32 $4.166666790e-02, v14  }
0xbd: {  	v23 =	vadd.f32 $8.333333770e-03, v26;
	(erf) = vrcp.f32 v5;
	v14 =	vadd.f32 $1.000000000e+00, v17  }
0xbe: {  	vm9 =	vge.f32 v13, $1.860784270e-11;
	v15 =	vsub.f32 $2.000000000e+00, v15;
	v26 =	vmul.f32 v25, v19  }
0xbf: {  	vm11 =	vge.f32 v13, $8.990010120e-12;
	v23 =	vmul.f32 v23, v16;
	(erf) = vrcp.f32 v14  }
0xc0: {  	vm12 =	vlt.f32 v13, $1.860784270e-11;
	v25 =	vmul.f32 v15, v24;
	v15 =	vadd.f32 $1.666666720e-01, v26  }
0xc1: {  	v20 =	vnsel vm9, $0x0, v13;
	v21 =	vshll.u32 v30, $0x17;
	v12 =	vadd.f32 $4.166666790e-02, v23  }
0xc2: {  	v24 =	vpsel !p1, $0x0, v18;
	v18 =	vsel vm3, $0x3F800000, v1;
	v15 =	vmul.f32 v15, v19  }
0xc3: {  	v17 =	vadd.s32 $0x3F800000, v21;
	v21 =	vadd.f32 v18, v1;
	v12 =	vmul.f32 v12, v16  }
0xc4: {  	vm3 =	vge.f32 v24, $1.860784270e-11;
	v28 =	vadd.f32 $5.000000000e-01, v15;
	v15 =	vadd.f32 v11, v1  }
0xc5: {  	vm13 =	vlt.f32 v24, $1.860784270e-11;
	v27 =	vadd.f32 $1.666666720e-01, v12;
	v12 =	vnsel vm14, $0x0, v11  }
0xc6: {  	v30 =	vnsel vm3, $0x0, v24;
	v29 =	vadd.f32 v12, v1;
	v12 =	vsel vm14, $0x3F800000, v1;
	v11 =	vpop (erf)  }
0xc7: {  	v31 =	vsel vm3, $0x3F800000, v1;
	v26 =	vadd.f32 v12, v1;
	v18 =	vmul.f32 v11, v5  }
0xc8: {  	v27 =	vmul.f32 v27, v16;
	v29 =	vadd.f32 v30, v29;
	v23 =	vadd.f32 v24, v15;
	v15 =	vpop (erf)  }
0xc9: {  	s22 =	simm.s32 $0xC1;
	p1 =	por p2, p2;
	v12 =	vsub.f32 $2.000000000e+00, v18;
	v18 =	vadd.f32 v31, v26;
	v26 =	vmul.f32 v15, v14  }
.LBB2_2:
0xca: {  	p2 =	sne.s32 s22, $0x401;
	v30 =	vadd.s32 s22, v2;
	v28 =	vmul.f32 v28, v19  }
0xcb: {  	s0 =	sadd.s32 $0xFFFFFFC0, s22;
	v25 =	vnsel vm10, $0x0, v25;
	vm10 =	vmmov vm0;
	s1 =	smov.u32 s22;
	s22 =	sadd.s32 $0x40, s22;
	vm14 =	vge.f32 v24, $8.990010120e-12  }
0xcc: {  	s21 =	sadd.s32 $0x40, s21;
	v22 =	vadd.s32 $0x3F800000, v22;
	v31 =	vadd.s32 s0, v0;
	v32 =	vadd.s32 s0, v2  }
0xcd: {  	vm0 =	vlt.s32 v30, $0x43F;
	v33 =	vadd.s32 s1, v4;
	v24 =	vld [tilespmem:s21+$0xFFFFFFE0];
	v28 =	vadd.f32 $1.000000000e+00, v28  }
0xce: {  	v34 =	vadd.s32 s1, v0;
	v30 =	vnsel vm0, $0x43F, v30;
	vm0 =	vlt.f32 v25, $1.860784270e-11;
	v35 =	vld [tilespmem:s21+$0x10]  }
0xcf: {  	v20 =	vadd.f32 v20, v29;
	vm3 =	vlt.s32 v34, $0x43F;
	v36 =	vld [tilespmem:s21+$0xFFFFFFD0];
	v19 =	vmul.f32 v28, v19  }
0xd0: {  	v29 =	vnsel vm3, $0x43F, v34;
	v34 =	vadd.s32 s1, v3;
	vm3 =	vge.f32 v25, $8.990010120e-12;
	v28 =	vld [tilespmem:s21+$0xFFFFFFC0]  }
0xd1: {  	v37 =	vadd.s32 s0, v3;
	vm15 =	vge.f32 v25, $1.860784270e-11;
	vm4 =	vlt.s32 v34, $0x43F;
	v31 =	vld.idx.msk [tilespmem:v31+s3+$0x0], $0xffff  }
0xd2: {  	v26 =	vsub.f32 $2.000000000e+00, v26;
	v34 =	vnsel vm4, $0x43F, v34;
	v32 =	vld.idx.msk [tilespmem:v32+s3+$0x0], $0xffff;
	v24 =	vmul.f32 v24, v6  }
0xd3: {  	v38 =	vadd.s32 s0, v4;
	v40 =	vnsel vm15, $0x0, v25;
	v39 =	vadd.f32 $1.000000000e+00, v19;
	v30 =	vld.idx.msk [tilespmem:v30+s3+$0x0], $0xffff  }
0xd4: {  	v19 =	vmul.f32 v26, v15;
	v26 =	vadd.f32 $5.000000000e-01, v27;
	v41 =	vld [tilespmem:s21+$0x0];
	v36 =	vmul.f32 v36, v6  }
0xd5: {  	v13 =	vadd.f32 v13, v23;
	vm13 =	vmand vm14, vm13;
	vm4 =	vlt.s32 v33, $0x43F;
	v27 =	vld.idx.msk [tilespmem:v29+s3+$0x0], $0xffff  }
0xd6: {  	v33 =	vnsel vm4, $0x43F, v33;
	v15 =	vadd.f32 v40, v20;
	v28 =	vmul.f32 v28, v6;
	v29 =	vld.idx.msk [tilespmem:v37+s3+$0x0], $0xffff  }
0xd7: {  	v26 =	vmul.f32 v26, v16;
	v20 =	vmul.f32 v31, v7;
	v31 =	vld.idx.msk [tilespmem:v34+s3+$0x0], $0xffff;
	v34 =	vsel vm13, $0x3F800000, v1  }
0xd8: {  	vm0 =	vmand vm3, vm0;
	v35 =	vmul.f32 v35, v8;
	v32 =	vmul.f32 v32, v7;
	v37 =	vld.idx.msk [tilespmem:v38+s3+$0x0], $0xffff  }
0xd9: {  	v40 =	vsel vm15, $0x3F800000, v1;
	v20 =	vadd.f32 v20, v28;
	v28 =	vmul.f32 v41, v8;
	v38 =	vld [tilespmem:s21+$0x20]  }
0xda: {  	v26 =	vadd.f32 $1.000000000e+00, v26;
	v32 =	vadd.f32 v32, v36;
	v36 =	vsel vm0, $0x3F800000, v1  }
0xdb: {  	v17 =	vmul.f32 v17, v39;
	v27 =	vmul.f32 v27, v9;
	v20 =	vadd.f32 v20, v28;
	v28 =	vld.idx.msk [tilespmem:v33+s3+$0x0], $0xffff  }
0xdc: {  	v30 =	vmul.f32 v30, v9;
	v23 =	vadd.f32 v32, v35;
	v33 =	vadd.f32 v34, v21;
	v32 =	vld [tilespmem:s21+$0xFFFFFFF0]  }
0xdd: {  	v16 =	vmul.f32 v26, v16;
	v20 =	vadd.f32 v20, v27;
	v27 =	vmul.f32 v29, v7  }
0xde: {  	vm0 =	vmand vm11, vm12;
	v21 =	vadd.f32 v23, v30;
	v23 =	vmul.f32 v38, v8;
	v26 =	vld [tilespmem:s21+$0x30]  }
0xdf: {  	v16 =	vadd.f32 $1.000000000e+00, v16;
	v29 =	vmul.f32 v37, v7;
	v20 =	vadd.f32 v20, v10  }
0xe0: {  	v30 =	vmul.f32 v31, v9;
	v31 =	vsel vm0, $0x3F800000, v1;
	v21 =	vadd.f32 v21, v10  }
0xe1: {  	v16 =	vmul.f32 v22, v16;
	v28 =	vmul.f32 v28, v9;
	v20 =	vsub.f32 $0.0e+00, v20  }
0xe2: {  	v22 =	vsub.f32 $0.0e+00, v21;
	v32 =	vmul.f32 v32, v6;
	v21 =	vadd.f32 v25, v13  }
0xe3: {  	v16 =	vadd.f32 $1.000000000e+00, v16;
	v13 =	vmax.f32 v20, $-8.700000000e+01;
	v20 =	vmul.f32 v26, v8  }
0xe4: {  	v24 =	vadd.f32 v27, v24;
	v22 =	vmax.f32 v22, $-8.700000000e+01;
	v13 =	vmin.f32 v13, $8.800000000e+01  }
0xe5: {  	v22 =	vmin.f32 v22, $8.800000000e+01;
	v25 =	vmul.f32 $1.442695020e+00, v13;
	(erf) = vrcp.f32 v16  }
0xe6: {  	v23 =	vadd.f32 v24, v23;
	v24 =	vadd.f32 v29, v32;
	v26 =	vmul.f32 $1.442695020e+00, v22  }
0xe7: {  	v27 =	vmul.f32 v19, v14;
	v14 =	vadd.f32 v31, v33;
	v25 =	vadd.f32 $1.258291200e+07, v25  }
0xe8: {  	p3 =	por p6, p2;
	vm0 =	vmmov vm8;
	v29 =	vadd.f32 v23, v30;
	v26 =	vadd.f32 $1.258291200e+07, v26  }
0xe9: {  	vm0 =	vmneg @p3 vm0;
	v23 =	vadd.f32 v36, v14;
	v25 =	vadd.f32 $-1.258291200e+07, v25  }
0xea: {  	v30 =	vsel vm9, $0x3F800000, v1;
	v26 =	vadd.f32 $-1.258291200e+07, v26  }
0xeb: {  	v20 =	vadd.f32 v24, v20;
	v14 =	vtrunc.f32 v25;
	v31 =	vmul.f32 $6.933593750e-01, v25  }
0xec: {  	v32 =	vmul.f32 $6.933593750e-01, v26;
	v24 =	vcvt.f32.s32 v14;
	v14 =	vadd.f32 $1.000000000e+00, v17  }
0xed: {  	v18 =	vadd.f32 v30, v18;
	v17 =	vmul.f32 $2.121944420e-04, v25;
	v13 =	vsub.f32 v13, v31  }
0xee: {  	v20 =	vadd.f32 v20, v28;
	v25 =	vmul.f32 $2.121944420e-04, v26;
	v22 =	vsub.f32 v22, v32;
	v28 =	vpop (erf)  }
0xef: {  	v18 =	vadd.f32 v40, v18;
	v17 =	vadd.f32 v17, v13;
	v13 =	vtrunc.f32 v26  }
0xf0: {  	v20 =	vadd.f32 v20, v10;
	v22 =	vadd.f32 v25, v22;
	v25 =	vmul.f32 v28, v16  }
0xf1: {  	v29 =	vadd.f32 v29, v10;
	v26 =	vmul.f32 $1.388888920e-03, v17;
	(erf) = vrcp.f32 v14  }
0xf2: {  	v20 =	vsub.f32 $0.0e+00, v20;
	v30 =	vmul.f32 $1.388888920e-03, v22;
	v25 =	vsub.f32 $2.000000000e+00, v25  }
0xf3: {  	v29 =	vsub.f32 $0.0e+00, v29;
	v26 =	vadd.f32 $8.333333770e-03, v26  }
0xf4: {  	v13 =	vcvt.f32.s32 v13;
	v30 =	vadd.f32 $8.333333770e-03, v30;
	v25 =	vmul.f32 v25, v28  }
0xf5: {  	v20 =	vmax.f32 v20, $-8.700000000e+01;
	v28 =	vmax.f32 v29, $-8.700000000e+01;
	v26 =	vmul.f32 v26, v17  }
0xf6: {  	v20 =	vmin.f32 v20, $8.800000000e+01;
	v28 =	vmin.f32 v28, $8.800000000e+01;
	v29 =	vmul.f32 v30, v22  }
0xf7: {  	v31 =	vmul.f32 $1.442695020e+00, v20;
	v30 =	vmul.f32 $1.442695020e+00, v28;
	v26 =	vadd.f32 $4.166666790e-02, v26  }
0xf8: {  	v27 =	vsub.f32 $2.000000000e+00, v27;
	v16 =	vmul.f32 v25, v16;
	v29 =	vadd.f32 $4.166666790e-02, v29  }
0xf9: {  	v31 =	vadd.f32 $1.258291200e+07, v31;
	v30 =	vadd.f32 $1.258291200e+07, v30;
	v26 =	vmul.f32 v26, v17  }
0xfa: {  	v27 =	vmul.f32 v27, v19;
	v16 =	vsub.f32 $2.000000000e+00, v16;
	v29 =	vmul.f32 v29, v22;
	v32 =	vpop (erf)  }
0xfb: {  	v19 =	vadd.f32 $1.666666720e-01, v26;
	v26 =	vadd.f32 $-1.258291200e+07, v31;
	v31 =	vmul.f32 v32, v14  }
0xfc: {  	v30 =	vadd.f32 $-1.258291200e+07, v30;
	v16 =	vmul.f32 v16, v25;
	v29 =	vadd.f32 $1.666666720e-01, v29  }
0xfd: {  	v19 =	vmul.f32 v19, v17;
	v25 =	vmul.f32 $6.933593750e-01, v26;
	v31 =	vsub.f32 $2.000000000e+00, v31  }
0xfe: {  	v33 =	vshll.u32 v13, $0x17;
	v29 =	vmul.f32 v29, v22;
	v13 =	vtrunc.f32 v26  }
0xff: {  	v34 =	vcvt.f32.s32 v13;
	v19 =	vadd.f32 $5.000000000e-01, v19;
	v20 =	vsub.f32 v20, v25  }
0x100: {  	v26 =	vmul.f32 $2.121944420e-04, v26;
	v25 =	vadd.f32 $5.000000000e-01, v29;
	v29 =	vmul.f32 $6.933593750e-01, v30  }
0x101: {  	v35 =	vtrunc.f32 v30;
	v13 =	vpsel !p1, $0x0, v16;
	v19 =	vmul.f32 v19, v17  }
0x102: {  	v16 =	vmul.f32 v25, v22;
	v25 =	vcvt.f32.s32 v35;
	v28 =	vsub.f32 v28, v29  }
0x103: {  	v29 =	vadd.f32 $1.000000000e+00, v19;
	v19 =	vadd.f32 v26, v20;
	v26 =	vmul.f32 v31, v32  }
0x104: {  	v30 =	vmul.f32 $2.121944420e-04, v30;
	vm9 =	vge.f32 v13, $1.860784270e-11;
	v16 =	vadd.f32 $1.000000000e+00, v16  }
0x105: {  	v20 =	vnsel vm9, $0x0, v13;
	v17 =	vmul.f32 v29, v17;
	v29 =	vmul.f32 $1.388888920e-03, v19  }
0x106: {  	v22 =	vmul.f32 v16, v22;
	v16 =	vadd.f32 v30, v28;
	v28 =	vshll.u32 v34, $0x17  }
0x107: {  	v24 =	vshll.u32 v24, $0x17;
	vm11 =	vge.f32 v13, $8.990010120e-12;
	v17 =	vadd.f32 $1.000000000e+00, v17  }
0x108: {  	v24 =	vadd.s32 $0x3F800000, v24;
	v30 =	vadd.f32 $1.000000000e+00, v22;
	v29 =	vadd.f32 $8.333333770e-03, v29  }
0x109: {  	v11 =	vmul.f32 v12, v11;
	v22 =	vshll.u32 v25, $0x17;
	v17 =	vmul.f32 v24, v17  }
0x10a: {  	v12 =	vadd.s32 $0x3F800000, v33;
	vm12 =	vlt.f32 v13, $1.860784270e-11;
	v24 =	vmul.f32 $1.388888920e-03, v16  }
0x10b: {  	v25 =	vmul.f32 v29, v19;
	v29 =	vmul.f32 v11, v5;
	v5 =	vadd.f32 $1.000000000e+00, v17  }
0x10c: {  	v12 =	vmul.f32 v12, v30;
	v17 =	vadd.f32 $8.333333770e-03, v24;
	v24 =	vmul.f32 v26, v14  }
0x10d: {  	v25 =	vadd.f32 $4.166666790e-02, v25;
	v29 =	vsub.f32 $2.000000000e+00, v29;
	(erf) = vrcp.f32 v5  }
0x10e: {  	v14 =	vadd.f32 $1.000000000e+00, v12;
	v12 =	vmul.f32 v17, v16;
	v24 =	vsub.f32 $2.000000000e+00, v24  }
0x10f: {  	v30 =	vmul.f32 v25, v19;
	v17 =	vadd.s32 $0x3F800000, v28;
	v11 =	vmul.f32 v29, v11  }
0x110: {  	v12 =	vadd.f32 $4.166666790e-02, v12;
	v25 =	vmul.f32 v24, v26;
	(erf) = vrcp.f32 v14  }
0x111: {  	v26 =	vadd.f32 $1.666666720e-01, v30;
	v11 =	vpsel !p1, $0x0, v11;
	v24 =	vpsel !p1, $0x0, v27;
	p1 =	por p3, p3  }
0x112: {  	vm3 =	vge.f32 v11, $8.990010120e-12;
	vm4 =	vlt.f32 v11, $1.860784270e-11;
	v12 =	vmul.f32 v12, v16  }
0x113: {  	vm13 =	vge.f32 v11, $1.860784270e-11;
	v26 =	vmul.f32 v26, v19;
	vm3 =	vmand vm3, vm4  }
0x114: {  	v29 =	vsel vm3, $0x3F800000, v1;
	v27 =	vadd.f32 $1.666666720e-01, v12;
	v12 =	vnsel vm13, $0x0, v11  }
0x115: {  	vm10 =	vmand vm10, vm1;
	v28 =	vadd.f32 $5.000000000e-01, v26;
	v26 =	vadd.f32 v11, v21  }
.Ltmp2:
0x116: {  	v21 =	vadd.f32 v29, v23;
	v30 =	vadd.f32 v12, v15;
	v12 =	vsel vm13, $0x3F800000, v1;
	v11 =	vpop (erf);
	(pc) =	sbr.rel @p2 .LBB2_2-.Ltmp2, $4  }
0x117: {  	vm3 =	vge.f32 v24, $1.860784270e-11;
	v18 =	vadd.f32 v12, v18;
	v31 =	vmul.f32 v11, v5  }
0x118: {  	v29 =	vnsel vm3, $0x0, v24;
	v23 =	vadd.f32 v24, v26;
	v26 =	vsel vm3, $0x3F800000, v1  }
0x119: {  	vm13 =	vlt.f32 v24, $1.860784270e-11;
	v18 =	vadd.f32 v26, v18;
	v12 =	vsub.f32 $2.000000000e+00, v31;
	v15 =	vpop (erf)  }
0x11a: {  	v27 =	vmul.f32 v27, v16;
	v29 =	vadd.f32 v29, v30;
	v26 =	vmul.f32 v15, v14  }
0x11b: {  	_ = 	snop  }
0x11c: {  	v27 =	vadd.f32 $5.000000000e-01, v27;
	_ =	sdelay $0x1  }
0x11d: {  	v27 =	vmul.f32 v27, v16;
	_ =	sdelay $0x1  }
0x11e: {  	v32 =	vmul.f32 v28, v19;
	v27 =	vadd.f32 $1.000000000e+00, v27;
	_ =	sdelay $0x1  }
0x11f: {  	v33 =	vadd.f32 $1.000000000e+00, v32;
	v31 =	vmul.f32 v27, v16;
	_ =	sdelay $0x1  }
0x120: {  	v34 =	vmul.f32 v33, v19;
	v16 =	vadd.f32 $1.000000000e+00, v31  }
0x121: {  	v22 =	vadd.s32 $0x3F800000, v22  }
0x122: {  	v19 =	vadd.f32 $1.000000000e+00, v34;
	v16 =	vmul.f32 v22, v16;
	_ =	sdelay $0x1  }
0x123: {  	v17 =	vmul.f32 v17, v19;
	v16 =	vadd.f32 $1.000000000e+00, v16  }
0x124: {  	v36 =	vnsel vm10, $0x0, v25  }
0x125: {  	vm0 =	vmmov vm0;
	v17 =	vadd.f32 $1.000000000e+00, v17;
	(erf) = vrcp.f32 v16  }
0x126: {  	vm3 =	vge.f32 v24, $8.990010120e-12;
	v13 =	vadd.f32 v13, v23;
	v11 =	vmul.f32 v12, v11  }
0x127: {  	v47 =	vsel vm9, $0x3F800000, v1;
	vm4 =	vlt.f32 v36, $1.860784270e-11;
	(erf) = vrcp.f32 v17  }
0x128: {  	v20 =	vadd.f32 v20, v29;
	v38 =	vsub.f32 $2.000000000e+00, v26;
	vm10 =	vge.f32 v36, $8.990010120e-12  }
0x129: {  	vm14 =	vge.f32 v36, $1.860784270e-11;
	vm3 =	vmand vm3, vm13;
	v18 =	vadd.f32 v47, v18  }
0x12a: {  	v39 =	vnsel vm14, $0x0, v36;
	v40 =	vsel vm3, $0x3F800000, v1;
	vm3 =	vmand vm10, vm4  }
0x12b: {  	v41 =	vsel vm14, $0x3F800000, v1;
	vm4 =	vmand vm11, vm12;
	v5 =	vmul.f32 v11, v5  }
0x12c: {  	v13 =	vadd.f32 v36, v13;
	v15 =	vmul.f32 v38, v15;
	v21 =	vadd.f32 v40, v21  }
0x12d: {  	v20 =	vadd.f32 v39, v20;
	v43 =	vsel vm4, $0x3F800000, v1;
	v5 =	vsub.f32 $2.000000000e+00, v5  }
0x12e: {  	v45 =	vsel vm3, $0x3F800000, v1;
	v21 =	vadd.f32 v43, v21;
	v14 =	vmul.f32 v15, v14;
	v35 =	vpop (erf)  }
0x12f: {  	v5 =	vmul.f32 v5, v11;
	v11 =	vadd.f32 v41, v18;
	v37 =	vmul.f32 v35, v16  }
0x130: {  	vm0 =	vmand vm0, vm1;
	v12 =	vadd.f32 v45, v21;
	v14 =	vsub.f32 $2.000000000e+00, v14;
	v42 =	vpop (erf)  }
0x131: {  	v5 =	vpsel !p1, $0x0, v5;
	v44 =	vmul.f32 v42, v17;
	v24 =	vsub.f32 $2.000000000e+00, v37  }
0x132: {  	v14 =	vmul.f32 v14, v15;
	vm4 =	vge.f32 v5, $8.990010120e-12;
	vm11 =	vlt.f32 v5, $1.860784270e-11  }
0x133: {  	vm12 =	vge.f32 v5, $1.860784270e-11;
	v46 =	vsub.f32 $2.000000000e+00, v44;
	v19 =	vmul.f32 v24, v35  }
0x134: {  	vm4 =	vmand vm4, vm11;
	v50 =	vnsel vm12, $0x0, v5;
	v5 =	vadd.f32 v5, v13  }
0x135: {  	v53 =	vsel vm12, $0x3F800000, v1;
	v48 =	vmul.f32 v46, v42;
	v16 =	vmul.f32 v19, v16  }
0x136: {  	v14 =	vpsel !p1, $0x0, v14;
	v51 =	vsel vm4, $0x3F800000, v1;
	v52 =	vadd.f32 v50, v20  }
0x137: {  	v11 =	vadd.f32 v53, v11;
	v17 =	vmul.f32 v48, v17;
	v16 =	vsub.f32 $2.000000000e+00, v16  }
0x138: {  	v12 =	vadd.f32 v51, v12;
	vm4 =	vge.f32 v14, $1.860784270e-11;
	v5 =	vadd.f32 v14, v5  }
0x139: {  	v54 =	vnsel vm4, $0x0, v14;
	v17 =	vsub.f32 $2.000000000e+00, v17;
	v16 =	vmul.f32 v16, v19  }
0x13a: {  	v55 =	vsel vm4, $0x3F800000, v1;
	vm4 =	vlt.f32 v14, $1.860784270e-11;
	v13 =	vadd.f32 v54, v52  }
0x13b: {  	v11 =	vadd.f32 v55, v11;
	v17 =	vmul.f32 v17, v48;
	v16 =	vpsel !p1, $0x0, v16  }
0x13c: {  	vm9 =	vge.f32 v16, $1.860784270e-11;
	vm3 =	vge.f32 v16, $8.990010120e-12;
	vm10 =	vlt.f32 v16, $1.860784270e-11  }
0x13d: {  	v17 =	vnsel vm0, $0x0, v17;
	vm0 =	vge.f32 v14, $8.990010120e-12;
	v5 =	vadd.f32 v16, v5  }
0x13e: {  	v49 =	vnsel vm9, $0x0, v16;
	vm11 =	vlt.f32 v17, $1.860784270e-11;
	vm12 =	vge.f32 v17, $1.860784270e-11  }
0x13f: {  	vm13 =	vge.f32 v17, $8.990010120e-12;
	vm0 =	vmand vm0, vm4;
	v58 =	vsel vm9, $0x3F800000, v1  }
0x140: {  	v13 =	vadd.f32 v49, v13;
	v56 =	vnsel vm12, $0x0, v17;
	v57 =	vsel vm0, $0x3F800000, v1  }
0x141: {  	vm0 =	vmand vm3, vm10;
	v5 =	vadd.f32 v17, v5;
	v12 =	vadd.f32 v57, v12  }
0x142: {  	v11 =	vadd.f32 v58, v11;
	v60 =	vsel vm12, $0x3F800000, v1;
	v59 =	vsel vm0, $0x3F800000, v1  }
0x143: {  	vm0 =	vmand vm13, vm11;
	v13 =	vadd.f32 v56, v13;
	v12 =	vadd.f32 v59, v12  }
0x144: {  	v61 =	vsel vm0, $0x3F800000, v1;
	v11 =	vadd.f32 v60, v11;
	(xrf2) =	vadd.scan.msk.f32 $0xffff, v5  }
0x145: {  	(xrf2) =	vadd.scan.msk.f32 $0xffff, v13;
	v5 =	vadd.f32 v61, v12  }
0x146: {  	(xrf2) =	vadd.scan.msk.f32 $0xffff, v11  }
0x147: {  	(xrf2) =	vadd.scan.msk.f32 $0xffff, v5;
	_ =	sdelay $0x6  }
0x148: {  	v5, _, _ =	vpop (xrf2)  }
0x149: {  	v11, _, _ =	vpop (xrf2)  }
0x14a: {  	v62, _, _ =	vpop (xrf2)  }
0x14b: {  	v63, _, _ =	vpop (xrf2)  }
0x14c: {  	v13 =	vbroadcast v63, $0xF  }
0x14d: {  	vm0 =	vcmask $0xF0C;
	v12 =	vbroadcast v62, $0xF  }
0x14e: {  	v11 =	vbroadcast v11, $0xF;
	v13 =	vnsel vm0, $0x0, v13;
	vm0 =	vcmask $0x3F0C  }
0x14f: {  	v5 =	vbroadcast v5, $0xF;
	v12 =	vsel vm0, v13, v12;
	vm0 =	vcmask $0x3F08  }
0x150: {  	v11 =	vsel vm0, v12, v11;
	vm0 =	vcmask $0x3F04  }
0x151: {  	v5 =	vsel vm0, v11, v5  }
0x152: {  	s0 =	simm.s32 $0x500;
	[tilespmem:$0x500] =	vst v5  }
0x153: {  	[spmem:s7] =	stream.linear.scatter [tilespmem:s0], [sflag:$0x1], $0x10, $0x38;
	[tilespmem:$0x3610] =	vst v63  }
.Ltmp3:
0x154: {  	_ =	swait.ge [sflag:s6], $0x10;
	(pc) =	sbr.rel @p6 .LBB2_46-.Ltmp3, $4  }
0x155: {  	[sflag:s6] =	ssyncset.done $0x0  }
0x156: {  	[sflag:s6] =	ssyncadd.s32 $0xFFFFFFF0  }
0x157: {  	[bflag:$0x0] =	sbarrier.arrive $0xFFFF  }
0x158: {  	s1 =	rddreg [dreg:$0xc]  }
0x159: {  	s0 =	rddreg [dreg:$0x6];
	s1 =	simm.s32 $0x580  }
0x15a: {  	[tilespmem:s1], [sflag:$0x1] =	stream.linear.gather [spmem:s0], $0x10, $0x38;
	[tilespmem:$0x3610] =	vst v63  }
0x15b: {  	_ =	swait.ge [sflag:s6], $0x10  }
0x15c: {  	[sflag:s6] =	ssyncset.done $0x0  }
0x15d: {  	s26 =	simm.s32 $0x590;
	s25 =	rddreg [dreg:$0x7];
	[sflag:s6] =	ssyncadd.s32 $0xFFFFFFF0  }
0x15e: {  	[tilespmem:s26], [sflag:$0x1] =	stream.linear.gather [spmem:s25], $0x10, $0x38;
	[tilespmem:$0x3610] =	vst v63  }
0x15f: {  	_ =	swait.ge [sflag:s6], $0x10  }
0x160: {  	[sflag:s6] =	ssyncset.done $0x0  }
0x161: {  	s29 =	simm.s32 $0x5A0;
	s28 =	rddreg [dreg:$0x8];
	[sflag:s6] =	ssyncadd.s32 $0xFFFFFFF0  }
0x162: {  	[tilespmem:s29], [sflag:$0x1] =	stream.linear.gather [spmem:s28], $0x10, $0x38;
	[tilespmem:$0x3610] =	vst v63  }
0x163: {  	_ =	swait.ge [sflag:s6], $0x10  }
0x164: {  	[sflag:s6] =	ssyncset.done $0x0  }
0x165: {  	s30 =	simm.s32 $0x5B0;
	[sflag:s6] =	ssyncadd.s32 $0xFFFFFFF0  }
0x166: {  	[tilespmem:s30], [sflag:$0x1] =	stream.linear.gather [spmem:s7], $0x10, $0x38;
	[tilespmem:$0x3610] =	vst v63  }
0x167: {  	_ =	swait.ge [sflag:s6], $0x10  }
0x168: {  	[sflag:s6] =	ssyncset.done $0x0  }
0x169: {  	[sflag:s6] =	ssyncadd.s32 $0xFFFFFFF0  }
0x16a: {  	v5 =	vld [tilespmem:$0x580]  }
0x16b: {  	v11 =	vld [tilespmem:$0x590];
	_ =	sdelay $0x1  }
0x16c: {  	v12 =	vld [tilespmem:$0x5A0];
	_ =	sdelay $0x1  }
0x16d: {  	v13 =	vld [tilespmem:$0x5B0]  }
0x16e: {  	v5 =	vadd.f32 v11, v5;
	_ =	sdelay $0x1  }
0x16f: {  	v5 =	vadd.f32 v12, v5;
	_ =	sdelay $0x1  }
0x170: {  	v5 =	vadd.f32 v13, v5;
	_ =	sdelay $0x1  }
0x171: {  	(v2sf) =	vpush v5, $0x3;
	_ =	sdelay $0xe  }
0x172: {  	s31 =	spop (v2sf)  }
0x173: {  	p1 =	sgt.f32 s31, $0.0e+00  }
.Ltmp4:
0x174: {  	_ = 	snop;
	(pc) =	sbr.rel @!p1 .LBB2_44-.Ltmp4, $1  }
0x175: {  	_ =	sdelay $0x3  }
0x176: {  	s0 =	simm.s32 $0x0;
	s1 =	rddreg [dreg:$0x9];
	s4 =	simm.s32 $0x600  }
0x177: {  	[tilespmem:s4], [sflag:$0x1] =	stream.linear.gather [hbm4b:s1+s0], $0x1000, $0x38;
	[tilespmem:$0x3610] =	vst v63  }
0x178: {  	_ =	swait.ge [sflag:s6], $0x1000  }
0x179: {  	[sflag:s6] =	ssyncset.done $0x0  }
0x17a: {  	s21 =	simm.s32 $0x1620;
	[sflag:s6] =	ssyncadd.s32 $0xFFFFF000  }
.LBB2_6:
0x17b: {  	v11 =	vor.u32 s0, v0;
	s1 =	sadd.s32 $0x1, s0;
	s22 =	sadd.s32 $0x40, s0  }
0x17c: {  	v12 =	vadd.s32 s1, v0;
	v13 =	vor.u32 s22, v0  }
0x17d: {  	s17 =	sadd.s32 $0x41, s0;
	vm0 =	vlt.s32 v13, $0xFFF  }
0x17e: {  	v14 =	vadd.s32 s17, v0;
	v13 =	vnsel vm0, $0xFFF, v13  }
0x17f: {  	vm0 =	vlt.s32 v14, $0xFFF  }
0x180: {  	v14 =	vnsel vm0, $0xFFF, v14;
	v11 =	vld.idx.msk [tilespmem:v11+s4+$0x0], $0xffff  }
0x181: {  	v12 =	vld.idx.msk [tilespmem:v12+s4+$0x0], $0xffff;
	_ =	sdelay $0x1  }
0x182: {  	v13 =	vld.idx.msk [tilespmem:v13+s4+$0x0], $0xffff;
	_ =	sdelay $0x1  }
0x183: {  	v14 =	vld.idx.msk [tilespmem:v14+s4+$0x0], $0xffff  }
0x184: {  	v11 =	vmul.f32 v11, v6;
	v12 =	vmul.f32 v12, v7;
	_ =	sdelay $0x1  }
0x185: {  	v11 =	vadd.f32 v12, v11;
	v27 =	vmul.f32 v13, v8;
	_ =	sdelay $0x1  }
0x186: {  	v28 =	vmul.f32 v14, v9;
	v11 =	vadd.f32 v27, v11;
	_ =	sdelay $0x1  }
0x187: {  	v11 =	vadd.f32 v28, v11;
	_ =	sdelay $0x1  }
0x188: {  	v11 =	vadd.f32 v11, v10;
	_ =	sdelay $0x1  }
0x189: {  	v11 =	vsub.f32 $0.0e+00, v11;
	_ =	sdelay $0x1  }
0x18a: {  	v11 =	vmax.f32 v11, $-8.700000000e+01  }
0x18b: {  	v11 =	vmin.f32 v11, $8.800000000e+01  }
0x18c: {  	v29 =	vmul.f32 $1.442695020e+00, v11;
	_ =	sdelay $0x1  }
0x18d: {  	v12 =	vadd.f32 $1.258291200e+07, v29;
	_ =	sdelay $0x1  }
0x18e: {  	v12 =	vadd.f32 $-1.258291200e+07, v12;
	_ =	sdelay $0x1  }
0x18f: {  	v30 =	vmul.f32 $6.933593750e-01, v12;
	_ =	sdelay $0x1  }
0x190: {  	v31 =	vmul.f32 $2.121944420e-04, v12;
	v11 =	vsub.f32 v11, v30;
	_ =	sdelay $0x1  }
0x191: {  	v11 =	vadd.f32 v31, v11;
	_ =	sdelay $0x1  }
0x192: {  	v13 =	vmul.f32 $1.388888920e-03, v11;
	_ =	sdelay $0x1  }
0x193: {  	v13 =	vadd.f32 $8.333333770e-03, v13;
	_ =	sdelay $0x1  }
0x194: {  	v13 =	vmul.f32 v13, v11;
	_ =	sdelay $0x1  }
0x195: {  	v13 =	vadd.f32 $4.166666790e-02, v13;
	_ =	sdelay $0x1  }
0x196: {  	v13 =	vmul.f32 v13, v11;
	_ =	sdelay $0x1  }
0x197: {  	v13 =	vadd.f32 $1.666666720e-01, v13;
	_ =	sdelay $0x1  }
0x198: {  	v13 =	vmul.f32 v13, v11;
	_ =	sdelay $0x1  }
0x199: {  	v13 =	vadd.f32 $5.000000000e-01, v13;
	_ =	sdelay $0x1  }
0x19a: {  	v13 =	vmul.f32 v13, v11;
	_ =	sdelay $0x1  }
0x19b: {  	v13 =	vadd.f32 $1.000000000e+00, v13  }
0x19c: {  	v12 =	vtrunc.f32 v12  }
0x19d: {  	v12 =	vcvt.f32.s32 v12;
	v11 =	vmul.f32 v13, v11;
	_ =	sdelay $0x1  }
0x19e: {  	v12 =	vshll.u32 v12, $0x17;
	v11 =	vadd.f32 $1.000000000e+00, v11  }
0x19f: {  	v12 =	vadd.s32 $0x3F800000, v12  }
0x1a0: {  	v11 =	vmul.f32 v12, v11;
	_ =	sdelay $0x1  }
0x1a1: {  	v11 =	vadd.f32 $1.000000000e+00, v11;
	_ =	sdelay $0x1  }
0x1a2: {  	(erf) = vrcp.f32 v11;
	_ =	sdelay $0x8  }
0x1a3: {  	v32 =	vpop (erf)  }
0x1a4: {  	v33 =	vmul.f32 v32, v11;
	_ =	sdelay $0x1  }
0x1a5: {  	v13 =	vsub.f32 $2.000000000e+00, v33;
	_ =	sdelay $0x1  }
0x1a6: {  	v12 =	vmul.f32 v13, v32;
	_ =	sdelay $0x1  }
0x1a7: {  	v11 =	vmul.f32 v12, v11;
	_ =	sdelay $0x1  }
0x1a8: {  	s18 =	sadd.s32 $0x10, s0;
	v11 =	vsub.f32 $2.000000000e+00, v11  }
0x1a9: {  	s19 =	sadd.s32 $0x11, s0;
	s2 =	sadd.s32 $0x50, s0;
	v34 =	vadd.s32 s18, v2  }
0x1aa: {  	v35 =	vadd.s32 s19, v2;
	v36 =	vadd.s32 s2, v2;
	v11 =	vmul.f32 v11, v12  }
0x1ab: {  	p1 =	sne.s32 s0, $0xFC0;
	s20 =	sadd.s32 $0x51, s0;
	vm0 =	vlt.s32 v36, $0xFFF  }
0x1ac: {  	v15 =	vadd.s32 s20, v2;
	v12 =	vnsel vm0, $0xFFF, v36;
	v11 =	vpsel !p1, $0x0, v11  }
0x1ad: {  	vm0 =	vlt.s32 v15, $0xFFF;
	[tilespmem:s21+$0xFFFFFFE0] =	vst v11  }
0x1ae: {  	v11 =	vnsel vm0, $0xFFF, v15;
	v13 =	vld.idx.msk [tilespmem:v34+s4+$0x0], $0xffff  }
0x1af: {  	v14 =	vld.idx.msk [tilespmem:v35+s4+$0x0], $0xffff;
	_ =	sdelay $0x1  }
0x1b0: {  	v12 =	vld.idx.msk [tilespmem:v12+s4+$0x0], $0xffff;
	_ =	sdelay $0x1  }
0x1b1: {  	v11 =	vld.idx.msk [tilespmem:v11+s4+$0x0], $0xffff  }
0x1b2: {  	v13 =	vmul.f32 v13, v6;
	v14 =	vmul.f32 v14, v7;
	_ =	sdelay $0x1  }
0x1b3: {  	v12 =	vmul.f32 v12, v8;
	v13 =	vadd.f32 v14, v13;
	_ =	sdelay $0x1  }
0x1b4: {  	v12 =	vadd.f32 v12, v13;
	v11 =	vmul.f32 v11, v9;
	_ =	sdelay $0x1  }
0x1b5: {  	v11 =	vadd.f32 v11, v12;
	_ =	sdelay $0x1  }
0x1b6: {  	v11 =	vadd.f32 v11, v10;
	_ =	sdelay $0x1  }
0x1b7: {  	v11 =	vsub.f32 $0.0e+00, v11;
	_ =	sdelay $0x1  }
0x1b8: {  	v11 =	vmax.f32 v11, $-8.700000000e+01  }
0x1b9: {  	v11 =	vmin.f32 v11, $8.800000000e+01  }
0x1ba: {  	v37 =	vmul.f32 $1.442695020e+00, v11;
	_ =	sdelay $0x1  }
0x1bb: {  	v12 =	vadd.f32 $1.258291200e+07, v37;
	_ =	sdelay $0x1  }
0x1bc: {  	v12 =	vadd.f32 $-1.258291200e+07, v12;
	_ =	sdelay $0x1  }
0x1bd: {  	v38 =	vmul.f32 $6.933593750e-01, v12;
	_ =	sdelay $0x1  }
0x1be: {  	v39 =	vmul.f32 $2.121944420e-04, v12;
	v11 =	vsub.f32 v11, v38;
	_ =	sdelay $0x1  }
0x1bf: {  	v11 =	vadd.f32 v39, v11;
	_ =	sdelay $0x1  }
0x1c0: {  	v13 =	vmul.f32 $1.388888920e-03, v11;
	_ =	sdelay $0x1  }
0x1c1: {  	v13 =	vadd.f32 $8.333333770e-03, v13;
	_ =	sdelay $0x1  }
0x1c2: {  	v13 =	vmul.f32 v13, v11;
	_ =	sdelay $0x1  }
0x1c3: {  	v13 =	vadd.f32 $4.166666790e-02, v13;
	_ =	sdelay $0x1  }
0x1c4: {  	v13 =	vmul.f32 v13, v11;
	_ =	sdelay $0x1  }
0x1c5: {  	v13 =	vadd.f32 $1.666666720e-01, v13;
	_ =	sdelay $0x1  }
0x1c6: {  	v13 =	vmul.f32 v13, v11;
	_ =	sdelay $0x1  }
0x1c7: {  	v13 =	vadd.f32 $5.000000000e-01, v13;
	_ =	sdelay $0x1  }
0x1c8: {  	v13 =	vmul.f32 v13, v11;
	_ =	sdelay $0x1  }
0x1c9: {  	v13 =	vadd.f32 $1.000000000e+00, v13  }
0x1ca: {  	v12 =	vtrunc.f32 v12  }
0x1cb: {  	v12 =	vcvt.f32.s32 v12;
	v11 =	vmul.f32 v13, v11;
	_ =	sdelay $0x1  }
0x1cc: {  	v12 =	vshll.u32 v12, $0x17;
	v11 =	vadd.f32 $1.000000000e+00, v11  }
0x1cd: {  	v12 =	vadd.s32 $0x3F800000, v12  }
0x1ce: {  	v11 =	vmul.f32 v12, v11;
	_ =	sdelay $0x1  }
0x1cf: {  	v11 =	vadd.f32 $1.000000000e+00, v11;
	_ =	sdelay $0x1  }
0x1d0: {  	(erf) = vrcp.f32 v11;
	_ =	sdelay $0x8  }
0x1d1: {  	v40 =	vpop (erf)  }
0x1d2: {  	v41 =	vmul.f32 v40, v11;
	_ =	sdelay $0x1  }
0x1d3: {  	v13 =	vsub.f32 $2.000000000e+00, v41;
	_ =	sdelay $0x1  }
0x1d4: {  	v12 =	vmul.f32 v13, v40;
	_ =	sdelay $0x1  }
0x1d5: {  	s23 =	sadd.s32 $0x20, s0;
	v11 =	vmul.f32 v12, v11  }
0x1d6: {  	s24 =	sadd.s32 $0x21, s0;
	v42 =	vadd.s32 s23, v3  }
0x1d7: {  	v43 =	vadd.s32 s24, v3;
	vm0 =	vlt.s32 v42, $0xFFF;
	v11 =	vsub.f32 $2.000000000e+00, v11  }
0x1d8: {  	s25 =	sadd.s32 $0x60, s0;
	v13 =	vnsel vm0, $0xFFF, v42;
	vm0 =	vlt.s32 v43, $0xFFF  }
0x1d9: {  	v45 =	vadd.s32 s25, v3;
	v44 =	vnsel vm0, $0xFFF, v43;
	v11 =	vmul.f32 v11, v12  }
0x1da: {  	s26 =	sadd.s32 $0x61, s0;
	vm0 =	vlt.s32 v45, $0xFFF  }
0x1db: {  	v46 =	vadd.s32 s26, v3;
	v14 =	vnsel vm0, $0xFFF, v45;
	v11 =	vpsel !p1, $0x0, v11  }
0x1dc: {  	vm0 =	vlt.s32 v46, $0xFFF;
	[tilespmem:s21+$0xFFFFFFF0] =	vst v11  }
0x1dd: {  	v11 =	vnsel vm0, $0xFFF, v46;
	v13 =	vld.idx.msk [tilespmem:v13+s4+$0x0], $0xffff  }
0x1de: {  	v12 =	vld.idx.msk [tilespmem:v44+s4+$0x0], $0xffff;
	_ =	sdelay $0x1  }
0x1df: {  	v14 =	vld.idx.msk [tilespmem:v14+s4+$0x0], $0xffff;
	_ =	sdelay $0x1  }
0x1e0: {  	v11 =	vld.idx.msk [tilespmem:v11+s4+$0x0], $0xffff  }
0x1e1: {  	v13 =	vmul.f32 v13, v6;
	v12 =	vmul.f32 v12, v7;
	_ =	sdelay $0x1  }
0x1e2: {  	v47 =	vmul.f32 v14, v8;
	v12 =	vadd.f32 v12, v13;
	_ =	sdelay $0x1  }
0x1e3: {  	v12 =	vadd.f32 v47, v12;
	v11 =	vmul.f32 v11, v9;
	_ =	sdelay $0x1  }
0x1e4: {  	v11 =	vadd.f32 v11, v12;
	_ =	sdelay $0x1  }
0x1e5: {  	v11 =	vadd.f32 v11, v10;
	_ =	sdelay $0x1  }
0x1e6: {  	v11 =	vsub.f32 $0.0e+00, v11;
	_ =	sdelay $0x1  }
0x1e7: {  	v11 =	vmax.f32 v11, $-8.700000000e+01  }
0x1e8: {  	v11 =	vmin.f32 v11, $8.800000000e+01  }
0x1e9: {  	v48 =	vmul.f32 $1.442695020e+00, v11;
	_ =	sdelay $0x1  }
0x1ea: {  	v12 =	vadd.f32 $1.258291200e+07, v48;
	_ =	sdelay $0x1  }
0x1eb: {  	v12 =	vadd.f32 $-1.258291200e+07, v12;
	_ =	sdelay $0x1  }
0x1ec: {  	v49 =	vmul.f32 $6.933593750e-01, v12;
	_ =	sdelay $0x1  }
0x1ed: {  	v50 =	vmul.f32 $2.121944420e-04, v12;
	v11 =	vsub.f32 v11, v49;
	_ =	sdelay $0x1  }
0x1ee: {  	v11 =	vadd.f32 v50, v11;
	_ =	sdelay $0x1  }
0x1ef: {  	v13 =	vmul.f32 $1.388888920e-03, v11;
	_ =	sdelay $0x1  }
0x1f0: {  	v13 =	vadd.f32 $8.333333770e-03, v13;
	_ =	sdelay $0x1  }
0x1f1: {  	v13 =	vmul.f32 v13, v11;
	_ =	sdelay $0x1  }
0x1f2: {  	v13 =	vadd.f32 $4.166666790e-02, v13;
	_ =	sdelay $0x1  }
0x1f3: {  	v13 =	vmul.f32 v13, v11;
	_ =	sdelay $0x1  }
0x1f4: {  	v13 =	vadd.f32 $1.666666720e-01, v13;
	_ =	sdelay $0x1  }
0x1f5: {  	v13 =	vmul.f32 v13, v11;
	_ =	sdelay $0x1  }
0x1f6: {  	v13 =	vadd.f32 $5.000000000e-01, v13;
	_ =	sdelay $0x1  }
0x1f7: {  	v13 =	vmul.f32 v13, v11;
	_ =	sdelay $0x1  }
0x1f8: {  	v13 =	vadd.f32 $1.000000000e+00, v13  }
0x1f9: {  	v12 =	vtrunc.f32 v12  }
0x1fa: {  	v12 =	vcvt.f32.s32 v12;
	v11 =	vmul.f32 v13, v11;
	_ =	sdelay $0x1  }
0x1fb: {  	v12 =	vshll.u32 v12, $0x17;
	v11 =	vadd.f32 $1.000000000e+00, v11  }
0x1fc: {  	v12 =	vadd.s32 $0x3F800000, v12  }
0x1fd: {  	v11 =	vmul.f32 v12, v11;
	_ =	sdelay $0x1  }
0x1fe: {  	v11 =	vadd.f32 $1.000000000e+00, v11;
	_ =	sdelay $0x1  }
0x1ff: {  	(erf) = vrcp.f32 v11;
	_ =	sdelay $0x8  }
0x200: {  	v51 =	vpop (erf)  }
0x201: {  	v52 =	vmul.f32 v51, v11;
	_ =	sdelay $0x1  }
0x202: {  	v13 =	vsub.f32 $2.000000000e+00, v52;
	_ =	sdelay $0x1  }
0x203: {  	v12 =	vmul.f32 v13, v51;
	_ =	sdelay $0x1  }
0x204: {  	s28 =	sadd.s32 $0x30, s0;
	v11 =	vmul.f32 v12, v11  }
0x205: {  	s29 =	sadd.s32 $0x31, s0;
	v53 =	vadd.s32 s28, v4  }
0x206: {  	v54 =	vadd.s32 s29, v4;
	vm0 =	vlt.s32 v53, $0xFFF;
	v11 =	vsub.f32 $2.000000000e+00, v11  }
0x207: {  	s30 =	sadd.s32 $0x70, s0;
	v13 =	vnsel vm0, $0xFFF, v53;
	vm0 =	vlt.s32 v54, $0xFFF  }
0x208: {  	v56 =	vadd.s32 s30, v4;
	v55 =	vnsel vm0, $0xFFF, v54;
	v11 =	vmul.f32 v11, v12  }
0x209: {  	s31 =	sadd.s32 $0x71, s0;
	vm0 =	vlt.s32 v56, $0xFFF  }
0x20a: {  	v57 =	vadd.s32 s31, v4;
	v14 =	vnsel vm0, $0xFFF, v56;
	v11 =	vpsel !p1, $0x0, v11  }
0x20b: {  	vm0 =	vlt.s32 v57, $0xFFF;
	[tilespmem:s21+$0x0] =	vst v11  }
0x20c: {  	v11 =	vnsel vm0, $0xFFF, v57;
	v13 =	vld.idx.msk [tilespmem:v13+s4+$0x0], $0xffff  }
0x20d: {  	v12 =	vld.idx.msk [tilespmem:v55+s4+$0x0], $0xffff;
	_ =	sdelay $0x1  }
0x20e: {  	v14 =	vld.idx.msk [tilespmem:v14+s4+$0x0], $0xffff;
	_ =	sdelay $0x1  }
0x20f: {  	v11 =	vld.idx.msk [tilespmem:v11+s4+$0x0], $0xffff  }
0x210: {  	v13 =	vmul.f32 v13, v6;
	v12 =	vmul.f32 v12, v7;
	_ =	sdelay $0x1  }
0x211: {  	v58 =	vmul.f32 v14, v8;
	v12 =	vadd.f32 v12, v13;
	_ =	sdelay $0x1  }
0x212: {  	v12 =	vadd.f32 v58, v12;
	v11 =	vmul.f32 v11, v9;
	_ =	sdelay $0x1  }
0x213: {  	v11 =	vadd.f32 v11, v12;
	_ =	sdelay $0x1  }
0x214: {  	v11 =	vadd.f32 v11, v10;
	_ =	sdelay $0x1  }
0x215: {  	v11 =	vsub.f32 $0.0e+00, v11;
	_ =	sdelay $0x1  }
0x216: {  	v11 =	vmax.f32 v11, $-8.700000000e+01  }
0x217: {  	v11 =	vmin.f32 v11, $8.800000000e+01  }
0x218: {  	v59 =	vmul.f32 $1.442695020e+00, v11;
	_ =	sdelay $0x1  }
0x219: {  	v12 =	vadd.f32 $1.258291200e+07, v59;
	_ =	sdelay $0x1  }
0x21a: {  	v12 =	vadd.f32 $-1.258291200e+07, v12;
	_ =	sdelay $0x1  }
0x21b: {  	v60 =	vmul.f32 $6.933593750e-01, v12;
	_ =	sdelay $0x1  }
0x21c: {  	v61 =	vmul.f32 $2.121944420e-04, v12;
	v11 =	vsub.f32 v11, v60;
	_ =	sdelay $0x1  }
0x21d: {  	v11 =	vadd.f32 v61, v11;
	_ =	sdelay $0x1  }
0x21e: {  	v13 =	vmul.f32 $1.388888920e-03, v11;
	_ =	sdelay $0x1  }
0x21f: {  	v13 =	vadd.f32 $8.333333770e-03, v13;
	_ =	sdelay $0x1  }
0x220: {  	v13 =	vmul.f32 v13, v11;
	_ =	sdelay $0x1  }
0x221: {  	v13 =	vadd.f32 $4.166666790e-02, v13;
	_ =	sdelay $0x1  }
0x222: {  	v13 =	vmul.f32 v13, v11;
	_ =	sdelay $0x1  }
0x223: {  	v13 =	vadd.f32 $1.666666720e-01, v13;
	_ =	sdelay $0x1  }
0x224: {  	v13 =	vmul.f32 v13, v11;
	_ =	sdelay $0x1  }
0x225: {  	v13 =	vadd.f32 $5.000000000e-01, v13;
	_ =	sdelay $0x1  }
0x226: {  	v13 =	vmul.f32 v13, v11;
	_ =	sdelay $0x1  }
0x227: {  	v13 =	vadd.f32 $1.000000000e+00, v13  }
0x228: {  	v12 =	vtrunc.f32 v12  }
0x229: {  	v12 =	vcvt.f32.s32 v12;
	v11 =	vmul.f32 v13, v11;
	_ =	sdelay $0x1  }
0x22a: {  	v12 =	vshll.u32 v12, $0x17;
	v11 =	vadd.f32 $1.000000000e+00, v11  }
0x22b: {  	v12 =	vadd.s32 $0x3F800000, v12  }
0x22c: {  	v11 =	vmul.f32 v12, v11;
	_ =	sdelay $0x1  }
0x22d: {  	v11 =	vadd.f32 $1.000000000e+00, v11;
	_ =	sdelay $0x1  }
0x22e: {  	(erf) = vrcp.f32 v11;
	_ =	sdelay $0x8  }
0x22f: {  	v62 =	vpop (erf)  }
0x230: {  	v63 =	vmul.f32 v62, v11;
	_ =	sdelay $0x1  }
0x231: {  	v13 =	vsub.f32 $2.000000000e+00, v63;
	_ =	sdelay $0x1  }
0x232: {  	v12 =	vmul.f32 v13, v62;
	_ =	sdelay $0x1  }
0x233: {  	v11 =	vmul.f32 v12, v11;
	_ =	sdelay $0x1  }
0x234: {  	v11 =	vsub.f32 $2.000000000e+00, v11  }
.Ltmp5:
0x235: {  	vm0 =	vmmov vm8;
	(pc) =	sbr.rel @p1 .LBB2_6-.Ltmp5, $4  }
0x236: {  	vm0 =	vmneg @p1 vm0;
	v11 =	vmul.f32 v11, v12  }
0x237: {  	vm0 =	vmand vm0, vm1  }
0x238: {  	v11 =	vnsel vm0, $0x0, v11  }
0x239: {  	s0 =	smov.u32 s22;
	[tilespmem:s21+$0x10] =	vst v11;
	s21 =	sadd.s32 $0x40, s21  }
0x23a: {  	s1 =	simm.s32 $0x0  }
0x23b: {  	v7 =	vld [tilespmem:s1+$0x1600];
	_ =	sdelay $0x4  }
0x23c: {  	v10 =	vadd.f32 $9.999999960e-13, v7;
	_ =	sdelay $0x1  }
0x23d: {  	s0 =	simm.s32 $0x10;
	(erf) = vrcp.f32 v10  }
0x23e: {  	v8 =	vld [tilespmem:s0+$0x1600];
	_ =	sdelay $0x3  }
0x23f: {  	s2 =	simm.s32 $0x20  }
0x240: {  	v6 =	vld [tilespmem:s2+$0x1600];
	v11 =	vadd.f32 $9.999999960e-13, v8;
	_ =	sdelay $0x1  }
0x241: {  	(erf) = vrcp.f32 v11  }
0x242: {  	v13 =	vpop (erf)  }
0x243: {  	v14 =	vmul.f32 v13, v10  }
0x244: {  	s4 =	simm.s32 $0x30;
	v12 =	vadd.f32 $9.999999960e-13, v6  }
0x245: {  	v9 =	vld [tilespmem:s4+$0x1600];
	v14 =	vsub.f32 $2.000000000e+00, v14  }
0x246: {  	(erf) = vrcp.f32 v12  }
0x247: {  	v16 =	vmul.f32 v14, v13;
	_ =	sdelay $0x1  }
0x248: {  	v10 =	vmul.f32 v16, v10  }
0x249: {  	s5 =	simm.s32 $0x40;
	v13 =	vadd.f32 $9.999999960e-13, v9;
	v14 =	vpop (erf)  }
0x24a: {  	v15 =	vmul.f32 v14, v11;
	v18 =	vsub.f32 $2.000000000e+00, v10;
	v10 =	vld [tilespmem:s5+$0x1600]  }
0x24b: {  	(erf) = vrcp.f32 v13  }
0x24c: {  	v17 =	vsub.f32 $2.000000000e+00, v15;
	_ =	sdelay $0x1  }
0x24d: {  	s6 =	simm.s32 $0x140;
	v16 =	vmul.f32 v18, v16;
	v15 =	vpop (erf);
	v14 =	vmul.f32 v17, v14  }
.LBB2_8:
0x24e: {  	s7 =	sshra.s32 s6, $0x2;
	v17 =	vadd.f32 $9.999999960e-13, v10;
	v18 =	vmul.f32 v15, v12;
	v19 =	vmov v10;
	p1 =	sne.s32 s6, $0x3EC0  }
.Ltmp6:
0x24f: {  	s6 =	sadd.s32 $0x40, s6;
	v10 =	vld [tilespmem:s7+$0x1600];
	v20 =	vmul.f32 v14, v11;
	v16 =	vmul.f32 v16, v7;
	v11 =	vmovc v12;
	v12 =	vmovc v13;
	v7 =	vmov v8;
	(pc) =	sbr.rel @p1 .LBB2_8-.Ltmp6, $4  }
0x250: {  	v8 =	vmovc v6;
	v6 =	vmovc v9;
	v9 =	vmov v19;
	(erf) = vrcp.f32 v17;
	v13 =	vmov v17  }
0x251: {  	v17 =	vsub.f32 $2.000000000e+00, v18;
	v18 =	vsub.f32 $2.000000000e+00, v20;
	[tilespmem:s1+$0x2600] =	vst v16;
	s1 =	smov.u32 s0;
	s0 =	smov.u32 s2  }
0x252: {  	s2 =	smov.u32 s4;
	s4 =	smov.u32 s5;
	s5 =	smov.u32 s7  }
0x253: {  	v16 =	vmul.f32 v18, v14;
	v14 =	vmul.f32 v17, v15;
	v15 =	vpop (erf)  }
0x254: {  	v17 =	vadd.f32 $9.999999960e-13, v10;
	_ =	sdelay $0x1  }
0x255: {  	(erf) = vrcp.f32 v17;
	_ =	sdelay $0x7  }
0x256: {  	v18 =	vmul.f32 v15, v12;
	v19 =	vpop (erf)  }
0x257: {  	v20 =	vmul.f32 v19, v13;
	v21 =	vpop (erf)  }
0x258: {  	v18 =	vsub.f32 $2.000000000e+00, v18;
	v22 =	vmul.f32 v21, v17  }
0x259: {  	v20 =	vsub.f32 $2.000000000e+00, v20  }
0x25a: {  	v58 =	vmul.f32 v18, v15;
	v59 =	vsub.f32 $2.000000000e+00, v22  }
0x25b: {  	v11 =	vmul.f32 v14, v11;
	v19 =	vmul.f32 v20, v19  }
0x25c: {  	v60 =	vmul.f32 v58, v12;
	v18 =	vmul.f32 v59, v21  }
0x25d: {  	v11 =	vsub.f32 $2.000000000e+00, v11;
	v61 =	vmul.f32 v19, v13  }
0x25e: {  	v12 =	vsub.f32 $2.000000000e+00, v60;
	v17 =	vmul.f32 v18, v17  }
0x25f: {  	v11 =	vmul.f32 v11, v14;
	v13 =	vsub.f32 $2.000000000e+00, v61  }
0x260: {  	v7 =	vmul.f32 v16, v7;
	v12 =	vmul.f32 v12, v58;
	v62 =	vsub.f32 $2.000000000e+00, v17  }
0x261: {  	v8 =	vmul.f32 v11, v8;
	v63 =	vmul.f32 v13, v19  }
0x262: {  	[tilespmem:s1+$0x2600] =	vst v7;
	v6 =	vmul.f32 v12, v6;
	v7 =	vmul.f32 v62, v18  }
0x263: {  	[tilespmem:s0+$0x2600] =	vst v8;
	v8 =	vmul.f32 v63, v9  }
0x264: {  	[tilespmem:s2+$0x2600] =	vst v6;
	v6 =	vmul.f32 v7, v10  }
0x265: {  	[tilespmem:s4+$0x2600] =	vst v8  }
0x266: {  	s0 =	simm.s32 $0x0;
	[tilespmem:s5+$0x2600] =	vst v6;
	v6 =	vimm.f32 $0.0e+00  }
.LBB2_10:
0x267: {  	s31 =	sshll.u32 s0, $0x4  }
0x268: {  	v8 =	vld [tilespmem:s31+$0x2600]  }
0x269: {  	s1 =	simm.s32 $0x0  }
0x26a: {  	v12 =	vld [tilespmem:s1+$0x2600];
	_ =	sdelay $0x1  }
0x26b: {  	v7 =	vld [tilespmem:s31+$0x1600]  }
0x26c: {  	[dreg:$0xd] =	wrdreg s0;
	s0 =	simm.s32 $0x40;
	v9 =	vimm.f32 $0.0e+00;
	v10 =	vimm.f32 $0.0e+00;
	v13 =	vld [tilespmem:s1+$0x1600];
	v11 =	vbroadcast v8, $0x0  }
.LBB2_11:
0x26d: {  	p1 =	sne.s32 s0, $0x3EC0  }
.Ltmp7:
0x26e: {  	s1 =	sshra.s32 s0, $0x2;
	s0 =	sadd.s32 $0x40, s0;
	v14 =	vmul.f32 v12, v11;
	(pc) =	sbr.rel @p1 .LBB2_11-.Ltmp7, $4  }
0x26f: {  	v12 =	vld [tilespmem:s1+$0x2600]  }
0x270: {  	vm0 =	vge.f32 v14, $8.999999760e-01  }
0x271: {  	v14 =	vsel vm0, $0x3F800000, v1;
	v15 =	vnsel vm0, $0x0, v13  }
0x272: {  	v13 =	vld [tilespmem:s1+$0x1600];
	v9 =	vadd.f32 v14, v9;
	v10 =	vadd.f32 v15, v10  }
0x273: {  	_ = 	snop  }
0x274: {  	v11 =	vmul.f32 v12, v11  }
0x275: {  	s1 =	simm.s32 $0x0  }
0x276: {  	v14 =	vld [tilespmem:s1+$0x2600];
	vm0 =	vge.f32 v11, $8.999999760e-01  }
0x277: {  	v11 =	vsel vm0, $0x3F800000, v1  }
0x278: {  	v12 =	vnsel vm0, $0x0, v13;
	v13 =	vbroadcast v8, $0x1;
	v9 =	vadd.f32 v11, v9  }
0x279: {  	s0 =	simm.s32 $0x40;
	v15 =	vld [tilespmem:s1+$0x1600];
	v10 =	vadd.f32 v12, v10;
	v11 =	vimm.f32 $0.0e+00;
	v12 =	vimm.f32 $0.0e+00  }
.LBB2_13:
0x27a: {  	p1 =	sne.s32 s0, $0x3EC0  }
.Ltmp8:
0x27b: {  	s1 =	sshra.s32 s0, $0x2;
	s0 =	sadd.s32 $0x40, s0;
	v16 =	vmul.f32 v14, v13;
	(pc) =	sbr.rel @p1 .LBB2_13-.Ltmp8, $4  }
0x27c: {  	v14 =	vld [tilespmem:s1+$0x2600]  }
0x27d: {  	vm0 =	vge.f32 v16, $8.999999760e-01  }
0x27e: {  	v16 =	vsel vm0, $0x3F800000, v1;
	v17 =	vnsel vm0, $0x0, v15  }
0x27f: {  	v15 =	vld [tilespmem:s1+$0x1600];
	v11 =	vadd.f32 v16, v11;
	v12 =	vadd.f32 v17, v12  }
0x280: {  	_ = 	snop  }
0x281: {  	v13 =	vmul.f32 v14, v13  }
0x282: {  	s1 =	simm.s32 $0x0  }
0x283: {  	v16 =	vld [tilespmem:s1+$0x2600];
	vm0 =	vge.f32 v13, $8.999999760e-01  }
0x284: {  	v13 =	vsel vm0, $0x3F800000, v1  }
0x285: {  	v14 =	vnsel vm0, $0x0, v15;
	v15 =	vimm.f32 $0.0e+00;
	v11 =	vadd.f32 v13, v11  }
0x286: {  	s0 =	simm.s32 $0x40;
	v17 =	vld [tilespmem:s1+$0x1600];
	v12 =	vadd.f32 v14, v12;
	v14 =	vbroadcast v8, $0x2;
	v13 =	vimm.f32 $0.0e+00  }
.LBB2_15:
0x287: {  	p1 =	sne.s32 s0, $0x3EC0  }
.Ltmp9:
0x288: {  	s1 =	sshra.s32 s0, $0x2;
	s0 =	sadd.s32 $0x40, s0;
	v18 =	vmul.f32 v16, v14;
	(pc) =	sbr.rel @p1 .LBB2_15-.Ltmp9, $4  }
0x289: {  	v16 =	vld [tilespmem:s1+$0x2600]  }
0x28a: {  	vm0 =	vge.f32 v18, $8.999999760e-01  }
0x28b: {  	v18 =	vsel vm0, $0x3F800000, v1;
	v19 =	vnsel vm0, $0x0, v17  }
0x28c: {  	v17 =	vld [tilespmem:s1+$0x1600];
	v13 =	vadd.f32 v18, v13;
	v15 =	vadd.f32 v19, v15  }
0x28d: {  	_ = 	snop  }
0x28e: {  	v14 =	vmul.f32 v16, v14  }
0x28f: {  	s1 =	simm.s32 $0x0  }
0x290: {  	v18 =	vld [tilespmem:s1+$0x2600];
	vm0 =	vge.f32 v14, $8.999999760e-01  }
0x291: {  	v14 =	vsel vm0, $0x3F800000, v1  }
0x292: {  	v16 =	vnsel vm0, $0x0, v17;
	v17 =	vimm.f32 $0.0e+00;
	v14 =	vadd.f32 v14, v13  }
0x293: {  	s0 =	simm.s32 $0x40;
	v19 =	vld [tilespmem:s1+$0x1600];
	v13 =	vadd.f32 v16, v15;
	v16 =	vbroadcast v8, $0x3;
	v15 =	vimm.f32 $0.0e+00  }
.LBB2_17:
0x294: {  	p1 =	sne.s32 s0, $0x3EC0  }
.Ltmp10:
0x295: {  	s1 =	sshra.s32 s0, $0x2;
	s0 =	sadd.s32 $0x40, s0;
	v20 =	vmul.f32 v18, v16;
	(pc) =	sbr.rel @p1 .LBB2_17-.Ltmp10, $4  }
0x296: {  	v18 =	vld [tilespmem:s1+$0x2600]  }
0x297: {  	vm0 =	vge.f32 v20, $8.999999760e-01  }
0x298: {  	v20 =	vsel vm0, $0x3F800000, v1;
	v21 =	vnsel vm0, $0x0, v19  }
0x299: {  	v19 =	vld [tilespmem:s1+$0x1600];
	v15 =	vadd.f32 v20, v15;
	v17 =	vadd.f32 v21, v17  }
0x29a: {  	_ = 	snop  }
0x29b: {  	v16 =	vmul.f32 v18, v16  }
0x29c: {  	s1 =	simm.s32 $0x0  }
0x29d: {  	v20 =	vld [tilespmem:s1+$0x2600];
	vm0 =	vge.f32 v16, $8.999999760e-01  }
0x29e: {  	v16 =	vsel vm0, $0x3F800000, v1  }
0x29f: {  	v18 =	vnsel vm0, $0x0, v19;
	v19 =	vimm.f32 $0.0e+00;
	v16 =	vadd.f32 v16, v15  }
0x2a0: {  	s0 =	simm.s32 $0x40;
	v21 =	vld [tilespmem:s1+$0x1600];
	v15 =	vadd.f32 v18, v17;
	v18 =	vbroadcast v8, $0x4;
	v17 =	vimm.f32 $0.0e+00  }
.LBB2_19:
0x2a1: {  	p1 =	sne.s32 s0, $0x3EC0  }
.Ltmp11:
0x2a2: {  	s1 =	sshra.s32 s0, $0x2;
	s0 =	sadd.s32 $0x40, s0;
	v22 =	vmul.f32 v20, v18;
	(pc) =	sbr.rel @p1 .LBB2_19-.Ltmp11, $4  }
0x2a3: {  	v20 =	vld [tilespmem:s1+$0x2600]  }
0x2a4: {  	vm0 =	vge.f32 v22, $8.999999760e-01  }
0x2a5: {  	v22 =	vsel vm0, $0x3F800000, v1;
	v23 =	vnsel vm0, $0x0, v21  }
0x2a6: {  	v21 =	vld [tilespmem:s1+$0x1600];
	v17 =	vadd.f32 v22, v17;
	v19 =	vadd.f32 v23, v19  }
0x2a7: {  	_ = 	snop  }
0x2a8: {  	v18 =	vmul.f32 v20, v18  }
0x2a9: {  	s1 =	simm.s32 $0x0  }
0x2aa: {  	v22 =	vld [tilespmem:s1+$0x2600];
	vm0 =	vge.f32 v18, $8.999999760e-01  }
0x2ab: {  	v18 =	vsel vm0, $0x3F800000, v1  }
0x2ac: {  	v20 =	vnsel vm0, $0x0, v21;
	v21 =	vimm.f32 $0.0e+00;
	v18 =	vadd.f32 v18, v17  }
0x2ad: {  	s0 =	simm.s32 $0x40;
	v23 =	vld [tilespmem:s1+$0x1600];
	v17 =	vadd.f32 v20, v19;
	v20 =	vbroadcast v8, $0x5;
	v19 =	vimm.f32 $0.0e+00  }
.LBB2_21:
0x2ae: {  	p1 =	sne.s32 s0, $0x3EC0  }
.Ltmp12:
0x2af: {  	s1 =	sshra.s32 s0, $0x2;
	s0 =	sadd.s32 $0x40, s0;
	v24 =	vmul.f32 v22, v20;
	(pc) =	sbr.rel @p1 .LBB2_21-.Ltmp12, $4  }
0x2b0: {  	v22 =	vld [tilespmem:s1+$0x2600]  }
0x2b1: {  	vm0 =	vge.f32 v24, $8.999999760e-01  }
0x2b2: {  	v24 =	vsel vm0, $0x3F800000, v1;
	v25 =	vnsel vm0, $0x0, v23  }
0x2b3: {  	v23 =	vld [tilespmem:s1+$0x1600];
	v19 =	vadd.f32 v24, v19;
	v21 =	vadd.f32 v25, v21  }
0x2b4: {  	_ = 	snop  }
0x2b5: {  	v20 =	vmul.f32 v22, v20  }
0x2b6: {  	s1 =	simm.s32 $0x0  }
0x2b7: {  	v24 =	vld [tilespmem:s1+$0x2600];
	vm0 =	vge.f32 v20, $8.999999760e-01  }
0x2b8: {  	v20 =	vsel vm0, $0x3F800000, v1  }
0x2b9: {  	v22 =	vnsel vm0, $0x0, v23;
	v23 =	vimm.f32 $0.0e+00;
	v20 =	vadd.f32 v20, v19  }
0x2ba: {  	s0 =	simm.s32 $0x40;
	v25 =	vld [tilespmem:s1+$0x1600];
	v19 =	vadd.f32 v22, v21;
	v22 =	vbroadcast v8, $0x6;
	v21 =	vimm.f32 $0.0e+00  }
.LBB2_23:
0x2bb: {  	p1 =	sne.s32 s0, $0x3EC0  }
.Ltmp13:
0x2bc: {  	s1 =	sshra.s32 s0, $0x2;
	s0 =	sadd.s32 $0x40, s0;
	v26 =	vmul.f32 v24, v22;
	(pc) =	sbr.rel @p1 .LBB2_23-.Ltmp13, $4  }
0x2bd: {  	v24 =	vld [tilespmem:s1+$0x2600]  }
0x2be: {  	vm0 =	vge.f32 v26, $8.999999760e-01  }
0x2bf: {  	v26 =	vsel vm0, $0x3F800000, v1;
	v27 =	vnsel vm0, $0x0, v25  }
0x2c0: {  	v25 =	vld [tilespmem:s1+$0x1600];
	v21 =	vadd.f32 v26, v21;
	v23 =	vadd.f32 v27, v23  }
0x2c1: {  	_ = 	snop  }
0x2c2: {  	v22 =	vmul.f32 v24, v22  }
0x2c3: {  	s1 =	simm.s32 $0x0  }
0x2c4: {  	v26 =	vld [tilespmem:s1+$0x2600];
	vm0 =	vge.f32 v22, $8.999999760e-01  }
0x2c5: {  	v22 =	vsel vm0, $0x3F800000, v1  }
0x2c6: {  	v24 =	vnsel vm0, $0x0, v25;
	v25 =	vimm.f32 $0.0e+00;
	v22 =	vadd.f32 v22, v21  }
0x2c7: {  	s0 =	simm.s32 $0x40;
	v27 =	vld [tilespmem:s1+$0x1600];
	v21 =	vadd.f32 v24, v23;
	v24 =	vbroadcast v8, $0x7;
	v23 =	vimm.f32 $0.0e+00  }
.LBB2_25:
0x2c8: {  	p1 =	sne.s32 s0, $0x3EC0  }
.Ltmp14:
0x2c9: {  	s1 =	sshra.s32 s0, $0x2;
	s0 =	sadd.s32 $0x40, s0;
	v28 =	vmul.f32 v26, v24;
	(pc) =	sbr.rel @p1 .LBB2_25-.Ltmp14, $4  }
0x2ca: {  	v26 =	vld [tilespmem:s1+$0x2600]  }
0x2cb: {  	vm0 =	vge.f32 v28, $8.999999760e-01  }
0x2cc: {  	v28 =	vsel vm0, $0x3F800000, v1;
	v29 =	vnsel vm0, $0x0, v27  }
0x2cd: {  	v27 =	vld [tilespmem:s1+$0x1600];
	v23 =	vadd.f32 v28, v23;
	v25 =	vadd.f32 v29, v25  }
0x2ce: {  	_ = 	snop  }
0x2cf: {  	v24 =	vmul.f32 v26, v24  }
0x2d0: {  	s1 =	simm.s32 $0x0  }
0x2d1: {  	v28 =	vld [tilespmem:s1+$0x2600];
	vm0 =	vge.f32 v24, $8.999999760e-01  }
0x2d2: {  	v24 =	vsel vm0, $0x3F800000, v1  }
0x2d3: {  	v26 =	vnsel vm0, $0x0, v27;
	v27 =	vimm.f32 $0.0e+00;
	v24 =	vadd.f32 v24, v23  }
0x2d4: {  	s0 =	simm.s32 $0x40;
	v29 =	vld [tilespmem:s1+$0x1600];
	v23 =	vadd.f32 v26, v25;
	v26 =	vbroadcast v8, $0x8;
	v25 =	vimm.f32 $0.0e+00  }
.LBB2_27:
0x2d5: {  	p1 =	sne.s32 s0, $0x3EC0  }
.Ltmp15:
0x2d6: {  	s1 =	sshra.s32 s0, $0x2;
	s0 =	sadd.s32 $0x40, s0;
	v30 =	vmul.f32 v28, v26;
	(pc) =	sbr.rel @p1 .LBB2_27-.Ltmp15, $4  }
0x2d7: {  	v28 =	vld [tilespmem:s1+$0x2600]  }
0x2d8: {  	vm0 =	vge.f32 v30, $8.999999760e-01  }
0x2d9: {  	v30 =	vsel vm0, $0x3F800000, v1;
	v31 =	vnsel vm0, $0x0, v29  }
0x2da: {  	v29 =	vld [tilespmem:s1+$0x1600];
	v25 =	vadd.f32 v30, v25;
	v27 =	vadd.f32 v31, v27  }
0x2db: {  	_ = 	snop  }
0x2dc: {  	v26 =	vmul.f32 v28, v26  }
0x2dd: {  	s1 =	simm.s32 $0x0  }
0x2de: {  	v30 =	vld [tilespmem:s1+$0x2600];
	vm0 =	vge.f32 v26, $8.999999760e-01  }
0x2df: {  	v26 =	vsel vm0, $0x3F800000, v1  }
0x2e0: {  	v28 =	vnsel vm0, $0x0, v29;
	v29 =	vimm.f32 $0.0e+00;
	v26 =	vadd.f32 v26, v25  }
0x2e1: {  	s0 =	simm.s32 $0x40;
	v31 =	vld [tilespmem:s1+$0x1600];
	v25 =	vadd.f32 v28, v27;
	v28 =	vbroadcast v8, $0x9;
	v27 =	vimm.f32 $0.0e+00  }
.LBB2_29:
0x2e2: {  	p1 =	sne.s32 s0, $0x3EC0  }
.Ltmp16:
0x2e3: {  	s1 =	sshra.s32 s0, $0x2;
	s0 =	sadd.s32 $0x40, s0;
	v32 =	vmul.f32 v30, v28;
	(pc) =	sbr.rel @p1 .LBB2_29-.Ltmp16, $4  }
0x2e4: {  	v30 =	vld [tilespmem:s1+$0x2600]  }
0x2e5: {  	vm0 =	vge.f32 v32, $8.999999760e-01  }
0x2e6: {  	v32 =	vsel vm0, $0x3F800000, v1;
	v33 =	vnsel vm0, $0x0, v31  }
0x2e7: {  	v31 =	vld [tilespmem:s1+$0x1600];
	v27 =	vadd.f32 v32, v27;
	v29 =	vadd.f32 v33, v29  }
0x2e8: {  	_ = 	snop  }
0x2e9: {  	v28 =	vmul.f32 v30, v28  }
0x2ea: {  	s1 =	simm.s32 $0x0  }
0x2eb: {  	v32 =	vld [tilespmem:s1+$0x2600];
	vm0 =	vge.f32 v28, $8.999999760e-01  }
0x2ec: {  	v28 =	vsel vm0, $0x3F800000, v1  }
0x2ed: {  	v30 =	vnsel vm0, $0x0, v31;
	v31 =	vimm.f32 $0.0e+00;
	v28 =	vadd.f32 v28, v27  }
0x2ee: {  	s0 =	simm.s32 $0x40;
	v33 =	vld [tilespmem:s1+$0x1600];
	v27 =	vadd.f32 v30, v29;
	v30 =	vbroadcast v8, $0xA;
	v29 =	vimm.f32 $0.0e+00  }
.LBB2_31:
0x2ef: {  	p1 =	sne.s32 s0, $0x3EC0  }
.Ltmp17:
0x2f0: {  	s1 =	sshra.s32 s0, $0x2;
	s0 =	sadd.s32 $0x40, s0;
	v34 =	vmul.f32 v32, v30;
	(pc) =	sbr.rel @p1 .LBB2_31-.Ltmp17, $4  }
0x2f1: {  	v32 =	vld [tilespmem:s1+$0x2600]  }
0x2f2: {  	vm0 =	vge.f32 v34, $8.999999760e-01  }
0x2f3: {  	v34 =	vsel vm0, $0x3F800000, v1;
	v35 =	vnsel vm0, $0x0, v33  }
0x2f4: {  	v33 =	vld [tilespmem:s1+$0x1600];
	v29 =	vadd.f32 v34, v29;
	v31 =	vadd.f32 v35, v31  }
0x2f5: {  	_ = 	snop  }
0x2f6: {  	s1 =	simm.s32 $0x0;
	v30 =	vmul.f32 v32, v30  }
0x2f7: {  	v34 =	vld [tilespmem:s1+$0x2600]  }
0x2f8: {  	v32 =	vimm.f32 $0.0e+00;
	vm0 =	vge.f32 v30, $8.999999760e-01  }
0x2f9: {  	v30 =	vsel vm0, $0x3F800000, v1;
	v63 =	vnsel vm0, $0x0, v33;
	v33 =	vbroadcast v8, $0xB  }
0x2fa: {  	s0 =	simm.s32 $0x40;
	v35 =	vld [tilespmem:s1+$0x1600];
	v30 =	vadd.f32 v30, v29;
	v29 =	vadd.f32 v63, v31;
	v31 =	vimm.f32 $0.0e+00  }
.LBB2_33:
0x2fb: {  	p1 =	sne.s32 s0, $0x3EC0  }
.Ltmp18:
0x2fc: {  	s1 =	sshra.s32 s0, $0x2;
	s0 =	sadd.s32 $0x40, s0;
	v36 =	vmul.f32 v34, v33;
	(pc) =	sbr.rel @p1 .LBB2_33-.Ltmp18, $4  }
0x2fd: {  	v34 =	vld [tilespmem:s1+$0x2600]  }
0x2fe: {  	vm0 =	vge.f32 v36, $8.999999760e-01  }
0x2ff: {  	v36 =	vsel vm0, $0x3F800000, v1;
	v37 =	vnsel vm0, $0x0, v35  }
0x300: {  	v35 =	vld [tilespmem:s1+$0x1600];
	v31 =	vadd.f32 v36, v31;
	v32 =	vadd.f32 v37, v32  }
0x301: {  	_ = 	snop  }
0x302: {  	v33 =	vmul.f32 v34, v33  }
0x303: {  	s1 =	simm.s32 $0x0  }
0x304: {  	v36 =	vld [tilespmem:s1+$0x2600];
	vm0 =	vge.f32 v33, $8.999999760e-01  }
0x305: {  	v33 =	vsel vm0, $0x3F800000, v1;
	v35 =	vnsel vm0, $0x0, v35  }
0x306: {  	v34 =	vadd.f32 v33, v31;
	v33 =	vadd.f32 v35, v32  }
0x307: {  	s0 =	simm.s32 $0x40;
	v37 =	vld [tilespmem:s1+$0x1600];
	v35 =	vbroadcast v8, $0xC;
	v31 =	vimm.f32 $0.0e+00;
	v32 =	vimm.f32 $0.0e+00  }
.LBB2_35:
0x308: {  	p1 =	sne.s32 s0, $0x3EC0  }
.Ltmp19:
0x309: {  	s1 =	sshra.s32 s0, $0x2;
	s0 =	sadd.s32 $0x40, s0;
	v38 =	vmul.f32 v36, v35;
	(pc) =	sbr.rel @p1 .LBB2_35-.Ltmp19, $4  }
0x30a: {  	v36 =	vld [tilespmem:s1+$0x2600]  }
0x30b: {  	vm0 =	vge.f32 v38, $8.999999760e-01  }
0x30c: {  	v38 =	vsel vm0, $0x3F800000, v1;
	v39 =	vnsel vm0, $0x0, v37  }
0x30d: {  	v37 =	vld [tilespmem:s1+$0x1600];
	v31 =	vadd.f32 v38, v31;
	v32 =	vadd.f32 v39, v32  }
0x30e: {  	_ = 	snop  }
0x30f: {  	v35 =	vmul.f32 v36, v35  }
0x310: {  	s1 =	simm.s32 $0x0  }
0x311: {  	v38 =	vld [tilespmem:s1+$0x2600];
	vm0 =	vge.f32 v35, $8.999999760e-01  }
0x312: {  	v35 =	vsel vm0, $0x3F800000, v1;
	v37 =	vnsel vm0, $0x0, v37  }
0x313: {  	v36 =	vadd.f32 v35, v31;
	v35 =	vadd.f32 v37, v32  }
0x314: {  	s0 =	simm.s32 $0x40;
	v39 =	vld [tilespmem:s1+$0x1600];
	v37 =	vbroadcast v8, $0xD;
	v31 =	vimm.f32 $0.0e+00;
	v32 =	vimm.f32 $0.0e+00  }
.LBB2_37:
0x315: {  	p1 =	sne.s32 s0, $0x3EC0  }
.Ltmp20:
0x316: {  	s1 =	sshra.s32 s0, $0x2;
	s0 =	sadd.s32 $0x40, s0;
	v40 =	vmul.f32 v38, v37;
	(pc) =	sbr.rel @p1 .LBB2_37-.Ltmp20, $4  }
0x317: {  	v38 =	vld [tilespmem:s1+$0x2600]  }
0x318: {  	vm0 =	vge.f32 v40, $8.999999760e-01  }
0x319: {  	v40 =	vsel vm0, $0x3F800000, v1;
	v41 =	vnsel vm0, $0x0, v39  }
0x31a: {  	v39 =	vld [tilespmem:s1+$0x1600];
	v31 =	vadd.f32 v40, v31;
	v32 =	vadd.f32 v41, v32  }
0x31b: {  	_ = 	snop  }
0x31c: {  	v37 =	vmul.f32 v38, v37  }
0x31d: {  	s1 =	simm.s32 $0x0  }
0x31e: {  	v40 =	vld [tilespmem:s1+$0x2600];
	vm0 =	vge.f32 v37, $8.999999760e-01  }
0x31f: {  	v37 =	vsel vm0, $0x3F800000, v1;
	v39 =	vnsel vm0, $0x0, v39  }
0x320: {  	v38 =	vadd.f32 v37, v31;
	v37 =	vadd.f32 v39, v32  }
0x321: {  	s0 =	simm.s32 $0x40;
	v41 =	vld [tilespmem:s1+$0x1600];
	v39 =	vbroadcast v8, $0xE;
	v31 =	vimm.f32 $0.0e+00;
	v32 =	vimm.f32 $0.0e+00  }
.LBB2_39:
0x322: {  	p1 =	sne.s32 s0, $0x3EC0  }
.Ltmp21:
0x323: {  	s1 =	sshra.s32 s0, $0x2;
	s0 =	sadd.s32 $0x40, s0;
	v42 =	vmul.f32 v40, v39;
	(pc) =	sbr.rel @p1 .LBB2_39-.Ltmp21, $4  }
0x324: {  	v40 =	vld [tilespmem:s1+$0x2600]  }
0x325: {  	vm0 =	vge.f32 v42, $8.999999760e-01  }
0x326: {  	v42 =	vsel vm0, $0x3F800000, v1;
	v43 =	vnsel vm0, $0x0, v41  }
0x327: {  	v41 =	vld [tilespmem:s1+$0x1600];
	v31 =	vadd.f32 v42, v31;
	v32 =	vadd.f32 v43, v32  }
0x328: {  	_ = 	snop  }
0x329: {  	v39 =	vmul.f32 v40, v39  }
0x32a: {  	s1 =	simm.s32 $0x0  }
0x32b: {  	v43 =	vld [tilespmem:s1+$0x2600];
	vm0 =	vge.f32 v39, $8.999999760e-01  }
0x32c: {  	v39 =	vsel vm0, $0x3F800000, v1  }
0x32d: {  	v42 =	vbroadcast v8, $0xF;
	v63 =	vnsel vm0, $0x0, v41;
	v41 =	vadd.f32 v39, v31  }
0x32e: {  	s0 =	simm.s32 $0x40;
	v40 =	vadd.f32 v63, v32;
	v39 =	vimm.f32 $0.0e+00;
	v32 =	vld [tilespmem:s1+$0x1600];
	v31 =	vimm.f32 $0.0e+00  }
.LBB2_41:
0x32f: {  	p1 =	sne.s32 s0, $0x3EC0  }
.Ltmp22:
0x330: {  	s1 =	sshra.s32 s0, $0x2;
	s0 =	sadd.s32 $0x40, s0;
	v44 =	vmul.f32 v43, v42;
	(pc) =	sbr.rel @p1 .LBB2_41-.Ltmp22, $4  }
0x331: {  	v43 =	vld [tilespmem:s1+$0x2600]  }
0x332: {  	vm0 =	vge.f32 v44, $8.999999760e-01  }
0x333: {  	v44 =	vsel vm0, $0x3F800000, v1;
	v45 =	vnsel vm0, $0x0, v32  }
0x334: {  	v32 =	vld [tilespmem:s1+$0x1600];
	v39 =	vadd.f32 v44, v39;
	v31 =	vadd.f32 v45, v31  }
0x335: {  	(xrf2) =	vadd.scan.msk.f32 $0xffff, v9  }
0x336: {  	(xrf2) =	vadd.scan.msk.f32 $0xffff, v10;
	_ =	sdelay $0x2  }
0x337: {  	(xrf2) =	vadd.scan.msk.f32 $0xffff, v11  }
0x338: {  	(xrf2) =	vadd.scan.msk.f32 $0xffff, v12;
	_ =	sdelay $0x2  }
0x339: {  	(xrf2) =	vadd.scan.msk.f32 $0xffff, v14  }
0x33a: {  	(v2sf) =	vpush v8, $0x0;
	(xrf2) =	vadd.scan.msk.f32 $0xffff, v13  }
0x33b: {  	(v2sf) =	vpush v7, $0x0;
	v9, _, _ =	vpop (xrf2)  }
0x33c: {  	(v2sf) =	vpush v9, $0xF;
	v14, _, _ =	vpop (xrf2)  }
0x33d: {  	(xrf2) =	vadd.scan.msk.f32 $0xffff, v16;
	(v2sf) =	vpush v14, $0xF  }
0x33e: {  	(xrf2) =	vadd.scan.msk.f32 $0xffff, v15;
	(v2sf) =	vpush v8, $0x1  }
0x33f: {  	v15, _, _ =	vpop (xrf2);
	(v2sf) =	vpush v7, $0x1  }
0x340: {  	v16, _, _ =	vpop (xrf2);
	(v2sf) =	vpush v15, $0xF  }
0x341: {  	(xrf2) =	vadd.scan.msk.f32 $0xffff, v18;
	(v2sf) =	vpush v16, $0xF  }
0x342: {  	(xrf2) =	vadd.scan.msk.f32 $0xffff, v17;
	(v2sf) =	vpush v8, $0x2  }
0x343: {  	v17, _, _ =	vpop (xrf2);
	(v2sf) =	vpush v7, $0x2  }
0x344: {  	v18, _, _ =	vpop (xrf2);
	(v2sf) =	vpush v17, $0xF  }
0x345: {  	(xrf2) =	vadd.scan.msk.f32 $0xffff, v20;
	(v2sf) =	vpush v18, $0xF  }
0x346: {  	(xrf2) =	vadd.scan.msk.f32 $0xffff, v19;
	(v2sf) =	vpush v8, $0x3  }
0x347: {  	v19, _, _ =	vpop (xrf2);
	(v2sf) =	vpush v7, $0x3  }
0x348: {  	v20, _, _ =	vpop (xrf2);
	(v2sf) =	vpush v19, $0xF  }
0x349: {  	s0 =	spop (v2sf);
	(xrf2) =	vadd.scan.msk.f32 $0xffff, v22;
	(v2sf) =	vpush v20, $0xF  }
0x34a: {  	s1 =	spop (v2sf);
	(xrf2) =	vadd.scan.msk.f32 $0xffff, v21;
	(v2sf) =	vpush v8, $0x4  }
0x34b: {  	v21, _, _ =	vpop (xrf2);
	s18 =	spop (v2sf);
	(v2sf) =	vpush v7, $0x4  }
0x34c: {  	s0 =	smul.f32 s0, s0;
	v22, _, _ =	vpop (xrf2);
	s19 =	spop (v2sf);
	(v2sf) =	vpush v21, $0xF  }
0x34d: {  	(xrf2) =	vadd.scan.msk.f32 $0xffff, v24;
	s5 =	spop (v2sf);
	(v2sf) =	vpush v22, $0xF  }
0x34e: {  	p0 =	sge.f32 s0, $8.999999760e-01;
	(xrf2) =	vadd.scan.msk.f32 $0xffff, v23;
	s20 =	spop (v2sf);
	(v2sf) =	vpush v8, $0x5  }
0x34f: {  	v23, _, _ =	vpop (xrf2);
	s21 =	spop (v2sf);
	(v2sf) =	vpush v7, $0x5  }
0x350: {  	s0 =	simm.s32 @!p0 $0x0;
	v24, _, _ =	vpop (xrf2);
	s22 =	spop (v2sf);
	(v2sf) =	vpush v23, $0xF  }
0x351: {  	[dreg:$0xe] =	wrdreg s1;
	s0 =	simm.s32 @p0 $0x1;
	s23 =	spop (v2sf);
	(v2sf) =	vpush v24, $0xF  }
0x352: {  	[smem:$0x7ED] =	sst s0;
	(xrf2) =	vadd.scan.msk.f32 $0xffff, v26;
	s2 =	spop (v2sf);
	(v2sf) =	vpush v8, $0x6  }
0x353: {  	(xrf2) =	vadd.scan.msk.f32 $0xffff, v25;
	[dreg:$0x1c] =	wrdreg s18;
	v25, _, _ =	vpop (xrf2);
	s24 =	spop (v2sf);
	(v2sf) =	vpush v7, $0x6  }
0x354: {  	[dreg:$0xf] =	wrdreg s19;
	v26, _, _ =	vpop (xrf2);
	s25 =	spop (v2sf);
	(v2sf) =	vpush v25, $0xF  }
0x355: {  	[dreg:$0x10] =	wrdreg s20;
	s19 =	spop (v2sf);
	(v2sf) =	vpush v26, $0xF  }
0x356: {  	[dreg:$0x1f] =	wrdreg s21;
	s26 =	spop (v2sf);
	(v2sf) =	vpush v8, $0x7  }
0x357: {  	(xrf2) =	vadd.scan.msk.f32 $0xffff, v28;
	[dreg:$0x11] =	wrdreg s22;
	v28, _, _ =	vpop (xrf2);
	s18 =	spop (v2sf);
	(v2sf) =	vpush v7, $0x7  }
0x358: {  	(xrf2) =	vadd.scan.msk.f32 $0xffff, v27;
	v44, _, _ =	vpop (xrf2);
	s1 =	smul.f32 s23, s23;
	s28 =	spop (v2sf);
	(v2sf) =	vpush v28, $0xF  }
0x359: {  	[dreg:$0x12] =	wrdreg s2;
	s15 =	spop (v2sf);
	(v2sf) =	vpush v44, $0xF  }
0x35a: {  	[smem:$0x7F1] =	sst s24;
	s29 =	spop (v2sf)  }
0x35b: {  	[dreg:$0x13] =	wrdreg s25;
	(v2sf) =	vpush v8, $0x8;
	s17 =	spop (v2sf)  }
0x35c: {  	(xrf2) =	vadd.scan.msk.f32 $0xffff, v30;
	s23 =	smul.f32 s19, s19;
	(v2sf) =	vpush v7, $0x8;
	s30 =	spop (v2sf)  }
0x35d: {  	(xrf2) =	vadd.scan.msk.f32 $0xffff, v29;
	v45, _, _ =	vpop (xrf2);
	[dreg:$0x14] =	wrdreg s26;
	s16 =	spop (v2sf)  }
0x35e: {  	v46, _, _ =	vpop (xrf2);
	[dreg:$0x15] =	wrdreg s28;
	(v2sf) =	vpush v45, $0xF;
	s31 =	spop (v2sf)  }
0x35f: {  	s26 =	smul.f32 s15, s15;
	(v2sf) =	vpush v46, $0xF;
	s14 =	spop (v2sf)  }
0x360: {  	[dreg:$0x16] =	wrdreg s29;
	(v2sf) =	vpush v8, $0x9;
	s4 =	spop (v2sf)  }
0x361: {  	(xrf2) =	vadd.scan.msk.f32 $0xffff, v34;
	v47, _, _ =	vpop (xrf2);
	[dreg:$0x17] =	wrdreg s30;
	(v2sf) =	vpush v7, $0x9;
	s21 =	spop (v2sf)  }
0x362: {  	(xrf2) =	vadd.scan.msk.f32 $0xffff, v33;
	v48, _, _ =	vpop (xrf2);
	s30 =	smul.f32 s16, s16;
	(v2sf) =	vpush v47, $0xF;
	s6 =	spop (v2sf)  }
0x363: {  	[dreg:$0x18] =	wrdreg s31;
	(v2sf) =	vpush v48, $0xF;
	s24 =	spop (v2sf)  }
0x364: {  	[dreg:$0x19] =	wrdreg s4;
	(v2sf) =	vpush v8, $0xA;
	s7 =	spop (v2sf)  }
0x365: {  	(xrf2) =	vadd.scan.msk.f32 $0xffff, v36;
	[dreg:$0x1a] =	wrdreg s6;
	(v2sf) =	vpush v7, $0xA;
	s25 =	spop (v2sf)  }
0x366: {  	(xrf2) =	vadd.scan.msk.f32 $0xffff, v35;
	v49, _, _ =	vpop (xrf2);
	[dreg:$0x1b] =	wrdreg s7;
	s8 =	spop (v2sf)  }
0x367: {  	v50, _, _ =	vpop (xrf2);
	(v2sf) =	vpush v49, $0xF;
	[dreg:$0x1d] =	wrdreg s8;
	s28 =	spop (v2sf)  }
0x368: {  	(v2sf) =	vpush v50, $0xF;
	s8 =	smul.f32 s5, s5;
	s9 =	spop (v2sf)  }
0x369: {  	(xrf2) =	vadd.scan.msk.f32 $0xffff, v38;
	s6 =	smul.f32 s21, s21;
	(v2sf) =	vpush v8, $0xB;
	[dreg:$0x1e] =	wrdreg s9  }
0x36a: {  	(xrf2) =	vadd.scan.msk.f32 $0xffff, v37;
	s2 =	spop (v2sf);
	p0 =	sge.f32 s8, $8.999999760e-01  }
0x36b: {  	v51, _, _ =	vpop (xrf2);
	(v2sf) =	vpush v7, $0xB;
	s8 =	smul.f32 s25, s25;
	s4 =	spop (v2sf)  }
0x36c: {  	v52, _, _ =	vpop (xrf2);
	(v2sf) =	vpush v51, $0xF;
	s2 =	smul.f32 s2, s2;
	[smem:$0x7F9] =	sst s4  }
0x36d: {  	v53 =	vmul.f32 v43, v42;
	(xrf2) =	vadd.scan.msk.f32 $0xffff, v41;
	(v2sf) =	vpush v52, $0xF;
	s31 =	spop (v2sf);
	s0 =	simm.s32 @!p0 $0x0;
	p3 =	sge.f32 s8, $8.999999760e-01  }
0x36e: {  	(xrf2) =	vadd.scan.msk.f32 $0xffff, v40;
	(v2sf) =	vpush v8, $0xC;
	s10 =	spop (v2sf);
	s0 =	simm.s32 @p0 $0x1;
	p0 =	sge.f32 s1, $8.999999760e-01  }
0x36f: {  	vm0 =	vge.f32 v53, $8.999999760e-01;
	v54, _, _ =	vpop (xrf2);
	(v2sf) =	vpush v7, $0xC;
	[smem:$0x7FB] =	sst s10;
	s11 =	spop (v2sf)  }
0x370: {  	v9 =	vsel vm0, $0x3F800000, v1;
	v55, _, _ =	vpop (xrf2);
	(v2sf) =	vpush v54, $0xF;
	[smem:$0x7EE] =	sst s0;
	s7 =	spop (v2sf)  }
0x371: {  	v9 =	vadd.f32 v9, v39;
	(v2sf) =	vpush v55, $0xF;
	s1 =	simm.s32 @!p0 $0x0;
	[smem:$0x7FA] =	sst s7;
	s22 =	spop (v2sf)  }
0x372: {  	(v2sf) =	vpush v8, $0xD;
	s1 =	simm.s32 @p0 $0x1;
	p0 =	sge.f32 s23, $8.999999760e-01;
	s9 =	spop (v2sf)  }
0x373: {  	(xrf2) =	vadd.scan.msk.f32 $0xffff, v9;
	v56, _, _ =	vpop (xrf2);
	(v2sf) =	vpush v7, $0xD;
	[smem:$0x7EF] =	sst s1;
	s10 =	spop (v2sf)  }
0x374: {  	v57, _, _ =	vpop (xrf2);
	(v2sf) =	vpush v56, $0xF;
	[smem:$0x7FD] =	sst s9;
	s1 =	simm.s32 @!p0 $0x0;
	s20 =	spop (v2sf)  }
0x375: {  	(v2sf) =	vpush v57, $0xF;
	s1 =	simm.s32 @p0 $0x1;
	p0 =	sge.f32 s26, $8.999999760e-01;
	s0 =	smul.f32 s10, s10  }
0x376: {  	(v2sf) =	vpush v8, $0xE;
	[smem:$0x7FC] =	sst s20;
	s12 =	spop (v2sf)  }
0x377: {  	v58, _, _ =	vpop (xrf2);
	(v2sf) =	vpush v7, $0xE;
	[smem:$0x7F0] =	sst s1;
	s20 =	spop (v2sf);
	s5 =	simm.s32 @!p0 $0x0  }
0x378: {  	v59, _, _ =	vpop (xrf2);
	(v2sf) =	vpush v58, $0xF;
	s29 =	spop (v2sf);
	s5 =	simm.s32 @p0 $0x1;
	p0 =	sge.f32 s30, $8.999999760e-01  }
0x379: {  	(v2sf) =	vpush v59, $0xF;
	s30 =	smul.f32 s11, s11;
	[smem:$0x7F2] =	sst s5  }
0x37a: {  	(v2sf) =	vpush v8, $0xF;
	s13 =	spop (v2sf);
	s1 =	smul.f32 s29, s29  }
0x37b: {  	s15 =	spop (v2sf);
	s5 =	simm.s32 @!p0 $0x0;
	p5 =	sge.f32 s30, $8.999999760e-01  }
0x37c: {  	s19 =	spop (v2sf);
	s5 =	simm.s32 @p0 $0x1;
	p0 =	sge.f32 s6, $8.999999760e-01  }
0x37d: {  	v8, _, _ =	vpop (xrf2);
	(v2sf) =	vpush v7, $0xF;
	[smem:$0x7F3] =	sst s5;
	s7 =	spop (v2sf)  }
0x37e: {  	(v2sf) =	vpush v8, $0xF;
	s6 =	simm.s32 @!p0 $0x0;
	s23 =	spop (v2sf);
	s4 =	smul.f32 s7, s7  }
0x37f: {  	s6 =	simm.s32 @p0 $0x1;
	s16 =	spop (v2sf);
	p0 =	sge.f32 s2, $8.999999760e-01  }
0x380: {  	[smem:$0x7F4] =	sst s6;
	s21 =	spop (v2sf)  }
0x381: {  	p2 =	sge.f32 s4, $8.999999760e-01;
	s9 =	spop (v2sf)  }
0x382: {  	s4 =	sld [smem:$0x7EE];
	s2 =	simm.s32 @!p0 $0x0;
	s26 =	spop (v2sf)  }
0x383: {  	s2 =	simm.s32 @p0 $0x1;
	p0 =	sge.f32 s0, $8.999999760e-01;
	s11 =	spop (v2sf)  }
0x384: {  	s7 =	smul.f32 s9, s9;
	s25 =	spop (v2sf)  }
0x385: {  	[smem:$0x7F5] =	sst s2;
	s0 =	simm.s32 @!p0 $0x0;
	s2 =	spop (v2sf)  }
0x386: {  	s0 =	simm.s32 @p0 $0x1;
	p0 =	sge.f32 s7, $8.999999760e-01;
	s30 =	spop (v2sf)  }
0x387: {  	s5 =	smul.f32 s2, s2;
	s10 =	spop (v2sf)  }
0x388: {  	[smem:$0x7F6] =	sst s0;
	s2 =	simm.s32 @!p0 $0x0;
	s29 =	spop (v2sf)  }
0x389: {  	s2 =	simm.s32 @p0 $0x1;
	p4 =	sge.f32 s5, $8.999999760e-01;
	s8 =	spop (v2sf)  }
0x38a: {  	[smem:$0x7F7] =	sst s2;
	s9 =	smul.f32 s8, s8  }
0x38b: {  	s2 =	sld [smem:$0x7ED];
	s0 =	simm.s32 @!p4 $0x0  }
0x38c: {  	s0 =	simm.s32 @p4 $0x1;
	p0 =	sge.f32 s9, $8.999999760e-01;
	s9 =	spop (v2sf)  }
0x38d: {  	s8 =	simm.f32 $1.000000000e+00;
	[smem:$0x7F8] =	sst s0;
	s6 =	spop (v2sf)  }
0x38e: {  	s8 =	simm.s32 @!p0 $0x0;
	p0 =	seq.s32 s2, $0x1;
	s2 =	sld [smem:$0x7EF]  }
0x38f: {  	s0 =	ssub.f32 s6, s8  }
0x390: {  	s7 =	simm.f32 $1.000000000e+00;
	s5 =	simm.f32 $1.000000000e+00;
	s6 =	rddreg [dreg:$0x1c]  }
0x391: {  	v8 =	vnsel vm0, $0x0, v32;
	s7 =	simm.s32 @!p0 $0x0;
	p0 =	seq.s32 s4, $0x1;
	s4 =	rddreg [dreg:$0x1f]  }
0x392: {  	v8 =	vadd.f32 v8, v31;
	s5 =	simm.s32 @!p0 $0x0;
	p0 =	seq.s32 s2, $0x1;
	s2 =	sld [smem:$0x7F0]  }
0x393: {  	p1 =	sge.f32 s1, $8.999999760e-01;
	s1 =	ssub.f32 s6, s7  }
0x394: {  	vm9 =	vcmask $0x300;
	(xrf2) =	vadd.scan.msk.f32 $0xffff, v8;
	s6 =	simm.f32 $1.000000000e+00;
	v8 =	vmov s0;
	s0 =	ssub.f32 s4, s5  }
0x395: {  	vm2 =	vcmask $0x704;
	s6 =	simm.s32 @!p0 $0x0;
	v8 =	vsel vm9, s1, v8;
	p0 =	seq.s32 s2, $0x1;
	s2 =	sld [smem:$0x7F1]  }
0x396: {  	v8 =	vsel vm2, s0, v8;
	s0 =	sld [smem:$0x7F2]  }
0x397: {  	s4 =	simm.f32 $1.000000000e+00  }
0x398: {  	s4 =	simm.s32 @!p0 $0x0;
	s1 =	ssub.f32 s2, s6  }
0x399: {  	vm14 =	vcmask $0xB08;
	p0 =	seq.s32 s0, $0x1;
	s0 =	ssub.f32 s18, s4  }
0x39a: {  	v8 =	vsel vm14, s1, v8;
	s1 =	sld [smem:$0x7F3]  }
0x39b: {  	vm2 =	vcmask $0xF0C  }
0x39c: {  	s2 =	simm.f32 $1.000000000e+00;
	v8 =	vsel vm2, s0, v8;
	s0 =	sld [smem:$0x7F4]  }
0x39d: {  	s18 =	simm.f32 $1.000000000e+00;
	s2 =	simm.s32 @!p0 $0x0;
	p0 =	seq.s32 s1, $0x1  }
0x39e: {  	s1 =	ssub.f32 s17, s2;
	s18 =	simm.s32 @!p0 $0x0  }
0x39f: {  	vm15 =	vcmask $0x1310;
	p0 =	seq.s32 s0, $0x1;
	s0 =	ssub.f32 s14, s18  }
0x3a0: {  	vm12 =	vcmask $0x1714;
	v8 =	vsel vm15, s1, v8  }
0x3a1: {  	s17 =	simm.f32 $1.000000000e+00;
	v8 =	vsel vm12, s0, v8;
	s0 =	sld [smem:$0x7F5]  }
0x3a2: {  	s17 =	simm.s32 @!p0 $0x0;
	s14 =	simm.f32 $1.000000000e+00  }
0x3a3: {  	s14 =	simm.s32 @!p3 $0x0;
	s1 =	ssub.f32 s24, s17  }
0x3a4: {  	vm11 =	vcmask $0x1B18;
	p0 =	seq.s32 s0, $0x1;
	s0 =	ssub.f32 s28, s14  }
0x3a5: {  	vm9 =	vcmask $0x1F1C;
	v8 =	vsel vm11, s1, v8  }
0x3a6: {  	v8 =	vsel vm9, s0, v8;
	s0 =	sld [smem:$0x7F6]  }
0x3a7: {  	s24 =	simm.f32 $1.000000000e+00;
	s28 =	simm.f32 $1.000000000e+00  }
0x3a8: {  	s24 =	simm.s32 @!p0 $0x0;
	s28 =	simm.s32 @!p5 $0x0  }
0x3a9: {  	v60, _, _ =	vpop (xrf2);
	s1 =	ssub.f32 s31, s24;
	s31 =	simm.f32 $1.000000000e+00;
	p0 =	seq.s32 s0, $0x1  }
0x3aa: {  	vm10 =	vcmask $0x2320;
	(v2sf) =	vpush v60, $0xF;
	s0 =	ssub.f32 s22, s28;
	s31 =	simm.s32 @!p0 $0x0  }
0x3ab: {  	vm3 =	vcmask $0x2724;
	v8 =	vsel vm10, s1, v8;
	s1 =	ssub.f32 s12, s31  }
0x3ac: {  	vm4 =	vcmask $0x2B28;
	v8 =	vsel vm3, s0, v8  }
0x3ad: {  	v8 =	vsel vm4, s1, v8;
	s1 =	sld [smem:$0x7F7]  }
0x3ae: {  	s22 =	simm.f32 $1.000000000e+00  }
0x3af: {  	s22 =	simm.s32 @!p1 $0x0  }
0x3b0: {  	s0 =	ssub.f32 s15, s22;
	s15 =	simm.f32 $1.000000000e+00;
	p0 =	seq.s32 s1, $0x1  }
0x3b1: {  	s15 =	simm.s32 @!p0 $0x0  }
0x3b2: {  	v8 =	vsel vm5, s0, v8;
	s0 =	ssub.f32 s11, s15  }
0x3b3: {  	s12 =	simm.f32 $1.000000000e+00;
	s11 =	sld [smem:$0x7F8]  }
0x3b4: {  	s12 =	simm.s32 @!p2 $0x0  }
0x3b5: {  	s1 =	ssub.f32 s16, s12  }
0x3b6: {  	p0 =	seq.s32 s11, $0x1;
	s11 =	smul.f32 s8, s9;
	s8 =	rddreg [dreg:$0xe]  }
0x3b7: {  	s16 =	simm.f32 $1.000000000e+00;
	v8 =	vsel vm6, s1, v8;
	s1 =	smul.f32 s7, s8;
	s8 =	rddreg [dreg:$0x12]  }
0x3b8: {  	s16 =	simm.s32 @!p0 $0x0;
	s7 =	rddreg [dreg:$0x16]  }
0x3b9: {  	s9 =	spop (v2sf);
	s10 =	ssub.f32 s10, s16  }
0x3ba: {  	v8 =	vsel vm7, s0, v8;
	s0 =	ssub.f32 s9, s11  }
0x3bb: {  	s11 =	rddreg [dreg:$0xf]  }
0x3bc: {  	s9 =	rddreg [dreg:$0x11]  }
0x3bd: {  	s6 =	smul.f32 s6, s8;
	s8 =	rddreg [dreg:$0x15]  }
0x3be: {  	s2 =	smul.f32 s2, s7;
	s7 =	sld [smem:$0x7F9]  }
0x3bf: {  	s1 =	ssub.f32 s11, s1  }
0x3c0: {  	vm2 =	vcmask $0x3B38;
	s11 =	rddreg [dreg:$0x13]  }
0x3c1: {  	v8 =	vsel vm2, s10, v8;
	s10 =	rddreg [dreg:$0x10]  }
0x3c2: {  	v61 =	vmov s0;
	s0 =	ssub.f32 s11, s6  }
0x3c3: {  	s11 =	rddreg [dreg:$0x1a]  }
0x3c4: {  	s6 =	rddreg [dreg:$0x1b]  }
0x3c5: {  	s5 =	smul.f32 s5, s10;
	s10 =	rddreg [dreg:$0x14]  }
0x3c6: {  	vm0 =	vgt.f32 v8, $0.0e+00;
	s4 =	smul.f32 s4, s10;
	s10 =	rddreg [dreg:$0x17]  }
0x3c7: {  	v8 =	vnsel vm0, $0x3F800000, v8;
	s5 =	ssub.f32 s9, s5  }
0x3c8: {  	(erf) = vrcp.f32 v8;
	s9 =	rddreg [dreg:$0x18]  }
0x3c9: {  	s2 =	ssub.f32 s10, s2  }
0x3ca: {  	vm13 =	vcmask $0x300;
	s10 =	sld [smem:$0x7FB]  }
0x3cb: {  	v9 =	vsel vm13, s1, v61;
	s1 =	ssub.f32 s8, s4  }
0x3cc: {  	s4 =	smul.f32 s18, s9;
	s18 =	rddreg [dreg:$0x1d]  }
0x3cd: {  	s8 =	rddreg [dreg:$0x1e]  }
0x3ce: {  	vm13 =	vcmask $0x704;
	s9 =	sld [smem:$0x7FA]  }
0x3cf: {  	v9 =	vsel vm13, s5, v9;
	s5 =	smul.f32 s17, s11;
	s17 =	rddreg [dreg:$0x19]  }
0x3d0: {  	s11 =	sld [smem:$0x7FC]  }
0x3d1: {  	vm13 =	vcmask $0xF0C;
	v9 =	vsel vm14, s0, v9;
	s0 =	ssub.f32 s17, s4;
	v62 =	vpop (erf)  }
0x3d2: {  	s4 =	smul.f32 s14, s18;
	s14 =	sld [smem:$0x7FD];
	v9 =	vsel vm13, s1, v9;
	v63 =	vmul.f32 v62, v8  }
0x3d3: {  	s1 =	ssub.f32 s6, s5;
	s5 =	smul.f32 s24, s7;
	v9 =	vsel vm15, s2, v9  }
0x3d4: {  	s2 =	ssub.f32 s8, s4;
	s4 =	smul.f32 s28, s9;
	v9 =	vsel vm12, s0, v9;
	v11 =	vsub.f32 $2.000000000e+00, v63  }
0x3d5: {  	s0 =	ssub.f32 s10, s5;
	s5 =	smul.f32 s31, s11;
	v9 =	vsel vm11, s1, v9  }
0x3d6: {  	s17 =	smul.f32 s22, s13;
	s1 =	ssub.f32 s14, s4;
	v9 =	vsel vm9, s2, v9;
	v10 =	vmul.f32 v11, v62  }
0x3d7: {  	s18 =	ssub.f32 s20, s5;
	s20 =	smul.f32 s12, s23;
	v9 =	vsel vm10, s0, v9  }
0x3d8: {  	s22 =	ssub.f32 s19, s17;
	s23 =	smul.f32 s15, s26;
	v9 =	vsel vm3, s1, v9;
	v8 =	vmul.f32 v10, v8  }
0x3d9: {  	s26 =	smul.f32 s16, s30;
	s24 =	ssub.f32 s21, s20;
	v9 =	vsel vm4, s18, v9  }
0x3da: {  	s28 =	ssub.f32 s25, s23;
	v9 =	vsel vm5, s22, v9;
	v8 =	vsub.f32 $2.000000000e+00, v8  }
0x3db: {  	s30 =	ssub.f32 s29, s26;
	v9 =	vsel vm6, s24, v9  }
0x3dc: {  	s31 =	rddreg [dreg:$0xd];
	v9 =	vsel vm7, s28, v9;
	v8 =	vmul.f32 v8, v10  }
0x3dd: {  	s0 =	sadd.s32 $0x1, s31;
	v9 =	vsel vm2, s30, v9  }
0x3de: {  	p0 =	sne.s32 s0, $0xFC;
	v8 =	vmul.f32 v8, v9  }
.Ltmp23:
0x3df: {  	_ = 	snop;
	(pc) =	sbr.rel @p0 .LBB2_10-.Ltmp23, $3  }
0x3e0: {  	v8 =	vnsel vm0, $0x0, v8  }
0x3e1: {  	v7 =	vadd.f32 v8, v7;
	_ =	sdelay $0x1  }
0x3e2: {  	v6 =	vadd.f32 v7, v6  }
0x3e3: {  	_ = 	snop  }
0x3e4: {  	(xrf2) =	vadd.scan.msk.f32 $0xffff, v6;
	_ =	sdelay $0x9  }
0x3e5: {  	v6, _, _ =	vpop (xrf2)  }
0x3e6: {  	(v2sf) =	vpush v6, $0xF;
	_ =	sdelay $0xa  }
.Ltmp24:
0x3e7: {  	_ = 	snop;
	(pc) =	sbr.rel .LBB2_45-.Ltmp24, $4  }
0x3e8: {  	_ = 	snop  }
0x3e9: {  	s4 =	rddreg [dreg:$0x1]  }
0x3ea: {  	s7 =	rddreg [dreg:$0x4]  }
0x3eb: {  	s5 =	rddreg [dreg:$0x5];
	s6 =	simm.s32 $0x1;
	s0 =	spop (v2sf)  }
.LBB2_47:
0x3ec: {  	_ =	sfence.sel $0x180000  }
0x3ed: {  	[bflag:$0x0] =	sbarrier.arrive $0xFFFF  }
0x3ee: {  	_ =	strace $0x90000047  }
0x3ef: {  	s0 =	stileid.u32;
	[bflag:$0x2] =	sbarrier.arrive $0xFFFF  }
0x3f0: {  	p0 =	sne.s32 s0, $0x0;
	s0 =	rddreg [dreg:$0x3]  }
0x3f1: {  	s0 =	sadd.s32 @!p0 $0x100000, s0  }
0x3f2: {  	[sflag:s0] =	ssyncadd.tile.s32 @!p0 $0x1;
	_ =	shalt  }
.Lfunc_end2:
_tile_overlayer_lowered:
.L_overlay_start_2:
0x3f3: {  	(tag) =	ssettag $0x2  }
0x3f4: {  	s0 =	rddreg [dreg:$0x0];
	s2 =	stileid.u32  }
0x3f5: {  	s1 =	rddreg [dreg:$0x1];
	p0 =	sne.s32 s2, $0x0  }
0x3f6: {  	s3 =	rddreg [dreg:$0x2];
	[bflag:$0x3] =	sbarrier.arrive $0xFFFF;
	s2 =	simm.s32 @!p0 $0x1C01  }
0x3f7: {  	[timem:s3], [sflag:s2] =	dma.local @!p0 [hbm:s0], s1  }
0x3f8: {  	s0 =	simm.s32 @!p0 $0x1  }
0x3f9: {  	_ =	swait.ge @!p0 [sflag:s0], s1  }
0x3fa: {  	s1 =	ssub.s32 @!p0 $0x0, s1;
	[sflag:s0] =	ssyncset.done @!p0 $0x0  }
0x3fb: {  	[sflag:s0] =	ssyncadd.s32 @!p0 s1  }
0x3fc: {  	[bflag:$0x3] =	sbarrier.arrive $0xFFFF  }
0x3fd: {  	_ =	shalt  }

</sc_bundles>
